<compile_context>
chip_gen: v7x
topology: tpu7x:2x2x1
jax: 0.10.2.dev20260603
libtpu: 0.0.44.dev20260713+nightly
codegen_flags: <defaults>
</compile_context>

<pallas_src>
import functools

import jax
import jax.numpy as jnp
from jax import lax
from jax.experimental import pallas as pl
from jax.experimental.pallas import tpu as pltpu
from jax.experimental.pallas import tpu_sc as plsc

N = 10000
E = 320000
D_IN = 128
H1 = 256
H2 = 32
C = 7
CPAD = 16

NSC = 2
NTL = 16
NW = NSC * NTL
EPT = E // NW
NP = N
RPT = NP // NTL

CH1, NCH1 = 80, 125
CH2, NCH2 = 125, 80

_MESH = dict(core_axis_name="c", subcore_axis_name="s",
             num_cores=NSC, num_subcores=NTL)


def _fill(ref, rows, width, value):
    vals = jnp.full((16,), value, jnp.float32)

    def body(i, _):
        for j in range(width // 16):
            ref[i, pl.ds(j * 16, 16)] = vals
        return 0

    lax.fori_loop(0, rows, body, 0)


def _deg_body(ei_hbm, out_hbm, acc, idx_d, ones, s0, s1):
    cid = lax.axis_index("c")
    sid = lax.axis_index("s")
    tid = cid * NTL + sid
    _fill(ones, CH2, 16, 0.0)
    for i in range(RPT // CH2):
        pltpu.sync_copy(ones, acc.at[pl.ds(sid * RPT + i * CH2, CH2)])
    _fill(ones, CH2, 16, 1.0)
    pltpu.sync_copy(ei_hbm.at[1, tid], idx_d)
    plsc.subcore_barrier()

    ssem = (s0, s1)

    def scat(c, b):
        pltpu.async_copy(ones, acc.at[idx_d.at[c]], ssem[b], add=True)

    def wait_s(b):
        pltpu.make_async_copy(ones, acc.at[idx_d.at[0]], ssem[b]).wait()

    scat(0, 0)
    scat(1, 1)

    def pair(q, _):
        c = 2 * q
        wait_s(0)
        scat(c, 0)
        wait_s(1)
        scat(c + 1, 1)
        return 0

    lax.fori_loop(1, NCH2 // 2 - 1, pair, 0)
    wait_s(0)
    pltpu.sync_copy(ones, acc.at[idx_d.at[NCH2 - 2]], add=True)
    wait_s(1)
    pltpu.sync_copy(ones, acc.at[idx_d.at[NCH2 - 1]], add=True)
    plsc.subcore_barrier()
    pltpu.sync_copy(acc.at[pl.ds(sid * RPT, RPT)],
                    out_hbm.at[cid, pl.ds(sid * RPT, RPT)])


_deg_kernel = functools.partial(
    pl.kernel,
    out_type=jax.ShapeDtypeStruct((NSC, NP, 16), jnp.float32),
    mesh=plsc.VectorSubcoreMesh(**_MESH),
    compiler_params=pltpu.CompilerParams(use_tc_tiling_on_sc=False),
    scratch_types=[
        pltpu.VMEM_SHARED((NP, 16), jnp.float32),
        pltpu.VMEM((NCH2, CH2), jnp.int32),
        pltpu.VMEM((CH2, 16), jnp.float32),
        pltpu.SemaphoreType.DMA,
        pltpu.SemaphoreType.DMA,
    ],
)(_deg_body)


def _make_agg(F, CH, NCH):
    full, rem = divmod(RPT, CH)

    def body(ei_hbm, xs_hbm, out_hbm,
             acc, idx_s, idx_d, rows_a, rows_b, sem_a, sem_b):
        cid = lax.axis_index("c")
        sid = lax.axis_index("s")
        tid = cid * NTL + sid
        pltpu.sync_copy(ei_hbm.at[0, tid], idx_s)
        pltpu.sync_copy(ei_hbm.at[1, tid], idx_d)
        pltpu.async_copy(xs_hbm.at[idx_s.at[0]], rows_a, sem_a)
        _fill(rows_b, CH, F, 0.0)
        for i in range(full):
            pltpu.sync_copy(rows_b, acc.at[pl.ds(sid * RPT + i * CH, CH)])
        if rem:
            pltpu.sync_copy(rows_b.at[pl.ds(0, rem)],
                            acc.at[pl.ds(sid * RPT + full * CH, rem)])
        pltpu.async_copy(xs_hbm.at[idx_s.at[1]], rows_b, sem_b)
        plsc.subcore_barrier()

        def pair(i, _):
            c = 2 * i
            pltpu.make_async_copy(xs_hbm.at[idx_s.at[c]], rows_a, sem_a).wait()
            pltpu.sync_copy(rows_a, acc.at[idx_d.at[c]], add=True)
            na = jnp.minimum(c + 2, NCH - 1)
            pltpu.async_copy(xs_hbm.at[idx_s.at[na]], rows_a, sem_a)
            pltpu.make_async_copy(xs_hbm.at[idx_s.at[c + 1]], rows_b, sem_b).wait()
            pltpu.sync_copy(rows_b, acc.at[idx_d.at[c + 1]], add=True)
            nb = jnp.minimum(c + 3, NCH - 1)
            pltpu.async_copy(xs_hbm.at[idx_s.at[nb]], rows_b, sem_b)
            return 0

        lax.fori_loop(0, NCH // 2, pair, 0)
        pltpu.make_async_copy(xs_hbm.at[idx_s.at[0]], rows_a, sem_a).wait()
        pltpu.make_async_copy(xs_hbm.at[idx_s.at[0]], rows_b, sem_b).wait()
        plsc.subcore_barrier()
        pltpu.sync_copy(acc.at[pl.ds(sid * RPT, RPT)],
                        out_hbm.at[cid, pl.ds(sid * RPT, RPT)])

    return functools.partial(
        pl.kernel,
        out_type=jax.ShapeDtypeStruct((NSC, NP, F), jnp.float32),
        mesh=plsc.VectorSubcoreMesh(**_MESH),
        compiler_params=pltpu.CompilerParams(use_tc_tiling_on_sc=False),
        scratch_types=[
            pltpu.VMEM_SHARED((NP, F), jnp.float32),
            pltpu.VMEM((NCH, CH), jnp.int32),
            pltpu.VMEM((NCH, CH), jnp.int32),
            pltpu.VMEM((CH, F), jnp.float32),
            pltpu.VMEM((CH, F), jnp.float32),
            pltpu.SemaphoreType.DMA,
            pltpu.SemaphoreType.DMA,
        ],
    )(body)


def _make_agg3(F, CH, NCH):
    full, rem = divmod(RPT, CH)

    def body(ei_hbm, xs_hbm, out_hbm,
             acc, idx_s, idx_d, r0, r1, r2, g0, g1, g2):
        rows = (r0, r1, r2)
        gsem = (g0, g1, g2)
        cid = lax.axis_index("c")
        sid = lax.axis_index("s")
        tid = cid * NTL + sid

        def gath(c, b):
            pltpu.async_copy(xs_hbm.at[idx_s.at[c]], rows[b], gsem[b])

        def wait_g(c, b):
            pltpu.make_async_copy(xs_hbm.at[idx_s.at[c]], rows[b],
                                  gsem[b]).wait()

        def scat(c, b):
            pltpu.sync_copy(rows[b], acc.at[idx_d.at[c]], add=True)

        pltpu.sync_copy(ei_hbm.at[0, tid], idx_s)
        pltpu.sync_copy(ei_hbm.at[1, tid], idx_d)
        gath(0, 0)
        gath(1, 1)
        _fill(r2, CH, F, 0.0)
        for i in range(full):
            pltpu.sync_copy(r2, acc.at[pl.ds(sid * RPT + i * CH, CH)])
        if rem:
            pltpu.sync_copy(r2.at[pl.ds(0, rem)],
                            acc.at[pl.ds(sid * RPT + full * CH, rem)])
        gath(2, 2)
        plsc.subcore_barrier()
        for c in range(3):
            wait_g(c, c); scat(c, c); gath(c + 3, c)

        def round_body(q, _):
            c0 = q * 3
            for b in range(3):
                c = c0 + b
                wait_g(c, b)
                scat(c, b)
                gath(c + 3, b)
            return 0

        lax.fori_loop(1, (NCH - 5) // 3, round_body, 0)
        T = NCH - 5
        wait_g(T, T % 3); scat(T, T % 3); gath(T + 3, T % 3)
        wait_g(T + 1, (T + 1) % 3); scat(T + 1, (T + 1) % 3)
        gath(T + 4, (T + 1) % 3)
        wait_g(T + 2, (T + 2) % 3); scat(T + 2, (T + 2) % 3)
        wait_g(T + 3, T % 3); scat(T + 3, T % 3)
        wait_g(T + 4, (T + 1) % 3); scat(T + 4, (T + 1) % 3)
        plsc.subcore_barrier()
        pltpu.sync_copy(acc.at[pl.ds(sid * RPT, RPT)],
                        out_hbm.at[cid, pl.ds(sid * RPT, RPT)])

    return functools.partial(
        pl.kernel,
        out_type=jax.ShapeDtypeStruct((NSC, NP, F), jnp.float32),
        mesh=plsc.VectorSubcoreMesh(**_MESH),
        compiler_params=pltpu.CompilerParams(use_tc_tiling_on_sc=False),
        scratch_types=(
            [pltpu.VMEM_SHARED((NP, F), jnp.float32),
             pltpu.VMEM((NCH, CH), jnp.int32),
             pltpu.VMEM((NCH, CH), jnp.int32)]
            + [pltpu.VMEM((CH, F), jnp.float32) for _ in range(3)]
            + [pltpu.SemaphoreType.DMA for _ in range(3)]
        ),
    )(body)


_agg128 = _make_agg3(D_IN, CH1, NCH1)
_agg32 = _make_agg(H2, CH2, NCH2)
_agg16 = _make_agg(CPAD, CH2, NCH2)


def _tc1_body(degp_ref, x_ref, dis_ref, xs_ref):
    degp = degp_ref[...]
    deg = degp[0, :, 0:1] + degp[1, :, 0:1] + 1.0
    dis = lax.rsqrt(deg)
    dis_ref[...] = dis
    xs_ref[...] = x_ref[...] * dis


_tc1 = pl.pallas_call(
    _tc1_body,
    out_shape=[
        jax.ShapeDtypeStruct((N, 1), jnp.float32),
        jax.ShapeDtypeStruct((N, D_IN), jnp.float32),
    ],
)


def _tc2_body(p_ref, xs_ref, dis_ref, W1_ref, b1_ref, W2_ref, t2s_ref):
    p = p_ref[...]
    dis = dis_ref[...]
    agg1 = (p[0, :N] + p[1, :N] + xs_ref[...]) * dis
    h1 = jnp.dot(agg1.astype(jnp.bfloat16), W1_ref[...].astype(jnp.bfloat16),
                 preferred_element_type=jnp.float32)
    h1 = jnp.maximum(h1 + b1_ref[...][None, :], 0.0)
    t2 = jnp.dot(h1.astype(jnp.bfloat16), W2_ref[...].astype(jnp.bfloat16),
                 preferred_element_type=jnp.float32)
    t2s_ref[...] = t2 * dis


_tc2 = pl.pallas_call(
    _tc2_body,
    out_shape=jax.ShapeDtypeStruct((N, H2), jnp.float32),
)


def _tc3_body(q_ref, t2s_ref, dis_ref, b2_ref, W3p_ref, t3s_ref):
    q = q_ref[...]
    dis = dis_ref[...]
    agg2 = (q[0, :N] + q[1, :N] + t2s_ref[...]) * dis
    h2 = jnp.maximum(agg2 + b2_ref[...][None, :], 0.0)
    t3 = jnp.dot(h2.astype(jnp.bfloat16), W3p_ref[...].astype(jnp.bfloat16),
                 preferred_element_type=jnp.float32)
    t3s_ref[...] = t3 * dis


_tc3 = pl.pallas_call(
    _tc3_body,
    out_shape=jax.ShapeDtypeStruct((N, CPAD), jnp.float32),
)


def _tc4_body(r_ref, t3s_ref, dis_ref, b3_ref, out_ref):
    r = r_ref[...]
    h3p = (r[0, :N] + r[1, :N] + t3s_ref[...]) * dis_ref[...]
    h3 = h3p[:, :C] + b3_ref[...][None, :]
    m = jnp.max(h3, axis=1, keepdims=True)
    e = jnp.exp(h3 - m)
    lse = jnp.log(jnp.sum(e, axis=1, keepdims=True)) + m
    out_ref[...] = h3 - lse


_tc4 = pl.pallas_call(
    _tc4_body,
    out_shape=jax.ShapeDtypeStruct((N, C), jnp.float32),
)


def kernel(x, edge_index, W1, b1, W2, b2, W3, b3):
    ei1 = edge_index.reshape(2, NW, NCH1, CH1)
    ei2 = edge_index.reshape(2, NW, NCH2, CH2)
    W3p = jnp.pad(W3, ((0, 0), (0, CPAD - C)))

    degp = _deg_kernel(ei2)
    dis, xs = _tc1(degp, x)
    p1 = _agg128(ei1, xs)
    t2s = _tc2(p1, xs, dis, W1, b1, W2)
    p2 = _agg32(ei2, t2s)
    t3s = _tc3(p2, t2s, dis, b2, W3p)
    p3 = _agg16(ei2, t3s)
    return _tc4(p3, t3s, dis, b3)

# --- scband reference (transcript-rebuilt; emitter-appended) ---
"""Pipeline reference for scband-pyg-net-9345848836097 (READ-ONLY COPY).

The authoritative reference and input builder live on the scoring server;
editing this copy changes nothing except your own understanding.
"""

import jax, jax.numpy as jnp
import numpy as np

N = 10000
E = 320000
D_IN = 128
H1 = 256
H2 = 32
C = 7


def gcn_conv(x, edge_index, W, b, n_nodes):
    # GCNConv: add self-loops, symmetric degree normalization, scatter-add aggregation
    src = edge_index[0]
    dst = edge_index[1]
    loop = jnp.arange(n_nodes, dtype=edge_index.dtype)
    src = jnp.concatenate([src, loop])
    dst = jnp.concatenate([dst, loop])
    ones = jnp.ones(src.shape[0], dtype=x.dtype)
    deg = jnp.zeros(n_nodes, dtype=x.dtype).at[dst].add(ones)
    deg_inv_sqrt = jnp.where(deg > 0, jax.lax.rsqrt(jnp.maximum(deg, 1e-12)), 0.0)
    norm = deg_inv_sqrt[src] * deg_inv_sqrt[dst]
    h = x @ W
    msg = h[src] * norm[:, None]
    out = jnp.zeros((n_nodes, W.shape[1]), dtype=x.dtype).at[dst].add(msg)
    return out + b


def setup_inputs(seed: int = 0) -> dict:
    key = jax.random.key(seed)
    ks = jax.random.split(key, 8)
    x = jax.random.normal(ks[0], (N, D_IN), dtype=jnp.float32)
    edge_index = jax.random.randint(ks[1], (2, E), 0, N, dtype=jnp.int32)
    W1 = jax.random.normal(ks[2], (D_IN, H1), dtype=jnp.float32) * (1.0 / np.sqrt(D_IN))
    b1 = jnp.zeros((H1,), dtype=jnp.float32)
    W2 = jax.random.normal(ks[3], (H1, H2), dtype=jnp.float32) * (1.0 / np.sqrt(H1))
    b2 = jnp.zeros((H2,), dtype=jnp.float32)
    W3 = jax.random.normal(ks[4], (H2, C), dtype=jnp.float32) * (1.0 / np.sqrt(H2))
    b3 = jnp.zeros((C,), dtype=jnp.float32)
    return {"x": x, "edge_index": edge_index, "W1": W1, "b1": b1, "W2": W2, "b2": b2, "W3": W3, "b3": b3}


def reference(x, edge_index, W1, b1, W2, b2, W3, b3):
    h1 = jax.nn.relu(gcn_conv(x, edge_index, W1, b1, N))
    h2 = jax.nn.relu(gcn_conv(h1, edge_index, W2, b2, N))
    h3 = gcn_conv(h2, edge_index, W3, b3, N)
    return jax.nn.log_softmax(h3, axis=1)

if __name__ == "__main__":
    import jax
    _d = setup_inputs()
    print(jax.jit(kernel)(*tuple(_d.values())))

</pallas_src>

<mosaic_0001>
#map = affine_map<(d0, d1) -> (0, 0, 0, 0)>
#map1 = affine_map<(d0, d1) -> (0, 0, 0)>
module attributes {stable_mosaic.version = 14 : i64} {
  func.func @_deg_body(%arg0: i32, %arg1: i32, %arg2: memref<2x32x80x125xi32, #tpu.memory_space<hbm>>, %arg3: memref<2x10000x16xf32, #tpu.memory_space<hbm>>, %arg4: memref<10000x16xf32, #tpu.memory_space<vmem_shared>>, %arg5: memref<80x125xi32, #tpu.memory_space<vmem>>, %arg6: memref<125x16xf32, #tpu.memory_space<vmem>>, %arg7: memref<!tpu.dma_semaphore, #tpu.memory_space<semaphore_mem>>, %arg8: memref<!tpu.dma_semaphore, #tpu.memory_space<semaphore_mem>>) attributes {dimension_semantics = [#tpu.dimension_semantics<core_parallel>, #tpu.dimension_semantics<subcore_parallel>], iteration_bounds = array<i64: 2, 16>, scalar_prefetch = 0 : i64, scratch_operands = 5 : i64, tpu.core_type = #tpu.core_type<sc_vector_subcore>, window_params = [{transform_indices = #map}, {transform_indices = #map1}]} {
    %mul3A = arith.constant 16 : i32
    %mul3A_0 = arith.muli %arg0, %mul3A : i32
    %add3A = arith.addi %mul3A_0, %arg1 : i32
    %broadcast_in_dim3A = arith.constant 0.000000e+00 : f32
    %broadcast_in_dim3A_1 = vector.broadcast %broadcast_in_dim3A : f32 to vector<16xf32>
    %scan3A = arith.constant 0 : i32
    %scan3A_2 = arith.constant 0 : i32
    %scan3A_3 = arith.constant 125 : i32
    %scan3A_4 = arith.addi %scan3A_2, %scan3A_3 : i32
    %scan3A_5 = arith.constant 1 : i32
    %scan3A_6 = scf.for %scan3A_77 = %scan3A_2 to %scan3A_4 step %scan3A_5 iter_args(%scan3A_78 = %scan3A) -> (i32)  : i32 {
      %swap3A = arith.index_cast %scan3A_77 : i32 to index
      %swap3A_79 = arith.constant 0 : index
      %swap3A_80 = tpu.vector_load %arg6[%swap3A, %swap3A_79] {strides = array<i32>} : memref<125x16xf32, #tpu.memory_space<vmem>>, vector<1x16xf32>,
      %swap3A_81 = vector.shape_cast %swap3A_80 : vector<1x16xf32> to vector<16xf32>
      %swap3A_82 = vector.shape_cast %broadcast_in_dim3A_1 : vector<16xf32> to vector<1x16xf32>
      tpu.vector_store %arg6[%swap3A, %swap3A_79], %swap3A_82 {strides = array<i32>} : memref<125x16xf32, #tpu.memory_space<vmem>>, vector<1x16xf32>,
      %scan3A_83 = arith.constant 0 : i32
      scf.yield %scan3A_83 : i32
    }
    %scan3A_7 = arith.constant 125 : i32
    %mul3A_8 = arith.constant 625 : i32
    %mul3A_9 = arith.muli %arg1, %mul3A_8 : i32
    %add3A_10 = arith.constant 0 : i32
    %add3A_11 = arith.addi %mul3A_9, %add3A_10 : i32
    "tpu.region"() ({
      %run_scoped3A_77 = tpu.sem_alloc : memref<!tpu.dma_semaphore, #tpu.memory_space<semaphore_mem>>
      %dma_start3A_78 = arith.constant 0 : i32
      %dma_start3A_79 = tpu.memref_slice %arg4[%add3A_11, %dma_start3A_78] : memref<10000x16xf32, #tpu.memory_space<vmem_shared>> -> memref<125x16xf32, #tpu.memory_space<vmem_shared>>
      %dma_start3A_80 = arith.constant 0 : i32
      %dma_start3A_81 = tpu.memref_slice %arg4[%add3A_11, %dma_start3A_80] : memref<10000x16xf32, #tpu.memory_space<vmem_shared>> -> memref<125x16xf32, #tpu.memory_space<vmem_shared>>
      tpu.enqueue_dma source(%arg6 : memref<125x16xf32, #tpu.memory_space<vmem>>) target(%dma_start3A_81 : memref<125x16xf32, #tpu.memory_space<vmem_shared>>) target_semaphore(%run_scoped3A_77 : memref<!tpu.dma_semaphore, #tpu.memory_space<semaphore_mem>>)
      %dma_wait3A_82 = arith.constant 0 : i32
      %dma_wait3A_83 = tpu.memref_slice %arg4[%add3A_11, %dma_wait3A_82] : memref<10000x16xf32, #tpu.memory_space<vmem_shared>> -> memref<125x16xf32, #tpu.memory_space<vmem_shared>>
      %dma_wait3A_84 = arith.constant 0 : i32
      %dma_wait3A_85 = tpu.memref_slice %arg4[%add3A_11, %dma_wait3A_84] : memref<10000x16xf32, #tpu.memory_space<vmem_shared>> -> memref<125x16xf32, #tpu.memory_space<vmem_shared>>
      tpu.wait_dma2 semaphore(%run_scoped3A_77 : memref<!tpu.dma_semaphore, #tpu.memory_space<semaphore_mem>>) src(%arg6 : memref<125x16xf32, #tpu.memory_space<vmem>>) dst(%dma_wait3A_85 : memref<125x16xf32, #tpu.memory_space<vmem_shared>>)
      tpu.yield
    }) : () -> ()
    %mul3A_12 = arith.constant 625 : i32
    %mul3A_13 = arith.muli %arg1, %mul3A_12 : i32
    %add3A_14 = arith.constant 125 : i32
    %add3A_15 = arith.addi %mul3A_13, %add3A_14 : i32
    "tpu.region"() ({
      %run_scoped3A_77 = tpu.sem_alloc : memref<!tpu.dma_semaphore, #tpu.memory_space<semaphore_mem>>
      %dma_start3A_78 = arith.constant 0 : i32
      %dma_start3A_79 = tpu.memref_slice %arg4[%add3A_15, %dma_start3A_78] : memref<10000x16xf32, #tpu.memory_space<vmem_shared>> -> memref<125x16xf32, #tpu.memory_space<vmem_shared>>
      %dma_start3A_80 = arith.constant 0 : i32
      %dma_start3A_81 = tpu.memref_slice %arg4[%add3A_15, %dma_start3A_80] : memref<10000x16xf32, #tpu.memory_space<vmem_shared>> -> memref<125x16xf32, #tpu.memory_space<vmem_shared>>
      tpu.enqueue_dma source(%arg6 : memref<125x16xf32, #tpu.memory_space<vmem>>) target(%dma_start3A_81 : memref<125x16xf32, #tpu.memory_space<vmem_shared>>) target_semaphore(%run_scoped3A_77 : memref<!tpu.dma_semaphore, #tpu.memory_space<semaphore_mem>>)
      %dma_wait3A_82 = arith.constant 0 : i32
      %dma_wait3A_83 = tpu.memref_slice %arg4[%add3A_15, %dma_wait3A_82] : memref<10000x16xf32, #tpu.memory_space<vmem_shared>> -> memref<125x16xf32, #tpu.memory_space<vmem_shared>>
      %dma_wait3A_84 = arith.constant 0 : i32
      %dma_wait3A_85 = tpu.memref_slice %arg4[%add3A_15, %dma_wait3A_84] : memref<10000x16xf32, #tpu.memory_space<vmem_shared>> -> memref<125x16xf32, #tpu.memory_space<vmem_shared>>
      tpu.wait_dma2 semaphore(%run_scoped3A_77 : memref<!tpu.dma_semaphore, #tpu.memory_space<semaphore_mem>>) src(%arg6 : memref<125x16xf32, #tpu.memory_space<vmem>>) dst(%dma_wait3A_85 : memref<125x16xf32, #tpu.memory_space<vmem_shared>>)
      tpu.yield
    }) : () -> ()
    %mul3A_16 = arith.constant 625 : i32
    %mul3A_17 = arith.muli %arg1, %mul3A_16 : i32
    %add3A_18 = arith.constant 250 : i32
    %add3A_19 = arith.addi %mul3A_17, %add3A_18 : i32
    "tpu.region"() ({
      %run_scoped3A_77 = tpu.sem_alloc : memref<!tpu.dma_semaphore, #tpu.memory_space<semaphore_mem>>
      %dma_start3A_78 = arith.constant 0 : i32
      %dma_start3A_79 = tpu.memref_slice %arg4[%add3A_19, %dma_start3A_78] : memref<10000x16xf32, #tpu.memory_space<vmem_shared>> -> memref<125x16xf32, #tpu.memory_space<vmem_shared>>
      %dma_start3A_80 = arith.constant 0 : i32
      %dma_start3A_81 = tpu.memref_slice %arg4[%add3A_19, %dma_start3A_80] : memref<10000x16xf32, #tpu.memory_space<vmem_shared>> -> memref<125x16xf32, #tpu.memory_space<vmem_shared>>
      tpu.enqueue_dma source(%arg6 : memref<125x16xf32, #tpu.memory_space<vmem>>) target(%dma_start3A_81 : memref<125x16xf32, #tpu.memory_space<vmem_shared>>) target_semaphore(%run_scoped3A_77 : memref<!tpu.dma_semaphore, #tpu.memory_space<semaphore_mem>>)
      %dma_wait3A_82 = arith.constant 0 : i32
      %dma_wait3A_83 = tpu.memref_slice %arg4[%add3A_19, %dma_wait3A_82] : memref<10000x16xf32, #tpu.memory_space<vmem_shared>> -> memref<125x16xf32, #tpu.memory_space<vmem_shared>>
      %dma_wait3A_84 = arith.constant 0 : i32
      %dma_wait3A_85 = tpu.memref_slice %arg4[%add3A_19, %dma_wait3A_84] : memref<10000x16xf32, #tpu.memory_space<vmem_shared>> -> memref<125x16xf32, #tpu.memory_space<vmem_shared>>
      tpu.wait_dma2 semaphore(%run_scoped3A_77 : memref<!tpu.dma_semaphore, #tpu.memory_space<semaphore_mem>>) src(%arg6 : memref<125x16xf32, #tpu.memory_space<vmem>>) dst(%dma_wait3A_85 : memref<125x16xf32, #tpu.memory_space<vmem_shared>>)
      tpu.yield
    }) : () -> ()
    %mul3A_20 = arith.constant 625 : i32
    %mul3A_21 = arith.muli %arg1, %mul3A_20 : i32
    %add3A_22 = arith.constant 375 : i32
    %add3A_23 = arith.addi %mul3A_21, %add3A_22 : i32
    "tpu.region"() ({
      %run_scoped3A_77 = tpu.sem_alloc : memref<!tpu.dma_semaphore, #tpu.memory_space<semaphore_mem>>
      %dma_start3A_78 = arith.constant 0 : i32
      %dma_start3A_79 = tpu.memref_slice %arg4[%add3A_23, %dma_start3A_78] : memref<10000x16xf32, #tpu.memory_space<vmem_shared>> -> memref<125x16xf32, #tpu.memory_space<vmem_shared>>
      %dma_start3A_80 = arith.constant 0 : i32
      %dma_start3A_81 = tpu.memref_slice %arg4[%add3A_23, %dma_start3A_80] : memref<10000x16xf32, #tpu.memory_space<vmem_shared>> -> memref<125x16xf32, #tpu.memory_space<vmem_shared>>
      tpu.enqueue_dma source(%arg6 : memref<125x16xf32, #tpu.memory_space<vmem>>) target(%dma_start3A_81 : memref<125x16xf32, #tpu.memory_space<vmem_shared>>) target_semaphore(%run_scoped3A_77 : memref<!tpu.dma_semaphore, #tpu.memory_space<semaphore_mem>>)
      %dma_wait3A_82 = arith.constant 0 : i32
      %dma_wait3A_83 = tpu.memref_slice %arg4[%add3A_23, %dma_wait3A_82] : memref<10000x16xf32, #tpu.memory_space<vmem_shared>> -> memref<125x16xf32, #tpu.memory_space<vmem_shared>>
      %dma_wait3A_84 = arith.constant 0 : i32
      %dma_wait3A_85 = tpu.memref_slice %arg4[%add3A_23, %dma_wait3A_84] : memref<10000x16xf32, #tpu.memory_space<vmem_shared>> -> memref<125x16xf32, #tpu.memory_space<vmem_shared>>
      tpu.wait_dma2 semaphore(%run_scoped3A_77 : memref<!tpu.dma_semaphore, #tpu.memory_space<semaphore_mem>>) src(%arg6 : memref<125x16xf32, #tpu.memory_space<vmem>>) dst(%dma_wait3A_85 : memref<125x16xf32, #tpu.memory_space<vmem_shared>>)
      tpu.yield
    }) : () -> ()
    %mul3A_24 = arith.constant 625 : i32
    %mul3A_25 = arith.muli %arg1, %mul3A_24 : i32
    %add3A_26 = arith.constant 500 : i32
    %add3A_27 = arith.addi %mul3A_25, %add3A_26 : i32
    "tpu.region"() ({
      %run_scoped3A_77 = tpu.sem_alloc : memref<!tpu.dma_semaphore, #tpu.memory_space<semaphore_mem>>
      %dma_start3A_78 = arith.constant 0 : i32
      %dma_start3A_79 = tpu.memref_slice %arg4[%add3A_27, %dma_start3A_78] : memref<10000x16xf32, #tpu.memory_space<vmem_shared>> -> memref<125x16xf32, #tpu.memory_space<vmem_shared>>
      %dma_start3A_80 = arith.constant 0 : i32
      %dma_start3A_81 = tpu.memref_slice %arg4[%add3A_27, %dma_start3A_80] : memref<10000x16xf32, #tpu.memory_space<vmem_shared>> -> memref<125x16xf32, #tpu.memory_space<vmem_shared>>
      tpu.enqueue_dma source(%arg6 : memref<125x16xf32, #tpu.memory_space<vmem>>) target(%dma_start3A_81 : memref<125x16xf32, #tpu.memory_space<vmem_shared>>) target_semaphore(%run_scoped3A_77 : memref<!tpu.dma_semaphore, #tpu.memory_space<semaphore_mem>>)
      %dma_wait3A_82 = arith.constant 0 : i32
      %dma_wait3A_83 = tpu.memref_slice %arg4[%add3A_27, %dma_wait3A_82] : memref<10000x16xf32, #tpu.memory_space<vmem_shared>> -> memref<125x16xf32, #tpu.memory_space<vmem_shared>>
      %dma_wait3A_84 = arith.constant 0 : i32
      %dma_wait3A_85 = tpu.memref_slice %arg4[%add3A_27, %dma_wait3A_84] : memref<10000x16xf32, #tpu.memory_space<vmem_shared>> -> memref<125x16xf32, #tpu.memory_space<vmem_shared>>
      tpu.wait_dma2 semaphore(%run_scoped3A_77 : memref<!tpu.dma_semaphore, #tpu.memory_space<semaphore_mem>>) src(%arg6 : memref<125x16xf32, #tpu.memory_space<vmem>>) dst(%dma_wait3A_85 : memref<125x16xf32, #tpu.memory_space<vmem_shared>>)
      tpu.yield
    }) : () -> ()
    %broadcast_in_dim3A_28 = arith.constant 1.000000e+00 : f32
    %broadcast_in_dim3A_29 = vector.broadcast %broadcast_in_dim3A_28 : f32 to vector<16xf32>
    %scan3A_30 = arith.constant 0 : i32
    %scan3A_31 = arith.constant 0 : i32
    %scan3A_32 = arith.constant 125 : i32
    %scan3A_33 = arith.addi %scan3A_31, %scan3A_32 : i32
    %scan3A_34 = arith.constant 1 : i32
    %scan3A_35 = scf.for %scan3A_77 = %scan3A_31 to %scan3A_33 step %scan3A_34 iter_args(%scan3A_78 = %scan3A_30) -> (i32)  : i32 {
      %swap3A = arith.index_cast %scan3A_77 : i32 to index
      %swap3A_79 = arith.constant 0 : index
      %swap3A_80 = tpu.vector_load %arg6[%swap3A, %swap3A_79] {strides = array<i32>} : memref<125x16xf32, #tpu.memory_space<vmem>>, vector<1x16xf32>,
      %swap3A_81 = vector.shape_cast %swap3A_80 : vector<1x16xf32> to vector<16xf32>
      %swap3A_82 = vector.shape_cast %broadcast_in_dim3A_29 : vector<16xf32> to vector<1x16xf32>
      tpu.vector_store %arg6[%swap3A, %swap3A_79], %swap3A_82 {strides = array<i32>} : memref<125x16xf32, #tpu.memory_space<vmem>>, vector<1x16xf32>,
      %scan3A_83 = arith.constant 0 : i32
      scf.yield %scan3A_83 : i32
    }
    %scan3A_36 = arith.constant 125 : i32
    %run_scoped3A = arith.constant 1 : i32
    "tpu.region"() ({
      %run_scoped3A_77 = tpu.sem_alloc : memref<!tpu.dma_semaphore, #tpu.memory_space<semaphore_mem>>
      %dma_start3A_78 = arith.constant 0 : i32
      %dma_start3A_79 = arith.constant 0 : i32
      %dma_start3A_80 = tpu.memref_slice %arg2[%run_scoped3A, %add3A, %dma_start3A_78, %dma_start3A_79] : memref<2x32x80x125xi32, #tpu.memory_space<hbm>> -> memref<1x1x80x125xi32, #tpu.memory_space<hbm>>
      %dma_start3A_81 = tpu.memref_squeeze %dma_start3A_80 : memref<1x1x80x125xi32, #tpu.memory_space<hbm>> -> memref<80x125xi32, #tpu.memory_space<hbm>>
      %dma_start3A_82 = arith.constant 0 : i32
      %dma_start3A_83 = arith.constant 0 : i32
      %dma_start3A_84 = tpu.memref_slice %arg2[%run_scoped3A, %add3A, %dma_start3A_82, %dma_start3A_83] : memref<2x32x80x125xi32, #tpu.memory_space<hbm>> -> memref<1x1x80x125xi32, #tpu.memory_space<hbm>>
      %dma_start3A_85 = tpu.memref_squeeze %dma_start3A_84 : memref<1x1x80x125xi32, #tpu.memory_space<hbm>> -> memref<80x125xi32, #tpu.memory_space<hbm>>
      tpu.enqueue_dma source(%dma_start3A_85 : memref<80x125xi32, #tpu.memory_space<hbm>>) target(%arg5 : memref<80x125xi32, #tpu.memory_space<vmem>>) target_semaphore(%run_scoped3A_77 : memref<!tpu.dma_semaphore, #tpu.memory_space<semaphore_mem>>)
      %dma_wait3A_86 = arith.constant 0 : i32
      %dma_wait3A_87 = arith.constant 0 : i32
      %dma_wait3A_88 = tpu.memref_slice %arg2[%run_scoped3A, %add3A, %dma_wait3A_86, %dma_wait3A_87] : memref<2x32x80x125xi32, #tpu.memory_space<hbm>> -> memref<1x1x80x125xi32, #tpu.memory_space<hbm>>
      %dma_wait3A_89 = tpu.memref_squeeze %dma_wait3A_88 : memref<1x1x80x125xi32, #tpu.memory_space<hbm>> -> memref<80x125xi32, #tpu.memory_space<hbm>>
      %dma_wait3A_90 = arith.constant 0 : i32
      %dma_wait3A_91 = arith.constant 0 : i32
      %dma_wait3A_92 = tpu.memref_slice %arg2[%run_scoped3A, %add3A, %dma_wait3A_90, %dma_wait3A_91] : memref<2x32x80x125xi32, #tpu.memory_space<hbm>> -> memref<1x1x80x125xi32, #tpu.memory_space<hbm>>
      %dma_wait3A_93 = tpu.memref_squeeze %dma_wait3A_92 : memref<1x1x80x125xi32, #tpu.memory_space<hbm>> -> memref<80x125xi32, #tpu.memory_space<hbm>>
      tpu.wait_dma2 semaphore(%run_scoped3A_77 : memref<!tpu.dma_semaphore, #tpu.memory_space<semaphore_mem>>) src(%dma_wait3A_93 : memref<80x125xi32, #tpu.memory_space<hbm>>) dst(%arg5 : memref<80x125xi32, #tpu.memory_space<vmem>>)
      tpu.yield
    }) : () -> ()
    %barrier3A = arith.constant 0 : index
    tpu.barrier barrier_id(%barrier3A)
    %dma_start3A = arith.constant 0 : i32
    %dma_start3A_37 = arith.constant 0 : i32
    %dma_start3A_38 = tpu.memref_slice %arg5[%dma_start3A, %dma_start3A_37] : memref<80x125xi32, #tpu.memory_space<vmem>> -> memref<1x125xi32, #tpu.memory_space<vmem>>
    %dma_start3A_39 = tpu.memref_squeeze %dma_start3A_38 : memref<1x125xi32, #tpu.memory_space<vmem>> -> memref<125xi32, #tpu.memory_space<vmem>>
    %dma_start3A_40 = arith.constant 0 : i32
    %dma_start3A_41 = arith.constant 0 : i32
    %dma_start3A_42 = tpu.memref_slice %arg4[%dma_start3A_40, %dma_start3A_41] : memref<10000x16xf32, #tpu.memory_space<vmem_shared>> -> memref<10000x16xf32, #tpu.memory_space<vmem_shared>>
    tpu.enqueue_indirect_dma source(%arg6 : memref<125x16xf32, #tpu.memory_space<vmem>>) target(%dma_start3A_42 : memref<10000x16xf32, #tpu.memory_space<vmem_shared>>) offsets(%dma_start3A_39 : memref<125xi32, #tpu.memory_space<vmem>>) semaphore(%arg7 : memref<!tpu.dma_semaphore, #tpu.memory_space<semaphore_mem>>) {add = true}
    %dma_start3A_43 = arith.constant 1 : i32
    %dma_start3A_44 = arith.constant 0 : i32
    %dma_start3A_45 = tpu.memref_slice %arg5[%dma_start3A_43, %dma_start3A_44] : memref<80x125xi32, #tpu.memory_space<vmem>> -> memref<1x125xi32, #tpu.memory_space<vmem>>
    %dma_start3A_46 = tpu.memref_squeeze %dma_start3A_45 : memref<1x125xi32, #tpu.memory_space<vmem>> -> memref<125xi32, #tpu.memory_space<vmem>>
    %dma_start3A_47 = arith.constant 0 : i32
    %dma_start3A_48 = arith.constant 0 : i32
    %dma_start3A_49 = tpu.memref_slice %arg4[%dma_start3A_47, %dma_start3A_48] : memref<10000x16xf32, #tpu.memory_space<vmem_shared>> -> memref<10000x16xf32, #tpu.memory_space<vmem_shared>>
    tpu.enqueue_indirect_dma source(%arg6 : memref<125x16xf32, #tpu.memory_space<vmem>>) target(%dma_start3A_49 : memref<10000x16xf32, #tpu.memory_space<vmem_shared>>) offsets(%dma_start3A_46 : memref<125xi32, #tpu.memory_space<vmem>>) semaphore(%arg8 : memref<!tpu.dma_semaphore, #tpu.memory_space<semaphore_mem>>) {add = true}
    %scan3A_50 = arith.constant 0 : i32
    %scan3A_51 = arith.constant 1 : i32
    %scan3A_52 = arith.constant 38 : i32
    %scan3A_53 = arith.addi %scan3A_51, %scan3A_52 : i32
    %scan3A_54 = arith.constant 1 : i32
    %scan3A_55 = scf.for %scan3A_77 = %scan3A_51 to %scan3A_53 step %scan3A_54 iter_args(%scan3A_78 = %scan3A_50) -> (i32)  : i32 {
      %mul3A_79 = arith.constant 2 : i32
      %mul3A_80 = arith.muli %mul3A_79, %scan3A_77 : i32
      %dma_wait3A_81 = arith.constant 0 : i32
      %dma_wait3A_82 = arith.constant 0 : i32
      %dma_wait3A_83 = tpu.memref_slice %arg5[%dma_wait3A_81, %dma_wait3A_82] : memref<80x125xi32, #tpu.memory_space<vmem>> -> memref<1x125xi32, #tpu.memory_space<vmem>>
      %dma_wait3A_84 = tpu.memref_squeeze %dma_wait3A_83 : memref<1x125xi32, #tpu.memory_space<vmem>> -> memref<125xi32, #tpu.memory_space<vmem>>
      %dma_wait3A_85 = arith.constant 0 : i32
      %dma_wait3A_86 = arith.constant 0 : i32
      %dma_wait3A_87 = tpu.memref_slice %arg4[%dma_wait3A_85, %dma_wait3A_86] : memref<10000x16xf32, #tpu.memory_space<vmem_shared>> -> memref<10000x16xf32, #tpu.memory_space<vmem_shared>>
      tpu.wait_indirect_dma semaphore(%arg7 : memref<!tpu.dma_semaphore, #tpu.memory_space<semaphore_mem>>) src(%arg6 : memref<125x16xf32, #tpu.memory_space<vmem>>) dst(%dma_wait3A_87 : memref<10000x16xf32, #tpu.memory_space<vmem_shared>>)
      %dma_start3A_88 = arith.constant 0 : i32
      %dma_start3A_89 = tpu.memref_slice %arg5[%mul3A_80, %dma_start3A_88] : memref<80x125xi32, #tpu.memory_space<vmem>> -> memref<1x125xi32, #tpu.memory_space<vmem>>
      %dma_start3A_90 = tpu.memref_squeeze %dma_start3A_89 : memref<1x125xi32, #tpu.memory_space<vmem>> -> memref<125xi32, #tpu.memory_space<vmem>>
      %dma_start3A_91 = arith.constant 0 : i32
      %dma_start3A_92 = arith.constant 0 : i32
      %dma_start3A_93 = tpu.memref_slice %arg4[%dma_start3A_91, %dma_start3A_92] : memref<10000x16xf32, #tpu.memory_space<vmem_shared>> -> memref<10000x16xf32, #tpu.memory_space<vmem_shared>>
      tpu.enqueue_indirect_dma source(%arg6 : memref<125x16xf32, #tpu.memory_space<vmem>>) target(%dma_start3A_93 : memref<10000x16xf32, #tpu.memory_space<vmem_shared>>) offsets(%dma_start3A_90 : memref<125xi32, #tpu.memory_space<vmem>>) semaphore(%arg7 : memref<!tpu.dma_semaphore, #tpu.memory_space<semaphore_mem>>) {add = true}
      %dma_wait3A_94 = arith.constant 0 : i32
      %dma_wait3A_95 = arith.constant 0 : i32
      %dma_wait3A_96 = tpu.memref_slice %arg5[%dma_wait3A_94, %dma_wait3A_95] : memref<80x125xi32, #tpu.memory_space<vmem>> -> memref<1x125xi32, #tpu.memory_space<vmem>>
      %dma_wait3A_97 = tpu.memref_squeeze %dma_wait3A_96 : memref<1x125xi32, #tpu.memory_space<vmem>> -> memref<125xi32, #tpu.memory_space<vmem>>
      %dma_wait3A_98 = arith.constant 0 : i32
      %dma_wait3A_99 = arith.constant 0 : i32
      %dma_wait3A_100 = tpu.memref_slice %arg4[%dma_wait3A_98, %dma_wait3A_99] : memref<10000x16xf32, #tpu.memory_space<vmem_shared>> -> memref<10000x16xf32, #tpu.memory_space<vmem_shared>>
      tpu.wait_indirect_dma semaphore(%arg8 : memref<!tpu.dma_semaphore, #tpu.memory_space<semaphore_mem>>) src(%arg6 : memref<125x16xf32, #tpu.memory_space<vmem>>) dst(%dma_wait3A_100 : memref<10000x16xf32, #tpu.memory_space<vmem_shared>>)
      %add3A_101 = arith.constant 1 : i32
      %add3A_102 = arith.addi %mul3A_80, %add3A_101 : i32
      %dma_start3A_103 = arith.constant 0 : i32
      %dma_start3A_104 = tpu.memref_slice %arg5[%add3A_102, %dma_start3A_103] : memref<80x125xi32, #tpu.memory_space<vmem>> -> memref<1x125xi32, #tpu.memory_space<vmem>>
      %dma_start3A_105 = tpu.memref_squeeze %dma_start3A_104 : memref<1x125xi32, #tpu.memory_space<vmem>> -> memref<125xi32, #tpu.memory_space<vmem>>
      %dma_start3A_106 = arith.constant 0 : i32
      %dma_start3A_107 = arith.constant 0 : i32
      %dma_start3A_108 = tpu.memref_slice %arg4[%dma_start3A_106, %dma_start3A_107] : memref<10000x16xf32, #tpu.memory_space<vmem_shared>> -> memref<10000x16xf32, #tpu.memory_space<vmem_shared>>
      tpu.enqueue_indirect_dma source(%arg6 : memref<125x16xf32, #tpu.memory_space<vmem>>) target(%dma_start3A_108 : memref<10000x16xf32, #tpu.memory_space<vmem_shared>>) offsets(%dma_start3A_105 : memref<125xi32, #tpu.memory_space<vmem>>) semaphore(%arg8 : memref<!tpu.dma_semaphore, #tpu.memory_space<semaphore_mem>>) {add = true}
      %scan3A_109 = arith.constant 0 : i32
      scf.yield %scan3A_109 : i32
    }
    %scan3A_56 = arith.constant 38 : i32
    %dma_wait3A = arith.constant 0 : i32
    %dma_wait3A_57 = arith.constant 0 : i32
    %dma_wait3A_58 = tpu.memref_slice %arg5[%dma_wait3A, %dma_wait3A_57] : memref<80x125xi32, #tpu.memory_space<vmem>> -> memref<1x125xi32, #tpu.memory_space<vmem>>
    %dma_wait3A_59 = tpu.memref_squeeze %dma_wait3A_58 : memref<1x125xi32, #tpu.memory_space<vmem>> -> memref<125xi32, #tpu.memory_space<vmem>>
    %dma_wait3A_60 = arith.constant 0 : i32
    %dma_wait3A_61 = arith.constant 0 : i32
    %dma_wait3A_62 = tpu.memref_slice %arg4[%dma_wait3A_60, %dma_wait3A_61] : memref<10000x16xf32, #tpu.memory_space<vmem_shared>> -> memref<10000x16xf32, #tpu.memory_space<vmem_shared>>
    tpu.wait_indirect_dma semaphore(%arg7 : memref<!tpu.dma_semaphore, #tpu.memory_space<semaphore_mem>>) src(%arg6 : memref<125x16xf32, #tpu.memory_space<vmem>>) dst(%dma_wait3A_62 : memref<10000x16xf32, #tpu.memory_space<vmem_shared>>)
    %run_scoped3A_63 = arith.constant 78 : i32
    "tpu.region"() ({
      %run_scoped3A_77 = tpu.sem_alloc : memref<!tpu.dma_semaphore, #tpu.memory_space<semaphore_mem>>
      %dma_start3A_78 = arith.constant 0 : i32
      %dma_start3A_79 = tpu.memref_slice %arg5[%run_scoped3A_63, %dma_start3A_78] : memref<80x125xi32, #tpu.memory_space<vmem>> -> memref<1x125xi32, #tpu.memory_space<vmem>>
      %dma_start3A_80 = tpu.memref_squeeze %dma_start3A_79 : memref<1x125xi32, #tpu.memory_space<vmem>> -> memref<125xi32, #tpu.memory_space<vmem>>
      %dma_start3A_81 = arith.constant 0 : i32
      %dma_start3A_82 = arith.constant 0 : i32
      %dma_start3A_83 = tpu.memref_slice %arg4[%dma_start3A_81, %dma_start3A_82] : memref<10000x16xf32, #tpu.memory_space<vmem_shared>> -> memref<10000x16xf32, #tpu.memory_space<vmem_shared>>
      tpu.enqueue_indirect_dma source(%arg6 : memref<125x16xf32, #tpu.memory_space<vmem>>) target(%dma_start3A_83 : memref<10000x16xf32, #tpu.memory_space<vmem_shared>>) offsets(%dma_start3A_80 : memref<125xi32, #tpu.memory_space<vmem>>) semaphore(%run_scoped3A_77 : memref<!tpu.dma_semaphore, #tpu.memory_space<semaphore_mem>>) {add = true}
      %dma_wait3A_84 = arith.constant 0 : i32
      %dma_wait3A_85 = tpu.memref_slice %arg5[%run_scoped3A_63, %dma_wait3A_84] : memref<80x125xi32, #tpu.memory_space<vmem>> -> memref<1x125xi32, #tpu.memory_space<vmem>>
      %dma_wait3A_86 = tpu.memref_squeeze %dma_wait3A_85 : memref<1x125xi32, #tpu.memory_space<vmem>> -> memref<125xi32, #tpu.memory_space<vmem>>
      %dma_wait3A_87 = arith.constant 0 : i32
      %dma_wait3A_88 = arith.constant 0 : i32
      %dma_wait3A_89 = tpu.memref_slice %arg4[%dma_wait3A_87, %dma_wait3A_88] : memref<10000x16xf32, #tpu.memory_space<vmem_shared>> -> memref<10000x16xf32, #tpu.memory_space<vmem_shared>>
      tpu.wait_indirect_dma semaphore(%run_scoped3A_77 : memref<!tpu.dma_semaphore, #tpu.memory_space<semaphore_mem>>) src(%arg6 : memref<125x16xf32, #tpu.memory_space<vmem>>) dst(%dma_wait3A_89 : memref<10000x16xf32, #tpu.memory_space<vmem_shared>>)
      tpu.yield
    }) : () -> ()
    %dma_wait3A_64 = arith.constant 0 : i32
    %dma_wait3A_65 = arith.constant 0 : i32
    %dma_wait3A_66 = tpu.memref_slice %arg5[%dma_wait3A_64, %dma_wait3A_65] : memref<80x125xi32, #tpu.memory_space<vmem>> -> memref<1x125xi32, #tpu.memory_space<vmem>>
    %dma_wait3A_67 = tpu.memref_squeeze %dma_wait3A_66 : memref<1x125xi32, #tpu.memory_space<vmem>> -> memref<125xi32, #tpu.memory_space<vmem>>
    %dma_wait3A_68 = arith.constant 0 : i32
    %dma_wait3A_69 = arith.constant 0 : i32
    %dma_wait3A_70 = tpu.memref_slice %arg4[%dma_wait3A_68, %dma_wait3A_69] : memref<10000x16xf32, #tpu.memory_space<vmem_shared>> -> memref<10000x16xf32, #tpu.memory_space<vmem_shared>>
    tpu.wait_indirect_dma semaphore(%arg8 : memref<!tpu.dma_semaphore, #tpu.memory_space<semaphore_mem>>) src(%arg6 : memref<125x16xf32, #tpu.memory_space<vmem>>) dst(%dma_wait3A_70 : memref<10000x16xf32, #tpu.memory_space<vmem_shared>>)
    %run_scoped3A_71 = arith.constant 79 : i32
    "tpu.region"() ({
      %run_scoped3A_77 = tpu.sem_alloc : memref<!tpu.dma_semaphore, #tpu.memory_space<semaphore_mem>>
      %dma_start3A_78 = arith.constant 0 : i32
      %dma_start3A_79 = tpu.memref_slice %arg5[%run_scoped3A_71, %dma_start3A_78] : memref<80x125xi32, #tpu.memory_space<vmem>> -> memref<1x125xi32, #tpu.memory_space<vmem>>
      %dma_start3A_80 = tpu.memref_squeeze %dma_start3A_79 : memref<1x125xi32, #tpu.memory_space<vmem>> -> memref<125xi32, #tpu.memory_space<vmem>>
      %dma_start3A_81 = arith.constant 0 : i32
      %dma_start3A_82 = arith.constant 0 : i32
      %dma_start3A_83 = tpu.memref_slice %arg4[%dma_start3A_81, %dma_start3A_82] : memref<10000x16xf32, #tpu.memory_space<vmem_shared>> -> memref<10000x16xf32, #tpu.memory_space<vmem_shared>>
      tpu.enqueue_indirect_dma source(%arg6 : memref<125x16xf32, #tpu.memory_space<vmem>>) target(%dma_start3A_83 : memref<10000x16xf32, #tpu.memory_space<vmem_shared>>) offsets(%dma_start3A_80 : memref<125xi32, #tpu.memory_space<vmem>>) semaphore(%run_scoped3A_77 : memref<!tpu.dma_semaphore, #tpu.memory_space<semaphore_mem>>) {add = true}
      %dma_wait3A_84 = arith.constant 0 : i32
      %dma_wait3A_85 = tpu.memref_slice %arg5[%run_scoped3A_71, %dma_wait3A_84] : memref<80x125xi32, #tpu.memory_space<vmem>> -> memref<1x125xi32, #tpu.memory_space<vmem>>
      %dma_wait3A_86 = tpu.memref_squeeze %dma_wait3A_85 : memref<1x125xi32, #tpu.memory_space<vmem>> -> memref<125xi32, #tpu.memory_space<vmem>>
      %dma_wait3A_87 = arith.constant 0 : i32
      %dma_wait3A_88 = arith.constant 0 : i32
      %dma_wait3A_89 = tpu.memref_slice %arg4[%dma_wait3A_87, %dma_wait3A_88] : memref<10000x16xf32, #tpu.memory_space<vmem_shared>> -> memref<10000x16xf32, #tpu.memory_space<vmem_shared>>
      tpu.wait_indirect_dma semaphore(%run_scoped3A_77 : memref<!tpu.dma_semaphore, #tpu.memory_space<semaphore_mem>>) src(%arg6 : memref<125x16xf32, #tpu.memory_space<vmem>>) dst(%dma_wait3A_89 : memref<10000x16xf32, #tpu.memory_space<vmem_shared>>)
      tpu.yield
    }) : () -> ()
    %barrier3A_72 = arith.constant 0 : index
    tpu.barrier barrier_id(%barrier3A_72)
    %mul3A_73 = arith.constant 625 : i32
    %mul3A_74 = arith.muli %arg1, %mul3A_73 : i32
    %mul3A_75 = arith.constant 625 : i32
    %mul3A_76 = arith.muli %arg1, %mul3A_75 : i32
    "tpu.region"() ({
      %run_scoped3A_77 = tpu.sem_alloc : memref<!tpu.dma_semaphore, #tpu.memory_space<semaphore_mem>>
      %dma_start3A_78 = arith.constant 0 : i32
      %dma_start3A_79 = tpu.memref_slice %arg3[%arg0, %mul3A_76, %dma_start3A_78] : memref<2x10000x16xf32, #tpu.memory_space<hbm>> -> memref<1x625x16xf32, #tpu.memory_space<hbm>>
      %dma_start3A_80 = tpu.memref_squeeze %dma_start3A_79 : memref<1x625x16xf32, #tpu.memory_space<hbm>> -> memref<625x16xf32, #tpu.memory_space<hbm>>
      %dma_start3A_81 = arith.constant 0 : i32
      %dma_start3A_82 = tpu.memref_slice %arg4[%mul3A_74, %dma_start3A_81] : memref<10000x16xf32, #tpu.memory_space<vmem_shared>> -> memref<625x16xf32, #tpu.memory_space<vmem_shared>>
      tpu.enqueue_dma source(%dma_start3A_82 : memref<625x16xf32, #tpu.memory_space<vmem_shared>>) target(%dma_start3A_80 : memref<625x16xf32, #tpu.memory_space<hbm>>) target_semaphore(%run_scoped3A_77 : memref<!tpu.dma_semaphore, #tpu.memory_space<semaphore_mem>>)
      %dma_wait3A_83 = arith.constant 0 : i32
      %dma_wait3A_84 = tpu.memref_slice %arg3[%arg0, %mul3A_76, %dma_wait3A_83] : memref<2x10000x16xf32, #tpu.memory_space<hbm>> -> memref<1x625x16xf32, #tpu.memory_space<hbm>>
      %dma_wait3A_85 = tpu.memref_squeeze %dma_wait3A_84 : memref<1x625x16xf32, #tpu.memory_space<hbm>> -> memref<625x16xf32, #tpu.memory_space<hbm>>
      %dma_wait3A_86 = arith.constant 0 : i32
      %dma_wait3A_87 = tpu.memref_slice %arg4[%mul3A_74, %dma_wait3A_86] : memref<10000x16xf32, #tpu.memory_space<vmem_shared>> -> memref<625x16xf32, #tpu.memory_space<vmem_shared>>
      tpu.wait_dma2 semaphore(%run_scoped3A_77 : memref<!tpu.dma_semaphore, #tpu.memory_space<semaphore_mem>>) src(%dma_wait3A_87 : memref<625x16xf32, #tpu.memory_space<vmem_shared>>) dst(%dma_wait3A_85 : memref<625x16xf32, #tpu.memory_space<hbm>>)
      tpu.yield
    }) : () -> ()
    return
  }
}

#map = affine_map<(d0, d1) -> (0, 0, 0, 0)>
#map1 = affine_map<(d0, d1) -> (0, 0)>
#map2 = affine_map<(d0, d1) -> (0, 0, 0)>
module attributes {stable_mosaic.version = 14 : i64} {
  func.func @body(%arg0: i32, %arg1: i32, %arg2: memref<2x32x80x125xi32, #tpu.memory_space<hbm>>, %arg3: memref<10000x32xf32, #tpu.memory_space<hbm>>, %arg4: memref<2x10000x32xf32, #tpu.memory_space<hbm>>, %arg5: memref<10000x32xf32, #tpu.memory_space<vmem_shared>>, %arg6: memref<80x125xi32, #tpu.memory_space<vmem>>, %arg7: memref<80x125xi32, #tpu.memory_space<vmem>>, %arg8: memref<125x32xf32, #tpu.memory_space<vmem>>, %arg9: memref<125x32xf32, #tpu.memory_space<vmem>>, %arg10: memref<!tpu.dma_semaphore, #tpu.memory_space<semaphore_mem>>, %arg11: memref<!tpu.dma_semaphore, #tpu.memory_space<semaphore_mem>>) attributes {dimension_semantics = [#tpu.dimension_semantics<core_parallel>, #tpu.dimension_semantics<subcore_parallel>], iteration_bounds = array<i64: 2, 16>, scalar_prefetch = 0 : i64, scratch_operands = 7 : i64, tpu.core_type = #tpu.core_type<sc_vector_subcore>, window_params = [{transform_indices = #map}, {transform_indices = #map1}, {transform_indices = #map2}]} {
    %mul3A = arith.constant 16 : i32
    %mul3A_0 = arith.muli %arg0, %mul3A : i32
    %add3A = arith.addi %mul3A_0, %arg1 : i32
    %run_scoped3A = arith.constant 0 : i32
    "tpu.region"() ({
      %run_scoped3A_67 = tpu.sem_alloc : memref<!tpu.dma_semaphore, #tpu.memory_space<semaphore_mem>>
      %dma_start3A_68 = arith.constant 0 : i32
      %dma_start3A_69 = arith.constant 0 : i32
      %dma_start3A_70 = tpu.memref_slice %arg2[%run_scoped3A, %add3A, %dma_start3A_68, %dma_start3A_69] : memref<2x32x80x125xi32, #tpu.memory_space<hbm>> -> memref<1x1x80x125xi32, #tpu.memory_space<hbm>>
      %dma_start3A_71 = tpu.memref_squeeze %dma_start3A_70 : memref<1x1x80x125xi32, #tpu.memory_space<hbm>> -> memref<80x125xi32, #tpu.memory_space<hbm>>
      %dma_start3A_72 = arith.constant 0 : i32
      %dma_start3A_73 = arith.constant 0 : i32
      %dma_start3A_74 = tpu.memref_slice %arg2[%run_scoped3A, %add3A, %dma_start3A_72, %dma_start3A_73] : memref<2x32x80x125xi32, #tpu.memory_space<hbm>> -> memref<1x1x80x125xi32, #tpu.memory_space<hbm>>
      %dma_start3A_75 = tpu.memref_squeeze %dma_start3A_74 : memref<1x1x80x125xi32, #tpu.memory_space<hbm>> -> memref<80x125xi32, #tpu.memory_space<hbm>>
      tpu.enqueue_dma source(%dma_start3A_75 : memref<80x125xi32, #tpu.memory_space<hbm>>) target(%arg6 : memref<80x125xi32, #tpu.memory_space<vmem>>) target_semaphore(%run_scoped3A_67 : memref<!tpu.dma_semaphore, #tpu.memory_space<semaphore_mem>>)
      %dma_wait3A_76 = arith.constant 0 : i32
      %dma_wait3A_77 = arith.constant 0 : i32
      %dma_wait3A_78 = tpu.memref_slice %arg2[%run_scoped3A, %add3A, %dma_wait3A_76, %dma_wait3A_77] : memref<2x32x80x125xi32, #tpu.memory_space<hbm>> -> memref<1x1x80x125xi32, #tpu.memory_space<hbm>>
      %dma_wait3A_79 = tpu.memref_squeeze %dma_wait3A_78 : memref<1x1x80x125xi32, #tpu.memory_space<hbm>> -> memref<80x125xi32, #tpu.memory_space<hbm>>
      %dma_wait3A_80 = arith.constant 0 : i32
      %dma_wait3A_81 = arith.constant 0 : i32
      %dma_wait3A_82 = tpu.memref_slice %arg2[%run_scoped3A, %add3A, %dma_wait3A_80, %dma_wait3A_81] : memref<2x32x80x125xi32, #tpu.memory_space<hbm>> -> memref<1x1x80x125xi32, #tpu.memory_space<hbm>>
      %dma_wait3A_83 = tpu.memref_squeeze %dma_wait3A_82 : memref<1x1x80x125xi32, #tpu.memory_space<hbm>> -> memref<80x125xi32, #tpu.memory_space<hbm>>
      tpu.wait_dma2 semaphore(%run_scoped3A_67 : memref<!tpu.dma_semaphore, #tpu.memory_space<semaphore_mem>>) src(%dma_wait3A_83 : memref<80x125xi32, #tpu.memory_space<hbm>>) dst(%arg6 : memref<80x125xi32, #tpu.memory_space<vmem>>)
      tpu.yield
    }) : () -> ()
    %run_scoped3A_1 = arith.constant 1 : i32
    "tpu.region"() ({
      %run_scoped3A_67 = tpu.sem_alloc : memref<!tpu.dma_semaphore, #tpu.memory_space<semaphore_mem>>
      %dma_start3A_68 = arith.constant 0 : i32
      %dma_start3A_69 = arith.constant 0 : i32
      %dma_start3A_70 = tpu.memref_slice %arg2[%run_scoped3A_1, %add3A, %dma_start3A_68, %dma_start3A_69] : memref<2x32x80x125xi32, #tpu.memory_space<hbm>> -> memref<1x1x80x125xi32, #tpu.memory_space<hbm>>
      %dma_start3A_71 = tpu.memref_squeeze %dma_start3A_70 : memref<1x1x80x125xi32, #tpu.memory_space<hbm>> -> memref<80x125xi32, #tpu.memory_space<hbm>>
      %dma_start3A_72 = arith.constant 0 : i32
      %dma_start3A_73 = arith.constant 0 : i32
      %dma_start3A_74 = tpu.memref_slice %arg2[%run_scoped3A_1, %add3A, %dma_start3A_72, %dma_start3A_73] : memref<2x32x80x125xi32, #tpu.memory_space<hbm>> -> memref<1x1x80x125xi32, #tpu.memory_space<hbm>>
      %dma_start3A_75 = tpu.memref_squeeze %dma_start3A_74 : memref<1x1x80x125xi32, #tpu.memory_space<hbm>> -> memref<80x125xi32, #tpu.memory_space<hbm>>
      tpu.enqueue_dma source(%dma_start3A_75 : memref<80x125xi32, #tpu.memory_space<hbm>>) target(%arg7 : memref<80x125xi32, #tpu.memory_space<vmem>>) target_semaphore(%run_scoped3A_67 : memref<!tpu.dma_semaphore, #tpu.memory_space<semaphore_mem>>)
      %dma_wait3A_76 = arith.constant 0 : i32
      %dma_wait3A_77 = arith.constant 0 : i32
      %dma_wait3A_78 = tpu.memref_slice %arg2[%run_scoped3A_1, %add3A, %dma_wait3A_76, %dma_wait3A_77] : memref<2x32x80x125xi32, #tpu.memory_space<hbm>> -> memref<1x1x80x125xi32, #tpu.memory_space<hbm>>
      %dma_wait3A_79 = tpu.memref_squeeze %dma_wait3A_78 : memref<1x1x80x125xi32, #tpu.memory_space<hbm>> -> memref<80x125xi32, #tpu.memory_space<hbm>>
      %dma_wait3A_80 = arith.constant 0 : i32
      %dma_wait3A_81 = arith.constant 0 : i32
      %dma_wait3A_82 = tpu.memref_slice %arg2[%run_scoped3A_1, %add3A, %dma_wait3A_80, %dma_wait3A_81] : memref<2x32x80x125xi32, #tpu.memory_space<hbm>> -> memref<1x1x80x125xi32, #tpu.memory_space<hbm>>
      %dma_wait3A_83 = tpu.memref_squeeze %dma_wait3A_82 : memref<1x1x80x125xi32, #tpu.memory_space<hbm>> -> memref<80x125xi32, #tpu.memory_space<hbm>>
      tpu.wait_dma2 semaphore(%run_scoped3A_67 : memref<!tpu.dma_semaphore, #tpu.memory_space<semaphore_mem>>) src(%dma_wait3A_83 : memref<80x125xi32, #tpu.memory_space<hbm>>) dst(%arg7 : memref<80x125xi32, #tpu.memory_space<vmem>>)
      tpu.yield
    }) : () -> ()
    %dma_start3A = arith.constant 0 : i32
    %dma_start3A_2 = arith.constant 0 : i32
    %dma_start3A_3 = tpu.memref_slice %arg6[%dma_start3A, %dma_start3A_2] : memref<80x125xi32, #tpu.memory_space<vmem>> -> memref<1x125xi32, #tpu.memory_space<vmem>>
    %dma_start3A_4 = tpu.memref_squeeze %dma_start3A_3 : memref<1x125xi32, #tpu.memory_space<vmem>> -> memref<125xi32, #tpu.memory_space<vmem>>
    %dma_start3A_5 = arith.constant 0 : i32
    %dma_start3A_6 = arith.constant 0 : i32
    %dma_start3A_7 = tpu.memref_slice %arg3[%dma_start3A_5, %dma_start3A_6] : memref<10000x32xf32, #tpu.memory_space<hbm>> -> memref<10000x32xf32, #tpu.memory_space<hbm>>
    tpu.enqueue_indirect_dma source(%dma_start3A_7 : memref<10000x32xf32, #tpu.memory_space<hbm>>) target(%arg8 : memref<125x32xf32, #tpu.memory_space<vmem>>) offsets(%dma_start3A_4 : memref<125xi32, #tpu.memory_space<vmem>>) semaphore(%arg10 : memref<!tpu.dma_semaphore, #tpu.memory_space<semaphore_mem>>)
    %broadcast_in_dim3A = arith.constant 0.000000e+00 : f32
    %broadcast_in_dim3A_8 = vector.broadcast %broadcast_in_dim3A : f32 to vector<16xf32>
    %scan3A = arith.constant 0 : i32
    %scan3A_9 = arith.constant 0 : i32
    %scan3A_10 = arith.constant 125 : i32
    %scan3A_11 = arith.addi %scan3A_9, %scan3A_10 : i32
    %scan3A_12 = arith.constant 1 : i32
    %scan3A_13 = scf.for %scan3A_67 = %scan3A_9 to %scan3A_11 step %scan3A_12 iter_args(%scan3A_68 = %scan3A) -> (i32)  : i32 {
      %swap3A = arith.index_cast %scan3A_67 : i32 to index
      %swap3A_69 = arith.constant 0 : index
      %swap3A_70 = tpu.vector_load %arg9[%swap3A, %swap3A_69] {strides = array<i32>} : memref<125x32xf32, #tpu.memory_space<vmem>>, vector<1x16xf32>,
      %swap3A_71 = vector.shape_cast %swap3A_70 : vector<1x16xf32> to vector<16xf32>
      %swap3A_72 = vector.shape_cast %broadcast_in_dim3A_8 : vector<16xf32> to vector<1x16xf32>
      tpu.vector_store %arg9[%swap3A, %swap3A_69], %swap3A_72 {strides = array<i32>} : memref<125x32xf32, #tpu.memory_space<vmem>>, vector<1x16xf32>,
      %swap3A_73 = arith.index_cast %scan3A_67 : i32 to index
      %swap3A_74 = arith.constant 16 : index
      %swap3A_75 = tpu.vector_load %arg9[%swap3A_73, %swap3A_74] {strides = array<i32>} : memref<125x32xf32, #tpu.memory_space<vmem>>, vector<1x16xf32>,
      %swap3A_76 = vector.shape_cast %swap3A_75 : vector<1x16xf32> to vector<16xf32>
      %swap3A_77 = vector.shape_cast %broadcast_in_dim3A_8 : vector<16xf32> to vector<1x16xf32>
      tpu.vector_store %arg9[%swap3A_73, %swap3A_74], %swap3A_77 {strides = array<i32>} : memref<125x32xf32, #tpu.memory_space<vmem>>, vector<1x16xf32>,
      %scan3A_78 = arith.constant 0 : i32
      scf.yield %scan3A_78 : i32
    }
    %scan3A_14 = arith.constant 125 : i32
    %mul3A_15 = arith.constant 625 : i32
    %mul3A_16 = arith.muli %arg1, %mul3A_15 : i32
    %add3A_17 = arith.constant 0 : i32
    %add3A_18 = arith.addi %mul3A_16, %add3A_17 : i32
    "tpu.region"() ({
      %run_scoped3A_67 = tpu.sem_alloc : memref<!tpu.dma_semaphore, #tpu.memory_space<semaphore_mem>>
      %dma_start3A_68 = arith.constant 0 : i32
      %dma_start3A_69 = tpu.memref_slice %arg5[%add3A_18, %dma_start3A_68] : memref<10000x32xf32, #tpu.memory_space<vmem_shared>> -> memref<125x32xf32, #tpu.memory_space<vmem_shared>>
      %dma_start3A_70 = arith.constant 0 : i32
      %dma_start3A_71 = tpu.memref_slice %arg5[%add3A_18, %dma_start3A_70] : memref<10000x32xf32, #tpu.memory_space<vmem_shared>> -> memref<125x32xf32, #tpu.memory_space<vmem_shared>>
      tpu.enqueue_dma source(%arg9 : memref<125x32xf32, #tpu.memory_space<vmem>>) target(%dma_start3A_71 : memref<125x32xf32, #tpu.memory_space<vmem_shared>>) target_semaphore(%run_scoped3A_67 : memref<!tpu.dma_semaphore, #tpu.memory_space<semaphore_mem>>)
      %dma_wait3A_72 = arith.constant 0 : i32
      %dma_wait3A_73 = tpu.memref_slice %arg5[%add3A_18, %dma_wait3A_72] : memref<10000x32xf32, #tpu.memory_space<vmem_shared>> -> memref<125x32xf32, #tpu.memory_space<vmem_shared>>
      %dma_wait3A_74 = arith.constant 0 : i32
      %dma_wait3A_75 = tpu.memref_slice %arg5[%add3A_18, %dma_wait3A_74] : memref<10000x32xf32, #tpu.memory_space<vmem_shared>> -> memref<125x32xf32, #tpu.memory_space<vmem_shared>>
      tpu.wait_dma2 semaphore(%run_scoped3A_67 : memref<!tpu.dma_semaphore, #tpu.memory_space<semaphore_mem>>) src(%arg9 : memref<125x32xf32, #tpu.memory_space<vmem>>) dst(%dma_wait3A_75 : memref<125x32xf32, #tpu.memory_space<vmem_shared>>)
      tpu.yield
    }) : () -> ()
    %mul3A_19 = arith.constant 625 : i32
    %mul3A_20 = arith.muli %arg1, %mul3A_19 : i32
    %add3A_21 = arith.constant 125 : i32
    %add3A_22 = arith.addi %mul3A_20, %add3A_21 : i32
    "tpu.region"() ({
      %run_scoped3A_67 = tpu.sem_alloc : memref<!tpu.dma_semaphore, #tpu.memory_space<semaphore_mem>>
      %dma_start3A_68 = arith.constant 0 : i32
      %dma_start3A_69 = tpu.memref_slice %arg5[%add3A_22, %dma_start3A_68] : memref<10000x32xf32, #tpu.memory_space<vmem_shared>> -> memref<125x32xf32, #tpu.memory_space<vmem_shared>>
      %dma_start3A_70 = arith.constant 0 : i32
      %dma_start3A_71 = tpu.memref_slice %arg5[%add3A_22, %dma_start3A_70] : memref<10000x32xf32, #tpu.memory_space<vmem_shared>> -> memref<125x32xf32, #tpu.memory_space<vmem_shared>>
      tpu.enqueue_dma source(%arg9 : memref<125x32xf32, #tpu.memory_space<vmem>>) target(%dma_start3A_71 : memref<125x32xf32, #tpu.memory_space<vmem_shared>>) target_semaphore(%run_scoped3A_67 : memref<!tpu.dma_semaphore, #tpu.memory_space<semaphore_mem>>)
      %dma_wait3A_72 = arith.constant 0 : i32
      %dma_wait3A_73 = tpu.memref_slice %arg5[%add3A_22, %dma_wait3A_72] : memref<10000x32xf32, #tpu.memory_space<vmem_shared>> -> memref<125x32xf32, #tpu.memory_space<vmem_shared>>
      %dma_wait3A_74 = arith.constant 0 : i32
      %dma_wait3A_75 = tpu.memref_slice %arg5[%add3A_22, %dma_wait3A_74] : memref<10000x32xf32, #tpu.memory_space<vmem_shared>> -> memref<125x32xf32, #tpu.memory_space<vmem_shared>>
      tpu.wait_dma2 semaphore(%run_scoped3A_67 : memref<!tpu.dma_semaphore, #tpu.memory_space<semaphore_mem>>) src(%arg9 : memref<125x32xf32, #tpu.memory_space<vmem>>) dst(%dma_wait3A_75 : memref<125x32xf32, #tpu.memory_space<vmem_shared>>)
      tpu.yield
    }) : () -> ()
    %mul3A_23 = arith.constant 625 : i32
    %mul3A_24 = arith.muli %arg1, %mul3A_23 : i32
    %add3A_25 = arith.constant 250 : i32
    %add3A_26 = arith.addi %mul3A_24, %add3A_25 : i32
    "tpu.region"() ({
      %run_scoped3A_67 = tpu.sem_alloc : memref<!tpu.dma_semaphore, #tpu.memory_space<semaphore_mem>>
      %dma_start3A_68 = arith.constant 0 : i32
      %dma_start3A_69 = tpu.memref_slice %arg5[%add3A_26, %dma_start3A_68] : memref<10000x32xf32, #tpu.memory_space<vmem_shared>> -> memref<125x32xf32, #tpu.memory_space<vmem_shared>>
      %dma_start3A_70 = arith.constant 0 : i32
      %dma_start3A_71 = tpu.memref_slice %arg5[%add3A_26, %dma_start3A_70] : memref<10000x32xf32, #tpu.memory_space<vmem_shared>> -> memref<125x32xf32, #tpu.memory_space<vmem_shared>>
      tpu.enqueue_dma source(%arg9 : memref<125x32xf32, #tpu.memory_space<vmem>>) target(%dma_start3A_71 : memref<125x32xf32, #tpu.memory_space<vmem_shared>>) target_semaphore(%run_scoped3A_67 : memref<!tpu.dma_semaphore, #tpu.memory_space<semaphore_mem>>)
      %dma_wait3A_72 = arith.constant 0 : i32
      %dma_wait3A_73 = tpu.memref_slice %arg5[%add3A_26, %dma_wait3A_72] : memref<10000x32xf32, #tpu.memory_space<vmem_shared>> -> memref<125x32xf32, #tpu.memory_space<vmem_shared>>
      %dma_wait3A_74 = arith.constant 0 : i32
      %dma_wait3A_75 = tpu.memref_slice %arg5[%add3A_26, %dma_wait3A_74] : memref<10000x32xf32, #tpu.memory_space<vmem_shared>> -> memref<125x32xf32, #tpu.memory_space<vmem_shared>>
      tpu.wait_dma2 semaphore(%run_scoped3A_67 : memref<!tpu.dma_semaphore, #tpu.memory_space<semaphore_mem>>) src(%arg9 : memref<125x32xf32, #tpu.memory_space<vmem>>) dst(%dma_wait3A_75 : memref<125x32xf32, #tpu.memory_space<vmem_shared>>)
      tpu.yield
    }) : () -> ()
    %mul3A_27 = arith.constant 625 : i32
    %mul3A_28 = arith.muli %arg1, %mul3A_27 : i32
    %add3A_29 = arith.constant 375 : i32
    %add3A_30 = arith.addi %mul3A_28, %add3A_29 : i32
    "tpu.region"() ({
      %run_scoped3A_67 = tpu.sem_alloc : memref<!tpu.dma_semaphore, #tpu.memory_space<semaphore_mem>>
      %dma_start3A_68 = arith.constant 0 : i32
      %dma_start3A_69 = tpu.memref_slice %arg5[%add3A_30, %dma_start3A_68] : memref<10000x32xf32, #tpu.memory_space<vmem_shared>> -> memref<125x32xf32, #tpu.memory_space<vmem_shared>>
      %dma_start3A_70 = arith.constant 0 : i32
      %dma_start3A_71 = tpu.memref_slice %arg5[%add3A_30, %dma_start3A_70] : memref<10000x32xf32, #tpu.memory_space<vmem_shared>> -> memref<125x32xf32, #tpu.memory_space<vmem_shared>>
      tpu.enqueue_dma source(%arg9 : memref<125x32xf32, #tpu.memory_space<vmem>>) target(%dma_start3A_71 : memref<125x32xf32, #tpu.memory_space<vmem_shared>>) target_semaphore(%run_scoped3A_67 : memref<!tpu.dma_semaphore, #tpu.memory_space<semaphore_mem>>)
      %dma_wait3A_72 = arith.constant 0 : i32
      %dma_wait3A_73 = tpu.memref_slice %arg5[%add3A_30, %dma_wait3A_72] : memref<10000x32xf32, #tpu.memory_space<vmem_shared>> -> memref<125x32xf32, #tpu.memory_space<vmem_shared>>
      %dma_wait3A_74 = arith.constant 0 : i32
      %dma_wait3A_75 = tpu.memref_slice %arg5[%add3A_30, %dma_wait3A_74] : memref<10000x32xf32, #tpu.memory_space<vmem_shared>> -> memref<125x32xf32, #tpu.memory_space<vmem_shared>>
      tpu.wait_dma2 semaphore(%run_scoped3A_67 : memref<!tpu.dma_semaphore, #tpu.memory_space<semaphore_mem>>) src(%arg9 : memref<125x32xf32, #tpu.memory_space<vmem>>) dst(%dma_wait3A_75 : memref<125x32xf32, #tpu.memory_space<vmem_shared>>)
      tpu.yield
    }) : () -> ()
    %mul3A_31 = arith.constant 625 : i32
    %mul3A_32 = arith.muli %arg1, %mul3A_31 : i32
    %add3A_33 = arith.constant 500 : i32
    %add3A_34 = arith.addi %mul3A_32, %add3A_33 : i32
    "tpu.region"() ({
      %run_scoped3A_67 = tpu.sem_alloc : memref<!tpu.dma_semaphore, #tpu.memory_space<semaphore_mem>>
      %dma_start3A_68 = arith.constant 0 : i32
      %dma_start3A_69 = tpu.memref_slice %arg5[%add3A_34, %dma_start3A_68] : memref<10000x32xf32, #tpu.memory_space<vmem_shared>> -> memref<125x32xf32, #tpu.memory_space<vmem_shared>>
      %dma_start3A_70 = arith.constant 0 : i32
      %dma_start3A_71 = tpu.memref_slice %arg5[%add3A_34, %dma_start3A_70] : memref<10000x32xf32, #tpu.memory_space<vmem_shared>> -> memref<125x32xf32, #tpu.memory_space<vmem_shared>>
      tpu.enqueue_dma source(%arg9 : memref<125x32xf32, #tpu.memory_space<vmem>>) target(%dma_start3A_71 : memref<125x32xf32, #tpu.memory_space<vmem_shared>>) target_semaphore(%run_scoped3A_67 : memref<!tpu.dma_semaphore, #tpu.memory_space<semaphore_mem>>)
      %dma_wait3A_72 = arith.constant 0 : i32
      %dma_wait3A_73 = tpu.memref_slice %arg5[%add3A_34, %dma_wait3A_72] : memref<10000x32xf32, #tpu.memory_space<vmem_shared>> -> memref<125x32xf32, #tpu.memory_space<vmem_shared>>
      %dma_wait3A_74 = arith.constant 0 : i32
      %dma_wait3A_75 = tpu.memref_slice %arg5[%add3A_34, %dma_wait3A_74] : memref<10000x32xf32, #tpu.memory_space<vmem_shared>> -> memref<125x32xf32, #tpu.memory_space<vmem_shared>>
      tpu.wait_dma2 semaphore(%run_scoped3A_67 : memref<!tpu.dma_semaphore, #tpu.memory_space<semaphore_mem>>) src(%arg9 : memref<125x32xf32, #tpu.memory_space<vmem>>) dst(%dma_wait3A_75 : memref<125x32xf32, #tpu.memory_space<vmem_shared>>)
      tpu.yield
    }) : () -> ()
    %dma_start3A_35 = arith.constant 1 : i32
    %dma_start3A_36 = arith.constant 0 : i32
    %dma_start3A_37 = tpu.memref_slice %arg6[%dma_start3A_35, %dma_start3A_36] : memref<80x125xi32, #tpu.memory_space<vmem>> -> memref<1x125xi32, #tpu.memory_space<vmem>>
    %dma_start3A_38 = tpu.memref_squeeze %dma_start3A_37 : memref<1x125xi32, #tpu.memory_space<vmem>> -> memref<125xi32, #tpu.memory_space<vmem>>
    %dma_start3A_39 = arith.constant 0 : i32
    %dma_start3A_40 = arith.constant 0 : i32
    %dma_start3A_41 = tpu.memref_slice %arg3[%dma_start3A_39, %dma_start3A_40] : memref<10000x32xf32, #tpu.memory_space<hbm>> -> memref<10000x32xf32, #tpu.memory_space<hbm>>
    tpu.enqueue_indirect_dma source(%dma_start3A_41 : memref<10000x32xf32, #tpu.memory_space<hbm>>) target(%arg9 : memref<125x32xf32, #tpu.memory_space<vmem>>) offsets(%dma_start3A_38 : memref<125xi32, #tpu.memory_space<vmem>>) semaphore(%arg11 : memref<!tpu.dma_semaphore, #tpu.memory_space<semaphore_mem>>)
    %barrier3A = arith.constant 0 : index
    tpu.barrier barrier_id(%barrier3A)
    %scan3A_42 = arith.constant 0 : i32
    %scan3A_43 = arith.constant 0 : i32
    %scan3A_44 = arith.constant 40 : i32
    %scan3A_45 = arith.addi %scan3A_43, %scan3A_44 : i32
    %scan3A_46 = arith.constant 1 : i32
    %scan3A_47 = scf.for %scan3A_67 = %scan3A_43 to %scan3A_45 step %scan3A_46 iter_args(%scan3A_68 = %scan3A_42) -> (i32)  : i32 {
      %mul3A_69 = arith.constant 2 : i32
      %mul3A_70 = arith.muli %mul3A_69, %scan3A_67 : i32
      %dma_wait3A_71 = arith.constant 0 : i32
      %dma_wait3A_72 = tpu.memref_slice %arg6[%mul3A_70, %dma_wait3A_71] : memref<80x125xi32, #tpu.memory_space<vmem>> -> memref<1x125xi32, #tpu.memory_space<vmem>>
      %dma_wait3A_73 = tpu.memref_squeeze %dma_wait3A_72 : memref<1x125xi32, #tpu.memory_space<vmem>> -> memref<125xi32, #tpu.memory_space<vmem>>
      %dma_wait3A_74 = arith.constant 0 : i32
      %dma_wait3A_75 = arith.constant 0 : i32
      %dma_wait3A_76 = tpu.memref_slice %arg3[%dma_wait3A_74, %dma_wait3A_75] : memref<10000x32xf32, #tpu.memory_space<hbm>> -> memref<10000x32xf32, #tpu.memory_space<hbm>>
      tpu.wait_indirect_dma semaphore(%arg10 : memref<!tpu.dma_semaphore, #tpu.memory_space<semaphore_mem>>) src(%dma_wait3A_76 : memref<10000x32xf32, #tpu.memory_space<hbm>>) dst(%arg8 : memref<125x32xf32, #tpu.memory_space<vmem>>)
      "tpu.region"() ({
        %run_scoped3A_107 = tpu.sem_alloc : memref<!tpu.dma_semaphore, #tpu.memory_space<semaphore_mem>>
        %dma_start3A_108 = arith.constant 0 : i32
        %dma_start3A_109 = tpu.memref_slice %arg7[%mul3A_70, %dma_start3A_108] : memref<80x125xi32, #tpu.memory_space<vmem>> -> memref<1x125xi32, #tpu.memory_space<vmem>>
        %dma_start3A_110 = tpu.memref_squeeze %dma_start3A_109 : memref<1x125xi32, #tpu.memory_space<vmem>> -> memref<125xi32, #tpu.memory_space<vmem>>
        %dma_start3A_111 = arith.constant 0 : i32
        %dma_start3A_112 = arith.constant 0 : i32
        %dma_start3A_113 = tpu.memref_slice %arg5[%dma_start3A_111, %dma_start3A_112] : memref<10000x32xf32, #tpu.memory_space<vmem_shared>> -> memref<10000x32xf32, #tpu.memory_space<vmem_shared>>
        tpu.enqueue_indirect_dma source(%arg8 : memref<125x32xf32, #tpu.memory_space<vmem>>) target(%dma_start3A_113 : memref<10000x32xf32, #tpu.memory_space<vmem_shared>>) offsets(%dma_start3A_110 : memref<125xi32, #tpu.memory_space<vmem>>) semaphore(%run_scoped3A_107 : memref<!tpu.dma_semaphore, #tpu.memory_space<semaphore_mem>>) {add = true}
        %dma_wait3A_114 = arith.constant 0 : i32
        %dma_wait3A_115 = tpu.memref_slice %arg7[%mul3A_70, %dma_wait3A_114] : memref<80x125xi32, #tpu.memory_space<vmem>> -> memref<1x125xi32, #tpu.memory_space<vmem>>
        %dma_wait3A_116 = tpu.memref_squeeze %dma_wait3A_115 : memref<1x125xi32, #tpu.memory_space<vmem>> -> memref<125xi32, #tpu.memory_space<vmem>>
        %dma_wait3A_117 = arith.constant 0 : i32
        %dma_wait3A_118 = arith.constant 0 : i32
        %dma_wait3A_119 = tpu.memref_slice %arg5[%dma_wait3A_117, %dma_wait3A_118] : memref<10000x32xf32, #tpu.memory_space<vmem_shared>> -> memref<10000x32xf32, #tpu.memory_space<vmem_shared>>
        tpu.wait_indirect_dma semaphore(%run_scoped3A_107 : memref<!tpu.dma_semaphore, #tpu.memory_space<semaphore_mem>>) src(%arg8 : memref<125x32xf32, #tpu.memory_space<vmem>>) dst(%dma_wait3A_119 : memref<10000x32xf32, #tpu.memory_space<vmem_shared>>)
        tpu.yield
      }) : () -> ()
      %add3A_77 = arith.constant 2 : i32
      %add3A_78 = arith.addi %mul3A_70, %add3A_77 : i32
      %min3A = arith.constant 79 : i32
      %min3A_79 = arith.minsi %add3A_78, %min3A : i32
      %dma_start3A_80 = arith.constant 0 : i32
      %dma_start3A_81 = tpu.memref_slice %arg6[%min3A_79, %dma_start3A_80] : memref<80x125xi32, #tpu.memory_space<vmem>> -> memref<1x125xi32, #tpu.memory_space<vmem>>
      %dma_start3A_82 = tpu.memref_squeeze %dma_start3A_81 : memref<1x125xi32, #tpu.memory_space<vmem>> -> memref<125xi32, #tpu.memory_space<vmem>>
      %dma_start3A_83 = arith.constant 0 : i32
      %dma_start3A_84 = arith.constant 0 : i32
      %dma_start3A_85 = tpu.memref_slice %arg3[%dma_start3A_83, %dma_start3A_84] : memref<10000x32xf32, #tpu.memory_space<hbm>> -> memref<10000x32xf32, #tpu.memory_space<hbm>>
      tpu.enqueue_indirect_dma source(%dma_start3A_85 : memref<10000x32xf32, #tpu.memory_space<hbm>>) target(%arg8 : memref<125x32xf32, #tpu.memory_space<vmem>>) offsets(%dma_start3A_82 : memref<125xi32, #tpu.memory_space<vmem>>) semaphore(%arg10 : memref<!tpu.dma_semaphore, #tpu.memory_space<semaphore_mem>>)
      %add3A_86 = arith.constant 1 : i32
      %add3A_87 = arith.addi %mul3A_70, %add3A_86 : i32
      %dma_wait3A_88 = arith.constant 0 : i32
      %dma_wait3A_89 = tpu.memref_slice %arg6[%add3A_87, %dma_wait3A_88] : memref<80x125xi32, #tpu.memory_space<vmem>> -> memref<1x125xi32, #tpu.memory_space<vmem>>
      %dma_wait3A_90 = tpu.memref_squeeze %dma_wait3A_89 : memref<1x125xi32, #tpu.memory_space<vmem>> -> memref<125xi32, #tpu.memory_space<vmem>>
      %dma_wait3A_91 = arith.constant 0 : i32
      %dma_wait3A_92 = arith.constant 0 : i32
      %dma_wait3A_93 = tpu.memref_slice %arg3[%dma_wait3A_91, %dma_wait3A_92] : memref<10000x32xf32, #tpu.memory_space<hbm>> -> memref<10000x32xf32, #tpu.memory_space<hbm>>
      tpu.wait_indirect_dma semaphore(%arg11 : memref<!tpu.dma_semaphore, #tpu.memory_space<semaphore_mem>>) src(%dma_wait3A_93 : memref<10000x32xf32, #tpu.memory_space<hbm>>) dst(%arg9 : memref<125x32xf32, #tpu.memory_space<vmem>>)
      %add3A_94 = arith.constant 1 : i32
      %add3A_95 = arith.addi %mul3A_70, %add3A_94 : i32
      "tpu.region"() ({
        %run_scoped3A_107 = tpu.sem_alloc : memref<!tpu.dma_semaphore, #tpu.memory_space<semaphore_mem>>
        %dma_start3A_108 = arith.constant 0 : i32
        %dma_start3A_109 = tpu.memref_slice %arg7[%add3A_95, %dma_start3A_108] : memref<80x125xi32, #tpu.memory_space<vmem>> -> memref<1x125xi32, #tpu.memory_space<vmem>>
        %dma_start3A_110 = tpu.memref_squeeze %dma_start3A_109 : memref<1x125xi32, #tpu.memory_space<vmem>> -> memref<125xi32, #tpu.memory_space<vmem>>
        %dma_start3A_111 = arith.constant 0 : i32
        %dma_start3A_112 = arith.constant 0 : i32
        %dma_start3A_113 = tpu.memref_slice %arg5[%dma_start3A_111, %dma_start3A_112] : memref<10000x32xf32, #tpu.memory_space<vmem_shared>> -> memref<10000x32xf32, #tpu.memory_space<vmem_shared>>
        tpu.enqueue_indirect_dma source(%arg9 : memref<125x32xf32, #tpu.memory_space<vmem>>) target(%dma_start3A_113 : memref<10000x32xf32, #tpu.memory_space<vmem_shared>>) offsets(%dma_start3A_110 : memref<125xi32, #tpu.memory_space<vmem>>) semaphore(%run_scoped3A_107 : memref<!tpu.dma_semaphore, #tpu.memory_space<semaphore_mem>>) {add = true}
        %dma_wait3A_114 = arith.constant 0 : i32
        %dma_wait3A_115 = tpu.memref_slice %arg7[%add3A_95, %dma_wait3A_114] : memref<80x125xi32, #tpu.memory_space<vmem>> -> memref<1x125xi32, #tpu.memory_space<vmem>>
        %dma_wait3A_116 = tpu.memref_squeeze %dma_wait3A_115 : memref<1x125xi32, #tpu.memory_space<vmem>> -> memref<125xi32, #tpu.memory_space<vmem>>
        %dma_wait3A_117 = arith.constant 0 : i32
        %dma_wait3A_118 = arith.constant 0 : i32
        %dma_wait3A_119 = tpu.memref_slice %arg5[%dma_wait3A_117, %dma_wait3A_118] : memref<10000x32xf32, #tpu.memory_space<vmem_shared>> -> memref<10000x32xf32, #tpu.memory_space<vmem_shared>>
        tpu.wait_indirect_dma semaphore(%run_scoped3A_107 : memref<!tpu.dma_semaphore, #tpu.memory_space<semaphore_mem>>) src(%arg9 : memref<125x32xf32, #tpu.memory_space<vmem>>) dst(%dma_wait3A_119 : memref<10000x32xf32, #tpu.memory_space<vmem_shared>>)
        tpu.yield
      }) : () -> ()
      %add3A_96 = arith.constant 3 : i32
      %add3A_97 = arith.addi %mul3A_70, %add3A_96 : i32
      %min3A_98 = arith.constant 79 : i32
      %min3A_99 = arith.minsi %add3A_97, %min3A_98 : i32
      %dma_start3A_100 = arith.constant 0 : i32
      %dma_start3A_101 = tpu.memref_slice %arg6[%min3A_99, %dma_start3A_100] : memref<80x125xi32, #tpu.memory_space<vmem>> -> memref<1x125xi32, #tpu.memory_space<vmem>>
      %dma_start3A_102 = tpu.memref_squeeze %dma_start3A_101 : memref<1x125xi32, #tpu.memory_space<vmem>> -> memref<125xi32, #tpu.memory_space<vmem>>
      %dma_start3A_103 = arith.constant 0 : i32
      %dma_start3A_104 = arith.constant 0 : i32
      %dma_start3A_105 = tpu.memref_slice %arg3[%dma_start3A_103, %dma_start3A_104] : memref<10000x32xf32, #tpu.memory_space<hbm>> -> memref<10000x32xf32, #tpu.memory_space<hbm>>
      tpu.enqueue_indirect_dma source(%dma_start3A_105 : memref<10000x32xf32, #tpu.memory_space<hbm>>) target(%arg9 : memref<125x32xf32, #tpu.memory_space<vmem>>) offsets(%dma_start3A_102 : memref<125xi32, #tpu.memory_space<vmem>>) semaphore(%arg11 : memref<!tpu.dma_semaphore, #tpu.memory_space<semaphore_mem>>)
      %scan3A_106 = arith.constant 0 : i32
      scf.yield %scan3A_106 : i32
    }
    %scan3A_48 = arith.constant 40 : i32
    %dma_wait3A = arith.constant 0 : i32
    %dma_wait3A_49 = arith.constant 0 : i32
    %dma_wait3A_50 = tpu.memref_slice %arg6[%dma_wait3A, %dma_wait3A_49] : memref<80x125xi32, #tpu.memory_space<vmem>> -> memref<1x125xi32, #tpu.memory_space<vmem>>
    %dma_wait3A_51 = tpu.memref_squeeze %dma_wait3A_50 : memref<1x125xi32, #tpu.memory_space<vmem>> -> memref<125xi32, #tpu.memory_space<vmem>>
    %dma_wait3A_52 = arith.constant 0 : i32
    %dma_wait3A_53 = arith.constant 0 : i32
    %dma_wait3A_54 = tpu.memref_slice %arg3[%dma_wait3A_52, %dma_wait3A_53] : memref<10000x32xf32, #tpu.memory_space<hbm>> -> memref<10000x32xf32, #tpu.memory_space<hbm>>
    tpu.wait_indirect_dma semaphore(%arg10 : memref<!tpu.dma_semaphore, #tpu.memory_space<semaphore_mem>>) src(%dma_wait3A_54 : memref<10000x32xf32, #tpu.memory_space<hbm>>) dst(%arg8 : memref<125x32xf32, #tpu.memory_space<vmem>>)
    %dma_wait3A_55 = arith.constant 0 : i32
    %dma_wait3A_56 = arith.constant 0 : i32
    %dma_wait3A_57 = tpu.memref_slice %arg6[%dma_wait3A_55, %dma_wait3A_56] : memref<80x125xi32, #tpu.memory_space<vmem>> -> memref<1x125xi32, #tpu.memory_space<vmem>>
    %dma_wait3A_58 = tpu.memref_squeeze %dma_wait3A_57 : memref<1x125xi32, #tpu.memory_space<vmem>> -> memref<125xi32, #tpu.memory_space<vmem>>
    %dma_wait3A_59 = arith.constant 0 : i32
    %dma_wait3A_60 = arith.constant 0 : i32
    %dma_wait3A_61 = tpu.memref_slice %arg3[%dma_wait3A_59, %dma_wait3A_60] : memref<10000x32xf32, #tpu.memory_space<hbm>> -> memref<10000x32xf32, #tpu.memory_space<hbm>>
    tpu.wait_indirect_dma semaphore(%arg11 : memref<!tpu.dma_semaphore, #tpu.memory_space<semaphore_mem>>) src(%dma_wait3A_61 : memref<10000x32xf32, #tpu.memory_space<hbm>>) dst(%arg9 : memref<125x32xf32, #tpu.memory_space<vmem>>)
    %barrier3A_62 = arith.constant 0 : index
    tpu.barrier barrier_id(%barrier3A_62)
    %mul3A_63 = arith.constant 625 : i32
    %mul3A_64 = arith.muli %arg1, %mul3A_63 : i32
    %mul3A_65 = arith.constant 625 : i32
    %mul3A_66 = arith.muli %arg1, %mul3A_65 : i32
    "tpu.region"() ({
      %run_scoped3A_67 = tpu.sem_alloc : memref<!tpu.dma_semaphore, #tpu.memory_space<semaphore_mem>>
      %dma_start3A_68 = arith.constant 0 : i32
      %dma_start3A_69 = tpu.memref_slice %arg4[%arg0, %mul3A_66, %dma_start3A_68] : memref<2x10000x32xf32, #tpu.memory_space<hbm>> -> memref<1x625x32xf32, #tpu.memory_space<hbm>>
      %dma_start3A_70 = tpu.memref_squeeze %dma_start3A_69 : memref<1x625x32xf32, #tpu.memory_space<hbm>> -> memref<625x32xf32, #tpu.memory_space<hbm>>
      %dma_start3A_71 = arith.constant 0 : i32
      %dma_start3A_72 = tpu.memref_slice %arg5[%mul3A_64, %dma_start3A_71] : memref<10000x32xf32, #tpu.memory_space<vmem_shared>> -> memref<625x32xf32, #tpu.memory_space<vmem_shared>>
      tpu.enqueue_dma source(%dma_start3A_72 : memref<625x32xf32, #tpu.memory_space<vmem_shared>>) target(%dma_start3A_70 : memref<625x32xf32, #tpu.memory_space<hbm>>) target_semaphore(%run_scoped3A_67 : memref<!tpu.dma_semaphore, #tpu.memory_space<semaphore_mem>>)
      %dma_wait3A_73 = arith.constant 0 : i32
      %dma_wait3A_74 = tpu.memref_slice %arg4[%arg0, %mul3A_66, %dma_wait3A_73] : memref<2x10000x32xf32, #tpu.memory_space<hbm>> -> memref<1x625x32xf32, #tpu.memory_space<hbm>>
      %dma_wait3A_75 = tpu.memref_squeeze %dma_wait3A_74 : memref<1x625x32xf32, #tpu.memory_space<hbm>> -> memref<625x32xf32, #tpu.memory_space<hbm>>
      %dma_wait3A_76 = arith.constant 0 : i32
      %dma_wait3A_77 = tpu.memref_slice %arg5[%mul3A_64, %dma_wait3A_76] : memref<10000x32xf32, #tpu.memory_space<vmem_shared>> -> memref<625x32xf32, #tpu.memory_space<vmem_shared>>
      tpu.wait_dma2 semaphore(%run_scoped3A_67 : memref<!tpu.dma_semaphore, #tpu.memory_space<semaphore_mem>>) src(%dma_wait3A_77 : memref<625x32xf32, #tpu.memory_space<vmem_shared>>) dst(%dma_wait3A_75 : memref<625x32xf32, #tpu.memory_space<hbm>>)
      tpu.yield
    }) : () -> ()
    return
  }
}

#map = affine_map<(d0, d1) -> (0, 0, 0, 0)>
#map1 = affine_map<(d0, d1) -> (0, 0)>
#map2 = affine_map<(d0, d1) -> (0, 0, 0)>
module attributes {stable_mosaic.version = 14 : i64} {
  func.func @body(%arg0: i32, %arg1: i32, %arg2: memref<2x32x125x80xi32, #tpu.memory_space<hbm>>, %arg3: memref<10000x128xf32, #tpu.memory_space<hbm>>, %arg4: memref<2x10000x128xf32, #tpu.memory_space<hbm>>, %arg5: memref<10000x128xf32, #tpu.memory_space<vmem_shared>>, %arg6: memref<125x80xi32, #tpu.memory_space<vmem>>, %arg7: memref<125x80xi32, #tpu.memory_space<vmem>>, %arg8: memref<80x128xf32, #tpu.memory_space<vmem>>, %arg9: memref<80x128xf32, #tpu.memory_space<vmem>>, %arg10: memref<80x128xf32, #tpu.memory_space<vmem>>, %arg11: memref<!tpu.dma_semaphore, #tpu.memory_space<semaphore_mem>>, %arg12: memref<!tpu.dma_semaphore, #tpu.memory_space<semaphore_mem>>, %arg13: memref<!tpu.dma_semaphore, #tpu.memory_space<semaphore_mem>>) attributes {dimension_semantics = [#tpu.dimension_semantics<core_parallel>, #tpu.dimension_semantics<subcore_parallel>], iteration_bounds = array<i64: 2, 16>, scalar_prefetch = 0 : i64, scratch_operands = 9 : i64, tpu.core_type = #tpu.core_type<sc_vector_subcore>, window_params = [{transform_indices = #map}, {transform_indices = #map1}, {transform_indices = #map2}]} {
    %mul3A = arith.constant 16 : i32
    %mul3A_0 = arith.muli %arg0, %mul3A : i32
    %add3A = arith.addi %mul3A_0, %arg1 : i32
    %run_scoped3A = arith.constant 0 : i32
    "tpu.region"() ({
      %run_scoped3A_171 = tpu.sem_alloc : memref<!tpu.dma_semaphore, #tpu.memory_space<semaphore_mem>>
      %dma_start3A_172 = arith.constant 0 : i32
      %dma_start3A_173 = arith.constant 0 : i32
      %dma_start3A_174 = tpu.memref_slice %arg2[%run_scoped3A, %add3A, %dma_start3A_172, %dma_start3A_173] : memref<2x32x125x80xi32, #tpu.memory_space<hbm>> -> memref<1x1x125x80xi32, #tpu.memory_space<hbm>>
      %dma_start3A_175 = tpu.memref_squeeze %dma_start3A_174 : memref<1x1x125x80xi32, #tpu.memory_space<hbm>> -> memref<125x80xi32, #tpu.memory_space<hbm>>
      %dma_start3A_176 = arith.constant 0 : i32
      %dma_start3A_177 = arith.constant 0 : i32
      %dma_start3A_178 = tpu.memref_slice %arg2[%run_scoped3A, %add3A, %dma_start3A_176, %dma_start3A_177] : memref<2x32x125x80xi32, #tpu.memory_space<hbm>> -> memref<1x1x125x80xi32, #tpu.memory_space<hbm>>
      %dma_start3A_179 = tpu.memref_squeeze %dma_start3A_178 : memref<1x1x125x80xi32, #tpu.memory_space<hbm>> -> memref<125x80xi32, #tpu.memory_space<hbm>>
      tpu.enqueue_dma source(%dma_start3A_179 : memref<125x80xi32, #tpu.memory_space<hbm>>) target(%arg6 : memref<125x80xi32, #tpu.memory_space<vmem>>) target_semaphore(%run_scoped3A_171 : memref<!tpu.dma_semaphore, #tpu.memory_space<semaphore_mem>>)
      %dma_wait3A_180 = arith.constant 0 : i32
      %dma_wait3A_181 = arith.constant 0 : i32
      %dma_wait3A_182 = tpu.memref_slice %arg2[%run_scoped3A, %add3A, %dma_wait3A_180, %dma_wait3A_181] : memref<2x32x125x80xi32, #tpu.memory_space<hbm>> -> memref<1x1x125x80xi32, #tpu.memory_space<hbm>>
      %dma_wait3A_183 = tpu.memref_squeeze %dma_wait3A_182 : memref<1x1x125x80xi32, #tpu.memory_space<hbm>> -> memref<125x80xi32, #tpu.memory_space<hbm>>
      %dma_wait3A_184 = arith.constant 0 : i32
      %dma_wait3A_185 = arith.constant 0 : i32
      %dma_wait3A_186 = tpu.memref_slice %arg2[%run_scoped3A, %add3A, %dma_wait3A_184, %dma_wait3A_185] : memref<2x32x125x80xi32, #tpu.memory_space<hbm>> -> memref<1x1x125x80xi32, #tpu.memory_space<hbm>>
      %dma_wait3A_187 = tpu.memref_squeeze %dma_wait3A_186 : memref<1x1x125x80xi32, #tpu.memory_space<hbm>> -> memref<125x80xi32, #tpu.memory_space<hbm>>
      tpu.wait_dma2 semaphore(%run_scoped3A_171 : memref<!tpu.dma_semaphore, #tpu.memory_space<semaphore_mem>>) src(%dma_wait3A_187 : memref<125x80xi32, #tpu.memory_space<hbm>>) dst(%arg6 : memref<125x80xi32, #tpu.memory_space<vmem>>)
      tpu.yield
    }) : () -> ()
    %run_scoped3A_1 = arith.constant 1 : i32
    "tpu.region"() ({
      %run_scoped3A_171 = tpu.sem_alloc : memref<!tpu.dma_semaphore, #tpu.memory_space<semaphore_mem>>
      %dma_start3A_172 = arith.constant 0 : i32
      %dma_start3A_173 = arith.constant 0 : i32
      %dma_start3A_174 = tpu.memref_slice %arg2[%run_scoped3A_1, %add3A, %dma_start3A_172, %dma_start3A_173] : memref<2x32x125x80xi32, #tpu.memory_space<hbm>> -> memref<1x1x125x80xi32, #tpu.memory_space<hbm>>
      %dma_start3A_175 = tpu.memref_squeeze %dma_start3A_174 : memref<1x1x125x80xi32, #tpu.memory_space<hbm>> -> memref<125x80xi32, #tpu.memory_space<hbm>>
      %dma_start3A_176 = arith.constant 0 : i32
      %dma_start3A_177 = arith.constant 0 : i32
      %dma_start3A_178 = tpu.memref_slice %arg2[%run_scoped3A_1, %add3A, %dma_start3A_176, %dma_start3A_177] : memref<2x32x125x80xi32, #tpu.memory_space<hbm>> -> memref<1x1x125x80xi32, #tpu.memory_space<hbm>>
      %dma_start3A_179 = tpu.memref_squeeze %dma_start3A_178 : memref<1x1x125x80xi32, #tpu.memory_space<hbm>> -> memref<125x80xi32, #tpu.memory_space<hbm>>
      tpu.enqueue_dma source(%dma_start3A_179 : memref<125x80xi32, #tpu.memory_space<hbm>>) target(%arg7 : memref<125x80xi32, #tpu.memory_space<vmem>>) target_semaphore(%run_scoped3A_171 : memref<!tpu.dma_semaphore, #tpu.memory_space<semaphore_mem>>)
      %dma_wait3A_180 = arith.constant 0 : i32
      %dma_wait3A_181 = arith.constant 0 : i32
      %dma_wait3A_182 = tpu.memref_slice %arg2[%run_scoped3A_1, %add3A, %dma_wait3A_180, %dma_wait3A_181] : memref<2x32x125x80xi32, #tpu.memory_space<hbm>> -> memref<1x1x125x80xi32, #tpu.memory_space<hbm>>
      %dma_wait3A_183 = tpu.memref_squeeze %dma_wait3A_182 : memref<1x1x125x80xi32, #tpu.memory_space<hbm>> -> memref<125x80xi32, #tpu.memory_space<hbm>>
      %dma_wait3A_184 = arith.constant 0 : i32
      %dma_wait3A_185 = arith.constant 0 : i32
      %dma_wait3A_186 = tpu.memref_slice %arg2[%run_scoped3A_1, %add3A, %dma_wait3A_184, %dma_wait3A_185] : memref<2x32x125x80xi32, #tpu.memory_space<hbm>> -> memref<1x1x125x80xi32, #tpu.memory_space<hbm>>
      %dma_wait3A_187 = tpu.memref_squeeze %dma_wait3A_186 : memref<1x1x125x80xi32, #tpu.memory_space<hbm>> -> memref<125x80xi32, #tpu.memory_space<hbm>>
      tpu.wait_dma2 semaphore(%run_scoped3A_171 : memref<!tpu.dma_semaphore, #tpu.memory_space<semaphore_mem>>) src(%dma_wait3A_187 : memref<125x80xi32, #tpu.memory_space<hbm>>) dst(%arg7 : memref<125x80xi32, #tpu.memory_space<vmem>>)
      tpu.yield
    }) : () -> ()
    %dma_start3A = arith.constant 0 : i32
    %dma_start3A_2 = arith.constant 0 : i32
    %dma_start3A_3 = tpu.memref_slice %arg6[%dma_start3A, %dma_start3A_2] : memref<125x80xi32, #tpu.memory_space<vmem>> -> memref<1x80xi32, #tpu.memory_space<vmem>>
    %dma_start3A_4 = tpu.memref_squeeze %dma_start3A_3 : memref<1x80xi32, #tpu.memory_space<vmem>> -> memref<80xi32, #tpu.memory_space<vmem>>
    %dma_start3A_5 = arith.constant 0 : i32
    %dma_start3A_6 = arith.constant 0 : i32
    %dma_start3A_7 = tpu.memref_slice %arg3[%dma_start3A_5, %dma_start3A_6] : memref<10000x128xf32, #tpu.memory_space<hbm>> -> memref<10000x128xf32, #tpu.memory_space<hbm>>
    tpu.enqueue_indirect_dma source(%dma_start3A_7 : memref<10000x128xf32, #tpu.memory_space<hbm>>) target(%arg8 : memref<80x128xf32, #tpu.memory_space<vmem>>) offsets(%dma_start3A_4 : memref<80xi32, #tpu.memory_space<vmem>>) semaphore(%arg11 : memref<!tpu.dma_semaphore, #tpu.memory_space<semaphore_mem>>)
    %dma_start3A_8 = arith.constant 1 : i32
    %dma_start3A_9 = arith.constant 0 : i32
    %dma_start3A_10 = tpu.memref_slice %arg6[%dma_start3A_8, %dma_start3A_9] : memref<125x80xi32, #tpu.memory_space<vmem>> -> memref<1x80xi32, #tpu.memory_space<vmem>>
    %dma_start3A_11 = tpu.memref_squeeze %dma_start3A_10 : memref<1x80xi32, #tpu.memory_space<vmem>> -> memref<80xi32, #tpu.memory_space<vmem>>
    %dma_start3A_12 = arith.constant 0 : i32
    %dma_start3A_13 = arith.constant 0 : i32
    %dma_start3A_14 = tpu.memref_slice %arg3[%dma_start3A_12, %dma_start3A_13] : memref<10000x128xf32, #tpu.memory_space<hbm>> -> memref<10000x128xf32, #tpu.memory_space<hbm>>
    tpu.enqueue_indirect_dma source(%dma_start3A_14 : memref<10000x128xf32, #tpu.memory_space<hbm>>) target(%arg9 : memref<80x128xf32, #tpu.memory_space<vmem>>) offsets(%dma_start3A_11 : memref<80xi32, #tpu.memory_space<vmem>>) semaphore(%arg12 : memref<!tpu.dma_semaphore, #tpu.memory_space<semaphore_mem>>)
    %broadcast_in_dim3A = arith.constant 0.000000e+00 : f32
    %broadcast_in_dim3A_15 = vector.broadcast %broadcast_in_dim3A : f32 to vector<16xf32>
    %scan3A = arith.constant 0 : i32
    %scan3A_16 = arith.constant 0 : i32
    %scan3A_17 = arith.constant 80 : i32
    %scan3A_18 = arith.addi %scan3A_16, %scan3A_17 : i32
    %scan3A_19 = arith.constant 1 : i32
    %scan3A_20 = scf.for %scan3A_171 = %scan3A_16 to %scan3A_18 step %scan3A_19 iter_args(%scan3A_172 = %scan3A) -> (i32)  : i32 {
      %swap3A = arith.index_cast %scan3A_171 : i32 to index
      %swap3A_173 = arith.constant 0 : index
      %swap3A_174 = tpu.vector_load %arg10[%swap3A, %swap3A_173] {strides = array<i32>} : memref<80x128xf32, #tpu.memory_space<vmem>>, vector<1x16xf32>,
      %swap3A_175 = vector.shape_cast %swap3A_174 : vector<1x16xf32> to vector<16xf32>
      %swap3A_176 = vector.shape_cast %broadcast_in_dim3A_15 : vector<16xf32> to vector<1x16xf32>
      tpu.vector_store %arg10[%swap3A, %swap3A_173], %swap3A_176 {strides = array<i32>} : memref<80x128xf32, #tpu.memory_space<vmem>>, vector<1x16xf32>,
      %swap3A_177 = arith.index_cast %scan3A_171 : i32 to index
      %swap3A_178 = arith.constant 16 : index
      %swap3A_179 = tpu.vector_load %arg10[%swap3A_177, %swap3A_178] {strides = array<i32>} : memref<80x128xf32, #tpu.memory_space<vmem>>, vector<1x16xf32>,
      %swap3A_180 = vector.shape_cast %swap3A_179 : vector<1x16xf32> to vector<16xf32>
      %swap3A_181 = vector.shape_cast %broadcast_in_dim3A_15 : vector<16xf32> to vector<1x16xf32>
      tpu.vector_store %arg10[%swap3A_177, %swap3A_178], %swap3A_181 {strides = array<i32>} : memref<80x128xf32, #tpu.memory_space<vmem>>, vector<1x16xf32>,
      %swap3A_182 = arith.index_cast %scan3A_171 : i32 to index
      %swap3A_183 = arith.constant 32 : index
      %swap3A_184 = tpu.vector_load %arg10[%swap3A_182, %swap3A_183] {strides = array<i32>} : memref<80x128xf32, #tpu.memory_space<vmem>>, vector<1x16xf32>,
      %swap3A_185 = vector.shape_cast %swap3A_184 : vector<1x16xf32> to vector<16xf32>
      %swap3A_186 = vector.shape_cast %broadcast_in_dim3A_15 : vector<16xf32> to vector<1x16xf32>
      tpu.vector_store %arg10[%swap3A_182, %swap3A_183], %swap3A_186 {strides = array<i32>} : memref<80x128xf32, #tpu.memory_space<vmem>>, vector<1x16xf32>,
      %swap3A_187 = arith.index_cast %scan3A_171 : i32 to index
      %swap3A_188 = arith.constant 48 : index
      %swap3A_189 = tpu.vector_load %arg10[%swap3A_187, %swap3A_188] {strides = array<i32>} : memref<80x128xf32, #tpu.memory_space<vmem>>, vector<1x16xf32>,
      %swap3A_190 = vector.shape_cast %swap3A_189 : vector<1x16xf32> to vector<16xf32>
      %swap3A_191 = vector.shape_cast %broadcast_in_dim3A_15 : vector<16xf32> to vector<1x16xf32>
      tpu.vector_store %arg10[%swap3A_187, %swap3A_188], %swap3A_191 {strides = array<i32>} : memref<80x128xf32, #tpu.memory_space<vmem>>, vector<1x16xf32>,
      %swap3A_192 = arith.index_cast %scan3A_171 : i32 to index
      %swap3A_193 = arith.constant 64 : index
      %swap3A_194 = tpu.vector_load %arg10[%swap3A_192, %swap3A_193] {strides = array<i32>} : memref<80x128xf32, #tpu.memory_space<vmem>>, vector<1x16xf32>,
      %swap3A_195 = vector.shape_cast %swap3A_194 : vector<1x16xf32> to vector<16xf32>
      %swap3A_196 = vector.shape_cast %broadcast_in_dim3A_15 : vector<16xf32> to vector<1x16xf32>
      tpu.vector_store %arg10[%swap3A_192, %swap3A_193], %swap3A_196 {strides = array<i32>} : memref<80x128xf32, #tpu.memory_space<vmem>>, vector<1x16xf32>,
      %swap3A_197 = arith.index_cast %scan3A_171 : i32 to index
      %swap3A_198 = arith.constant 80 : index
      %swap3A_199 = tpu.vector_load %arg10[%swap3A_197, %swap3A_198] {strides = array<i32>} : memref<80x128xf32, #tpu.memory_space<vmem>>, vector<1x16xf32>,
      %swap3A_200 = vector.shape_cast %swap3A_199 : vector<1x16xf32> to vector<16xf32>
      %swap3A_201 = vector.shape_cast %broadcast_in_dim3A_15 : vector<16xf32> to vector<1x16xf32>
      tpu.vector_store %arg10[%swap3A_197, %swap3A_198], %swap3A_201 {strides = array<i32>} : memref<80x128xf32, #tpu.memory_space<vmem>>, vector<1x16xf32>,
      %swap3A_202 = arith.index_cast %scan3A_171 : i32 to index
      %swap3A_203 = arith.constant 96 : index
      %swap3A_204 = tpu.vector_load %arg10[%swap3A_202, %swap3A_203] {strides = array<i32>} : memref<80x128xf32, #tpu.memory_space<vmem>>, vector<1x16xf32>,
      %swap3A_205 = vector.shape_cast %swap3A_204 : vector<1x16xf32> to vector<16xf32>
      %swap3A_206 = vector.shape_cast %broadcast_in_dim3A_15 : vector<16xf32> to vector<1x16xf32>
      tpu.vector_store %arg10[%swap3A_202, %swap3A_203], %swap3A_206 {strides = array<i32>} : memref<80x128xf32, #tpu.memory_space<vmem>>, vector<1x16xf32>,
      %swap3A_207 = arith.index_cast %scan3A_171 : i32 to index
      %swap3A_208 = arith.constant 112 : index
      %swap3A_209 = tpu.vector_load %arg10[%swap3A_207, %swap3A_208] {strides = array<i32>} : memref<80x128xf32, #tpu.memory_space<vmem>>, vector<1x16xf32>,
      %swap3A_210 = vector.shape_cast %swap3A_209 : vector<1x16xf32> to vector<16xf32>
      %swap3A_211 = vector.shape_cast %broadcast_in_dim3A_15 : vector<16xf32> to vector<1x16xf32>
      tpu.vector_store %arg10[%swap3A_207, %swap3A_208], %swap3A_211 {strides = array<i32>} : memref<80x128xf32, #tpu.memory_space<vmem>>, vector<1x16xf32>,
      %scan3A_212 = arith.constant 0 : i32
      scf.yield %scan3A_212 : i32
    }
    %scan3A_21 = arith.constant 80 : i32
    %mul3A_22 = arith.constant 625 : i32
    %mul3A_23 = arith.muli %arg1, %mul3A_22 : i32
    %add3A_24 = arith.constant 0 : i32
    %add3A_25 = arith.addi %mul3A_23, %add3A_24 : i32
    "tpu.region"() ({
      %run_scoped3A_171 = tpu.sem_alloc : memref<!tpu.dma_semaphore, #tpu.memory_space<semaphore_mem>>
      %dma_start3A_172 = arith.constant 0 : i32
      %dma_start3A_173 = tpu.memref_slice %arg5[%add3A_25, %dma_start3A_172] : memref<10000x128xf32, #tpu.memory_space<vmem_shared>> -> memref<80x128xf32, #tpu.memory_space<vmem_shared>>
      %dma_start3A_174 = arith.constant 0 : i32
      %dma_start3A_175 = tpu.memref_slice %arg5[%add3A_25, %dma_start3A_174] : memref<10000x128xf32, #tpu.memory_space<vmem_shared>> -> memref<80x128xf32, #tpu.memory_space<vmem_shared>>
      tpu.enqueue_dma source(%arg10 : memref<80x128xf32, #tpu.memory_space<vmem>>) target(%dma_start3A_175 : memref<80x128xf32, #tpu.memory_space<vmem_shared>>) target_semaphore(%run_scoped3A_171 : memref<!tpu.dma_semaphore, #tpu.memory_space<semaphore_mem>>)
      %dma_wait3A_176 = arith.constant 0 : i32
      %dma_wait3A_177 = tpu.memref_slice %arg5[%add3A_25, %dma_wait3A_176] : memref<10000x128xf32, #tpu.memory_space<vmem_shared>> -> memref<80x128xf32, #tpu.memory_space<vmem_shared>>
      %dma_wait3A_178 = arith.constant 0 : i32
      %dma_wait3A_179 = tpu.memref_slice %arg5[%add3A_25, %dma_wait3A_178] : memref<10000x128xf32, #tpu.memory_space<vmem_shared>> -> memref<80x128xf32, #tpu.memory_space<vmem_shared>>
      tpu.wait_dma2 semaphore(%run_scoped3A_171 : memref<!tpu.dma_semaphore, #tpu.memory_space<semaphore_mem>>) src(%arg10 : memref<80x128xf32, #tpu.memory_space<vmem>>) dst(%dma_wait3A_179 : memref<80x128xf32, #tpu.memory_space<vmem_shared>>)
      tpu.yield
    }) : () -> ()
    %mul3A_26 = arith.constant 625 : i32
    %mul3A_27 = arith.muli %arg1, %mul3A_26 : i32
    %add3A_28 = arith.constant 80 : i32
    %add3A_29 = arith.addi %mul3A_27, %add3A_28 : i32
    "tpu.region"() ({
      %run_scoped3A_171 = tpu.sem_alloc : memref<!tpu.dma_semaphore, #tpu.memory_space<semaphore_mem>>
      %dma_start3A_172 = arith.constant 0 : i32
      %dma_start3A_173 = tpu.memref_slice %arg5[%add3A_29, %dma_start3A_172] : memref<10000x128xf32, #tpu.memory_space<vmem_shared>> -> memref<80x128xf32, #tpu.memory_space<vmem_shared>>
      %dma_start3A_174 = arith.constant 0 : i32
      %dma_start3A_175 = tpu.memref_slice %arg5[%add3A_29, %dma_start3A_174] : memref<10000x128xf32, #tpu.memory_space<vmem_shared>> -> memref<80x128xf32, #tpu.memory_space<vmem_shared>>
      tpu.enqueue_dma source(%arg10 : memref<80x128xf32, #tpu.memory_space<vmem>>) target(%dma_start3A_175 : memref<80x128xf32, #tpu.memory_space<vmem_shared>>) target_semaphore(%run_scoped3A_171 : memref<!tpu.dma_semaphore, #tpu.memory_space<semaphore_mem>>)
      %dma_wait3A_176 = arith.constant 0 : i32
      %dma_wait3A_177 = tpu.memref_slice %arg5[%add3A_29, %dma_wait3A_176] : memref<10000x128xf32, #tpu.memory_space<vmem_shared>> -> memref<80x128xf32, #tpu.memory_space<vmem_shared>>
      %dma_wait3A_178 = arith.constant 0 : i32
      %dma_wait3A_179 = tpu.memref_slice %arg5[%add3A_29, %dma_wait3A_178] : memref<10000x128xf32, #tpu.memory_space<vmem_shared>> -> memref<80x128xf32, #tpu.memory_space<vmem_shared>>
      tpu.wait_dma2 semaphore(%run_scoped3A_171 : memref<!tpu.dma_semaphore, #tpu.memory_space<semaphore_mem>>) src(%arg10 : memref<80x128xf32, #tpu.memory_space<vmem>>) dst(%dma_wait3A_179 : memref<80x128xf32, #tpu.memory_space<vmem_shared>>)
      tpu.yield
    }) : () -> ()
    %mul3A_30 = arith.constant 625 : i32
    %mul3A_31 = arith.muli %arg1, %mul3A_30 : i32
    %add3A_32 = arith.constant 160 : i32
    %add3A_33 = arith.addi %mul3A_31, %add3A_32 : i32
    "tpu.region"() ({
      %run_scoped3A_171 = tpu.sem_alloc : memref<!tpu.dma_semaphore, #tpu.memory_space<semaphore_mem>>
      %dma_start3A_172 = arith.constant 0 : i32
      %dma_start3A_173 = tpu.memref_slice %arg5[%add3A_33, %dma_start3A_172] : memref<10000x128xf32, #tpu.memory_space<vmem_shared>> -> memref<80x128xf32, #tpu.memory_space<vmem_shared>>
      %dma_start3A_174 = arith.constant 0 : i32
      %dma_start3A_175 = tpu.memref_slice %arg5[%add3A_33, %dma_start3A_174] : memref<10000x128xf32, #tpu.memory_space<vmem_shared>> -> memref<80x128xf32, #tpu.memory_space<vmem_shared>>
      tpu.enqueue_dma source(%arg10 : memref<80x128xf32, #tpu.memory_space<vmem>>) target(%dma_start3A_175 : memref<80x128xf32, #tpu.memory_space<vmem_shared>>) target_semaphore(%run_scoped3A_171 : memref<!tpu.dma_semaphore, #tpu.memory_space<semaphore_mem>>)
      %dma_wait3A_176 = arith.constant 0 : i32
      %dma_wait3A_177 = tpu.memref_slice %arg5[%add3A_33, %dma_wait3A_176] : memref<10000x128xf32, #tpu.memory_space<vmem_shared>> -> memref<80x128xf32, #tpu.memory_space<vmem_shared>>
      %dma_wait3A_178 = arith.constant 0 : i32
      %dma_wait3A_179 = tpu.memref_slice %arg5[%add3A_33, %dma_wait3A_178] : memref<10000x128xf32, #tpu.memory_space<vmem_shared>> -> memref<80x128xf32, #tpu.memory_space<vmem_shared>>
      tpu.wait_dma2 semaphore(%run_scoped3A_171 : memref<!tpu.dma_semaphore, #tpu.memory_space<semaphore_mem>>) src(%arg10 : memref<80x128xf32, #tpu.memory_space<vmem>>) dst(%dma_wait3A_179 : memref<80x128xf32, #tpu.memory_space<vmem_shared>>)
      tpu.yield
    }) : () -> ()
    %mul3A_34 = arith.constant 625 : i32
    %mul3A_35 = arith.muli %arg1, %mul3A_34 : i32
    %add3A_36 = arith.constant 240 : i32
    %add3A_37 = arith.addi %mul3A_35, %add3A_36 : i32
    "tpu.region"() ({
      %run_scoped3A_171 = tpu.sem_alloc : memref<!tpu.dma_semaphore, #tpu.memory_space<semaphore_mem>>
      %dma_start3A_172 = arith.constant 0 : i32
      %dma_start3A_173 = tpu.memref_slice %arg5[%add3A_37, %dma_start3A_172] : memref<10000x128xf32, #tpu.memory_space<vmem_shared>> -> memref<80x128xf32, #tpu.memory_space<vmem_shared>>
      %dma_start3A_174 = arith.constant 0 : i32
      %dma_start3A_175 = tpu.memref_slice %arg5[%add3A_37, %dma_start3A_174] : memref<10000x128xf32, #tpu.memory_space<vmem_shared>> -> memref<80x128xf32, #tpu.memory_space<vmem_shared>>
      tpu.enqueue_dma source(%arg10 : memref<80x128xf32, #tpu.memory_space<vmem>>) target(%dma_start3A_175 : memref<80x128xf32, #tpu.memory_space<vmem_shared>>) target_semaphore(%run_scoped3A_171 : memref<!tpu.dma_semaphore, #tpu.memory_space<semaphore_mem>>)
      %dma_wait3A_176 = arith.constant 0 : i32
      %dma_wait3A_177 = tpu.memref_slice %arg5[%add3A_37, %dma_wait3A_176] : memref<10000x128xf32, #tpu.memory_space<vmem_shared>> -> memref<80x128xf32, #tpu.memory_space<vmem_shared>>
      %dma_wait3A_178 = arith.constant 0 : i32
      %dma_wait3A_179 = tpu.memref_slice %arg5[%add3A_37, %dma_wait3A_178] : memref<10000x128xf32, #tpu.memory_space<vmem_shared>> -> memref<80x128xf32, #tpu.memory_space<vmem_shared>>
      tpu.wait_dma2 semaphore(%run_scoped3A_171 : memref<!tpu.dma_semaphore, #tpu.memory_space<semaphore_mem>>) src(%arg10 : memref<80x128xf32, #tpu.memory_space<vmem>>) dst(%dma_wait3A_179 : memref<80x128xf32, #tpu.memory_space<vmem_shared>>)
      tpu.yield
    }) : () -> ()
    %mul3A_38 = arith.constant 625 : i32
    %mul3A_39 = arith.muli %arg1, %mul3A_38 : i32
    %add3A_40 = arith.constant 320 : i32
    %add3A_41 = arith.addi %mul3A_39, %add3A_40 : i32
    "tpu.region"() ({
      %run_scoped3A_171 = tpu.sem_alloc : memref<!tpu.dma_semaphore, #tpu.memory_space<semaphore_mem>>
      %dma_start3A_172 = arith.constant 0 : i32
      %dma_start3A_173 = tpu.memref_slice %arg5[%add3A_41, %dma_start3A_172] : memref<10000x128xf32, #tpu.memory_space<vmem_shared>> -> memref<80x128xf32, #tpu.memory_space<vmem_shared>>
      %dma_start3A_174 = arith.constant 0 : i32
      %dma_start3A_175 = tpu.memref_slice %arg5[%add3A_41, %dma_start3A_174] : memref<10000x128xf32, #tpu.memory_space<vmem_shared>> -> memref<80x128xf32, #tpu.memory_space<vmem_shared>>
      tpu.enqueue_dma source(%arg10 : memref<80x128xf32, #tpu.memory_space<vmem>>) target(%dma_start3A_175 : memref<80x128xf32, #tpu.memory_space<vmem_shared>>) target_semaphore(%run_scoped3A_171 : memref<!tpu.dma_semaphore, #tpu.memory_space<semaphore_mem>>)
      %dma_wait3A_176 = arith.constant 0 : i32
      %dma_wait3A_177 = tpu.memref_slice %arg5[%add3A_41, %dma_wait3A_176] : memref<10000x128xf32, #tpu.memory_space<vmem_shared>> -> memref<80x128xf32, #tpu.memory_space<vmem_shared>>
      %dma_wait3A_178 = arith.constant 0 : i32
      %dma_wait3A_179 = tpu.memref_slice %arg5[%add3A_41, %dma_wait3A_178] : memref<10000x128xf32, #tpu.memory_space<vmem_shared>> -> memref<80x128xf32, #tpu.memory_space<vmem_shared>>
      tpu.wait_dma2 semaphore(%run_scoped3A_171 : memref<!tpu.dma_semaphore, #tpu.memory_space<semaphore_mem>>) src(%arg10 : memref<80x128xf32, #tpu.memory_space<vmem>>) dst(%dma_wait3A_179 : memref<80x128xf32, #tpu.memory_space<vmem_shared>>)
      tpu.yield
    }) : () -> ()
    %mul3A_42 = arith.constant 625 : i32
    %mul3A_43 = arith.muli %arg1, %mul3A_42 : i32
    %add3A_44 = arith.constant 400 : i32
    %add3A_45 = arith.addi %mul3A_43, %add3A_44 : i32
    "tpu.region"() ({
      %run_scoped3A_171 = tpu.sem_alloc : memref<!tpu.dma_semaphore, #tpu.memory_space<semaphore_mem>>
      %dma_start3A_172 = arith.constant 0 : i32
      %dma_start3A_173 = tpu.memref_slice %arg5[%add3A_45, %dma_start3A_172] : memref<10000x128xf32, #tpu.memory_space<vmem_shared>> -> memref<80x128xf32, #tpu.memory_space<vmem_shared>>
      %dma_start3A_174 = arith.constant 0 : i32
      %dma_start3A_175 = tpu.memref_slice %arg5[%add3A_45, %dma_start3A_174] : memref<10000x128xf32, #tpu.memory_space<vmem_shared>> -> memref<80x128xf32, #tpu.memory_space<vmem_shared>>
      tpu.enqueue_dma source(%arg10 : memref<80x128xf32, #tpu.memory_space<vmem>>) target(%dma_start3A_175 : memref<80x128xf32, #tpu.memory_space<vmem_shared>>) target_semaphore(%run_scoped3A_171 : memref<!tpu.dma_semaphore, #tpu.memory_space<semaphore_mem>>)
      %dma_wait3A_176 = arith.constant 0 : i32
      %dma_wait3A_177 = tpu.memref_slice %arg5[%add3A_45, %dma_wait3A_176] : memref<10000x128xf32, #tpu.memory_space<vmem_shared>> -> memref<80x128xf32, #tpu.memory_space<vmem_shared>>
      %dma_wait3A_178 = arith.constant 0 : i32
      %dma_wait3A_179 = tpu.memref_slice %arg5[%add3A_45, %dma_wait3A_178] : memref<10000x128xf32, #tpu.memory_space<vmem_shared>> -> memref<80x128xf32, #tpu.memory_space<vmem_shared>>
      tpu.wait_dma2 semaphore(%run_scoped3A_171 : memref<!tpu.dma_semaphore, #tpu.memory_space<semaphore_mem>>) src(%arg10 : memref<80x128xf32, #tpu.memory_space<vmem>>) dst(%dma_wait3A_179 : memref<80x128xf32, #tpu.memory_space<vmem_shared>>)
      tpu.yield
    }) : () -> ()
    %mul3A_46 = arith.constant 625 : i32
    %mul3A_47 = arith.muli %arg1, %mul3A_46 : i32
    %add3A_48 = arith.constant 480 : i32
    %add3A_49 = arith.addi %mul3A_47, %add3A_48 : i32
    "tpu.region"() ({
      %run_scoped3A_171 = tpu.sem_alloc : memref<!tpu.dma_semaphore, #tpu.memory_space<semaphore_mem>>
      %dma_start3A_172 = arith.constant 0 : i32
      %dma_start3A_173 = tpu.memref_slice %arg5[%add3A_49, %dma_start3A_172] : memref<10000x128xf32, #tpu.memory_space<vmem_shared>> -> memref<80x128xf32, #tpu.memory_space<vmem_shared>>
      %dma_start3A_174 = arith.constant 0 : i32
      %dma_start3A_175 = tpu.memref_slice %arg5[%add3A_49, %dma_start3A_174] : memref<10000x128xf32, #tpu.memory_space<vmem_shared>> -> memref<80x128xf32, #tpu.memory_space<vmem_shared>>
      tpu.enqueue_dma source(%arg10 : memref<80x128xf32, #tpu.memory_space<vmem>>) target(%dma_start3A_175 : memref<80x128xf32, #tpu.memory_space<vmem_shared>>) target_semaphore(%run_scoped3A_171 : memref<!tpu.dma_semaphore, #tpu.memory_space<semaphore_mem>>)
      %dma_wait3A_176 = arith.constant 0 : i32
      %dma_wait3A_177 = tpu.memref_slice %arg5[%add3A_49, %dma_wait3A_176] : memref<10000x128xf32, #tpu.memory_space<vmem_shared>> -> memref<80x128xf32, #tpu.memory_space<vmem_shared>>
      %dma_wait3A_178 = arith.constant 0 : i32
      %dma_wait3A_179 = tpu.memref_slice %arg5[%add3A_49, %dma_wait3A_178] : memref<10000x128xf32, #tpu.memory_space<vmem_shared>> -> memref<80x128xf32, #tpu.memory_space<vmem_shared>>
      tpu.wait_dma2 semaphore(%run_scoped3A_171 : memref<!tpu.dma_semaphore, #tpu.memory_space<semaphore_mem>>) src(%arg10 : memref<80x128xf32, #tpu.memory_space<vmem>>) dst(%dma_wait3A_179 : memref<80x128xf32, #tpu.memory_space<vmem_shared>>)
      tpu.yield
    }) : () -> ()
    %mul3A_50 = arith.constant 625 : i32
    %mul3A_51 = arith.muli %arg1, %mul3A_50 : i32
    %add3A_52 = arith.constant 560 : i32
    %add3A_53 = arith.addi %mul3A_51, %add3A_52 : i32
    "tpu.region"() ({
      %run_scoped3A_171 = tpu.sem_alloc : memref<!tpu.dma_semaphore, #tpu.memory_space<semaphore_mem>>
      %dma_start3A_172 = arith.constant 0 : i32
      %dma_start3A_173 = arith.constant 0 : i32
      %dma_start3A_174 = tpu.memref_slice %arg10[%dma_start3A_172, %dma_start3A_173] : memref<80x128xf32, #tpu.memory_space<vmem>> -> memref<65x128xf32, #tpu.memory_space<vmem>>
      %dma_start3A_175 = arith.constant 0 : i32
      %dma_start3A_176 = tpu.memref_slice %arg5[%add3A_53, %dma_start3A_175] : memref<10000x128xf32, #tpu.memory_space<vmem_shared>> -> memref<65x128xf32, #tpu.memory_space<vmem_shared>>
      %dma_start3A_177 = arith.constant 0 : i32
      %dma_start3A_178 = tpu.memref_slice %arg5[%add3A_53, %dma_start3A_177] : memref<10000x128xf32, #tpu.memory_space<vmem_shared>> -> memref<65x128xf32, #tpu.memory_space<vmem_shared>>
      %dma_start3A_179 = arith.constant 0 : i32
      %dma_start3A_180 = arith.constant 0 : i32
      %dma_start3A_181 = tpu.memref_slice %arg10[%dma_start3A_179, %dma_start3A_180] : memref<80x128xf32, #tpu.memory_space<vmem>> -> memref<65x128xf32, #tpu.memory_space<vmem>>
      tpu.enqueue_dma source(%dma_start3A_181 : memref<65x128xf32, #tpu.memory_space<vmem>>) target(%dma_start3A_178 : memref<65x128xf32, #tpu.memory_space<vmem_shared>>) target_semaphore(%run_scoped3A_171 : memref<!tpu.dma_semaphore, #tpu.memory_space<semaphore_mem>>)
      %dma_wait3A_182 = arith.constant 0 : i32
      %dma_wait3A_183 = arith.constant 0 : i32
      %dma_wait3A_184 = tpu.memref_slice %arg10[%dma_wait3A_182, %dma_wait3A_183] : memref<80x128xf32, #tpu.memory_space<vmem>> -> memref<65x128xf32, #tpu.memory_space<vmem>>
      %dma_wait3A_185 = arith.constant 0 : i32
      %dma_wait3A_186 = tpu.memref_slice %arg5[%add3A_53, %dma_wait3A_185] : memref<10000x128xf32, #tpu.memory_space<vmem_shared>> -> memref<65x128xf32, #tpu.memory_space<vmem_shared>>
      %dma_wait3A_187 = arith.constant 0 : i32
      %dma_wait3A_188 = tpu.memref_slice %arg5[%add3A_53, %dma_wait3A_187] : memref<10000x128xf32, #tpu.memory_space<vmem_shared>> -> memref<65x128xf32, #tpu.memory_space<vmem_shared>>
      %dma_wait3A_189 = arith.constant 0 : i32
      %dma_wait3A_190 = arith.constant 0 : i32
      %dma_wait3A_191 = tpu.memref_slice %arg10[%dma_wait3A_189, %dma_wait3A_190] : memref<80x128xf32, #tpu.memory_space<vmem>> -> memref<65x128xf32, #tpu.memory_space<vmem>>
      tpu.wait_dma2 semaphore(%run_scoped3A_171 : memref<!tpu.dma_semaphore, #tpu.memory_space<semaphore_mem>>) src(%dma_wait3A_191 : memref<65x128xf32, #tpu.memory_space<vmem>>) dst(%dma_wait3A_188 : memref<65x128xf32, #tpu.memory_space<vmem_shared>>)
      tpu.yield
    }) : () -> ()
    %dma_start3A_54 = arith.constant 2 : i32
    %dma_start3A_55 = arith.constant 0 : i32
    %dma_start3A_56 = tpu.memref_slice %arg6[%dma_start3A_54, %dma_start3A_55] : memref<125x80xi32, #tpu.memory_space<vmem>> -> memref<1x80xi32, #tpu.memory_space<vmem>>
    %dma_start3A_57 = tpu.memref_squeeze %dma_start3A_56 : memref<1x80xi32, #tpu.memory_space<vmem>> -> memref<80xi32, #tpu.memory_space<vmem>>
    %dma_start3A_58 = arith.constant 0 : i32
    %dma_start3A_59 = arith.constant 0 : i32
    %dma_start3A_60 = tpu.memref_slice %arg3[%dma_start3A_58, %dma_start3A_59] : memref<10000x128xf32, #tpu.memory_space<hbm>> -> memref<10000x128xf32, #tpu.memory_space<hbm>>
    tpu.enqueue_indirect_dma source(%dma_start3A_60 : memref<10000x128xf32, #tpu.memory_space<hbm>>) target(%arg10 : memref<80x128xf32, #tpu.memory_space<vmem>>) offsets(%dma_start3A_57 : memref<80xi32, #tpu.memory_space<vmem>>) semaphore(%arg13 : memref<!tpu.dma_semaphore, #tpu.memory_space<semaphore_mem>>)
    %barrier3A = arith.constant 0 : index
    tpu.barrier barrier_id(%barrier3A)
    %dma_wait3A = arith.constant 0 : i32
    %dma_wait3A_61 = arith.constant 0 : i32
    %dma_wait3A_62 = tpu.memref_slice %arg6[%dma_wait3A, %dma_wait3A_61] : memref<125x80xi32, #tpu.memory_space<vmem>> -> memref<1x80xi32, #tpu.memory_space<vmem>>
    %dma_wait3A_63 = tpu.memref_squeeze %dma_wait3A_62 : memref<1x80xi32, #tpu.memory_space<vmem>> -> memref<80xi32, #tpu.memory_space<vmem>>
    %dma_wait3A_64 = arith.constant 0 : i32
    %dma_wait3A_65 = arith.constant 0 : i32
    %dma_wait3A_66 = tpu.memref_slice %arg3[%dma_wait3A_64, %dma_wait3A_65] : memref<10000x128xf32, #tpu.memory_space<hbm>> -> memref<10000x128xf32, #tpu.memory_space<hbm>>
    tpu.wait_indirect_dma semaphore(%arg11 : memref<!tpu.dma_semaphore, #tpu.memory_space<semaphore_mem>>) src(%dma_wait3A_66 : memref<10000x128xf32, #tpu.memory_space<hbm>>) dst(%arg8 : memref<80x128xf32, #tpu.memory_space<vmem>>)
    %run_scoped3A_67 = arith.constant 0 : i32
    "tpu.region"() ({
      %run_scoped3A_171 = tpu.sem_alloc : memref<!tpu.dma_semaphore, #tpu.memory_space<semaphore_mem>>
      %dma_start3A_172 = arith.constant 0 : i32
      %dma_start3A_173 = tpu.memref_slice %arg7[%run_scoped3A_67, %dma_start3A_172] : memref<125x80xi32, #tpu.memory_space<vmem>> -> memref<1x80xi32, #tpu.memory_space<vmem>>
      %dma_start3A_174 = tpu.memref_squeeze %dma_start3A_173 : memref<1x80xi32, #tpu.memory_space<vmem>> -> memref<80xi32, #tpu.memory_space<vmem>>
      %dma_start3A_175 = arith.constant 0 : i32
      %dma_start3A_176 = arith.constant 0 : i32
      %dma_start3A_177 = tpu.memref_slice %arg5[%dma_start3A_175, %dma_start3A_176] : memref<10000x128xf32, #tpu.memory_space<vmem_shared>> -> memref<10000x128xf32, #tpu.memory_space<vmem_shared>>
      tpu.enqueue_indirect_dma source(%arg8 : memref<80x128xf32, #tpu.memory_space<vmem>>) target(%dma_start3A_177 : memref<10000x128xf32, #tpu.memory_space<vmem_shared>>) offsets(%dma_start3A_174 : memref<80xi32, #tpu.memory_space<vmem>>) semaphore(%run_scoped3A_171 : memref<!tpu.dma_semaphore, #tpu.memory_space<semaphore_mem>>) {add = true}
      %dma_wait3A_178 = arith.constant 0 : i32
      %dma_wait3A_179 = tpu.memref_slice %arg7[%run_scoped3A_67, %dma_wait3A_178] : memref<125x80xi32, #tpu.memory_space<vmem>> -> memref<1x80xi32, #tpu.memory_space<vmem>>
      %dma_wait3A_180 = tpu.memref_squeeze %dma_wait3A_179 : memref<1x80xi32, #tpu.memory_space<vmem>> -> memref<80xi32, #tpu.memory_space<vmem>>
      %dma_wait3A_181 = arith.constant 0 : i32
      %dma_wait3A_182 = arith.constant 0 : i32
      %dma_wait3A_183 = tpu.memref_slice %arg5[%dma_wait3A_181, %dma_wait3A_182] : memref<10000x128xf32, #tpu.memory_space<vmem_shared>> -> memref<10000x128xf32, #tpu.memory_space<vmem_shared>>
      tpu.wait_indirect_dma semaphore(%run_scoped3A_171 : memref<!tpu.dma_semaphore, #tpu.memory_space<semaphore_mem>>) src(%arg8 : memref<80x128xf32, #tpu.memory_space<vmem>>) dst(%dma_wait3A_183 : memref<10000x128xf32, #tpu.memory_space<vmem_shared>>)
      tpu.yield
    }) : () -> ()
    %dma_start3A_68 = arith.constant 3 : i32
    %dma_start3A_69 = arith.constant 0 : i32
    %dma_start3A_70 = tpu.memref_slice %arg6[%dma_start3A_68, %dma_start3A_69] : memref<125x80xi32, #tpu.memory_space<vmem>> -> memref<1x80xi32, #tpu.memory_space<vmem>>
    %dma_start3A_71 = tpu.memref_squeeze %dma_start3A_70 : memref<1x80xi32, #tpu.memory_space<vmem>> -> memref<80xi32, #tpu.memory_space<vmem>>
    %dma_start3A_72 = arith.constant 0 : i32
    %dma_start3A_73 = arith.constant 0 : i32
    %dma_start3A_74 = tpu.memref_slice %arg3[%dma_start3A_72, %dma_start3A_73] : memref<10000x128xf32, #tpu.memory_space<hbm>> -> memref<10000x128xf32, #tpu.memory_space<hbm>>
    tpu.enqueue_indirect_dma source(%dma_start3A_74 : memref<10000x128xf32, #tpu.memory_space<hbm>>) target(%arg8 : memref<80x128xf32, #tpu.memory_space<vmem>>) offsets(%dma_start3A_71 : memref<80xi32, #tpu.memory_space<vmem>>) semaphore(%arg11 : memref<!tpu.dma_semaphore, #tpu.memory_space<semaphore_mem>>)
    %dma_wait3A_75 = arith.constant 1 : i32
    %dma_wait3A_76 = arith.constant 0 : i32
    %dma_wait3A_77 = tpu.memref_slice %arg6[%dma_wait3A_75, %dma_wait3A_76] : memref<125x80xi32, #tpu.memory_space<vmem>> -> memref<1x80xi32, #tpu.memory_space<vmem>>
    %dma_wait3A_78 = tpu.memref_squeeze %dma_wait3A_77 : memref<1x80xi32, #tpu.memory_space<vmem>> -> memref<80xi32, #tpu.memory_space<vmem>>
    %dma_wait3A_79 = arith.constant 0 : i32
    %dma_wait3A_80 = arith.constant 0 : i32
    %dma_wait3A_81 = tpu.memref_slice %arg3[%dma_wait3A_79, %dma_wait3A_80] : memref<10000x128xf32, #tpu.memory_space<hbm>> -> memref<10000x128xf32, #tpu.memory_space<hbm>>
    tpu.wait_indirect_dma semaphore(%arg12 : memref<!tpu.dma_semaphore, #tpu.memory_space<semaphore_mem>>) src(%dma_wait3A_81 : memref<10000x128xf32, #tpu.memory_space<hbm>>) dst(%arg9 : memref<80x128xf32, #tpu.memory_space<vmem>>)
    %run_scoped3A_82 = arith.constant 1 : i32
    "tpu.region"() ({
      %run_scoped3A_171 = tpu.sem_alloc : memref<!tpu.dma_semaphore, #tpu.memory_space<semaphore_mem>>
      %dma_start3A_172 = arith.constant 0 : i32
      %dma_start3A_173 = tpu.memref_slice %arg7[%run_scoped3A_82, %dma_start3A_172] : memref<125x80xi32, #tpu.memory_space<vmem>> -> memref<1x80xi32, #tpu.memory_space<vmem>>
      %dma_start3A_174 = tpu.memref_squeeze %dma_start3A_173 : memref<1x80xi32, #tpu.memory_space<vmem>> -> memref<80xi32, #tpu.memory_space<vmem>>
      %dma_start3A_175 = arith.constant 0 : i32
      %dma_start3A_176 = arith.constant 0 : i32
      %dma_start3A_177 = tpu.memref_slice %arg5[%dma_start3A_175, %dma_start3A_176] : memref<10000x128xf32, #tpu.memory_space<vmem_shared>> -> memref<10000x128xf32, #tpu.memory_space<vmem_shared>>
      tpu.enqueue_indirect_dma source(%arg9 : memref<80x128xf32, #tpu.memory_space<vmem>>) target(%dma_start3A_177 : memref<10000x128xf32, #tpu.memory_space<vmem_shared>>) offsets(%dma_start3A_174 : memref<80xi32, #tpu.memory_space<vmem>>) semaphore(%run_scoped3A_171 : memref<!tpu.dma_semaphore, #tpu.memory_space<semaphore_mem>>) {add = true}
      %dma_wait3A_178 = arith.constant 0 : i32
      %dma_wait3A_179 = tpu.memref_slice %arg7[%run_scoped3A_82, %dma_wait3A_178] : memref<125x80xi32, #tpu.memory_space<vmem>> -> memref<1x80xi32, #tpu.memory_space<vmem>>
      %dma_wait3A_180 = tpu.memref_squeeze %dma_wait3A_179 : memref<1x80xi32, #tpu.memory_space<vmem>> -> memref<80xi32, #tpu.memory_space<vmem>>
      %dma_wait3A_181 = arith.constant 0 : i32
      %dma_wait3A_182 = arith.constant 0 : i32
      %dma_wait3A_183 = tpu.memref_slice %arg5[%dma_wait3A_181, %dma_wait3A_182] : memref<10000x128xf32, #tpu.memory_space<vmem_shared>> -> memref<10000x128xf32, #tpu.memory_space<vmem_shared>>
      tpu.wait_indirect_dma semaphore(%run_scoped3A_171 : memref<!tpu.dma_semaphore, #tpu.memory_space<semaphore_mem>>) src(%arg9 : memref<80x128xf32, #tpu.memory_space<vmem>>) dst(%dma_wait3A_183 : memref<10000x128xf32, #tpu.memory_space<vmem_shared>>)
      tpu.yield
    }) : () -> ()
    %dma_start3A_83 = arith.constant 4 : i32
    %dma_start3A_84 = arith.constant 0 : i32
    %dma_start3A_85 = tpu.memref_slice %arg6[%dma_start3A_83, %dma_start3A_84] : memref<125x80xi32, #tpu.memory_space<vmem>> -> memref<1x80xi32, #tpu.memory_space<vmem>>
    %dma_start3A_86 = tpu.memref_squeeze %dma_start3A_85 : memref<1x80xi32, #tpu.memory_space<vmem>> -> memref<80xi32, #tpu.memory_space<vmem>>
    %dma_start3A_87 = arith.constant 0 : i32
    %dma_start3A_88 = arith.constant 0 : i32
    %dma_start3A_89 = tpu.memref_slice %arg3[%dma_start3A_87, %dma_start3A_88] : memref<10000x128xf32, #tpu.memory_space<hbm>> -> memref<10000x128xf32, #tpu.memory_space<hbm>>
    tpu.enqueue_indirect_dma source(%dma_start3A_89 : memref<10000x128xf32, #tpu.memory_space<hbm>>) target(%arg9 : memref<80x128xf32, #tpu.memory_space<vmem>>) offsets(%dma_start3A_86 : memref<80xi32, #tpu.memory_space<vmem>>) semaphore(%arg12 : memref<!tpu.dma_semaphore, #tpu.memory_space<semaphore_mem>>)
    %dma_wait3A_90 = arith.constant 2 : i32
    %dma_wait3A_91 = arith.constant 0 : i32
    %dma_wait3A_92 = tpu.memref_slice %arg6[%dma_wait3A_90, %dma_wait3A_91] : memref<125x80xi32, #tpu.memory_space<vmem>> -> memref<1x80xi32, #tpu.memory_space<vmem>>
    %dma_wait3A_93 = tpu.memref_squeeze %dma_wait3A_92 : memref<1x80xi32, #tpu.memory_space<vmem>> -> memref<80xi32, #tpu.memory_space<vmem>>
    %dma_wait3A_94 = arith.constant 0 : i32
    %dma_wait3A_95 = arith.constant 0 : i32
    %dma_wait3A_96 = tpu.memref_slice %arg3[%dma_wait3A_94, %dma_wait3A_95] : memref<10000x128xf32, #tpu.memory_space<hbm>> -> memref<10000x128xf32, #tpu.memory_space<hbm>>
    tpu.wait_indirect_dma semaphore(%arg13 : memref<!tpu.dma_semaphore, #tpu.memory_space<semaphore_mem>>) src(%dma_wait3A_96 : memref<10000x128xf32, #tpu.memory_space<hbm>>) dst(%arg10 : memref<80x128xf32, #tpu.memory_space<vmem>>)
    %run_scoped3A_97 = arith.constant 2 : i32
    "tpu.region"() ({
      %run_scoped3A_171 = tpu.sem_alloc : memref<!tpu.dma_semaphore, #tpu.memory_space<semaphore_mem>>
      %dma_start3A_172 = arith.constant 0 : i32
      %dma_start3A_173 = tpu.memref_slice %arg7[%run_scoped3A_97, %dma_start3A_172] : memref<125x80xi32, #tpu.memory_space<vmem>> -> memref<1x80xi32, #tpu.memory_space<vmem>>
      %dma_start3A_174 = tpu.memref_squeeze %dma_start3A_173 : memref<1x80xi32, #tpu.memory_space<vmem>> -> memref<80xi32, #tpu.memory_space<vmem>>
      %dma_start3A_175 = arith.constant 0 : i32
      %dma_start3A_176 = arith.constant 0 : i32
      %dma_start3A_177 = tpu.memref_slice %arg5[%dma_start3A_175, %dma_start3A_176] : memref<10000x128xf32, #tpu.memory_space<vmem_shared>> -> memref<10000x128xf32, #tpu.memory_space<vmem_shared>>
      tpu.enqueue_indirect_dma source(%arg10 : memref<80x128xf32, #tpu.memory_space<vmem>>) target(%dma_start3A_177 : memref<10000x128xf32, #tpu.memory_space<vmem_shared>>) offsets(%dma_start3A_174 : memref<80xi32, #tpu.memory_space<vmem>>) semaphore(%run_scoped3A_171 : memref<!tpu.dma_semaphore, #tpu.memory_space<semaphore_mem>>) {add = true}
      %dma_wait3A_178 = arith.constant 0 : i32
      %dma_wait3A_179 = tpu.memref_slice %arg7[%run_scoped3A_97, %dma_wait3A_178] : memref<125x80xi32, #tpu.memory_space<vmem>> -> memref<1x80xi32, #tpu.memory_space<vmem>>
      %dma_wait3A_180 = tpu.memref_squeeze %dma_wait3A_179 : memref<1x80xi32, #tpu.memory_space<vmem>> -> memref<80xi32, #tpu.memory_space<vmem>>
      %dma_wait3A_181 = arith.constant 0 : i32
      %dma_wait3A_182 = arith.constant 0 : i32
      %dma_wait3A_183 = tpu.memref_slice %arg5[%dma_wait3A_181, %dma_wait3A_182] : memref<10000x128xf32, #tpu.memory_space<vmem_shared>> -> memref<10000x128xf32, #tpu.memory_space<vmem_shared>>
      tpu.wait_indirect_dma semaphore(%run_scoped3A_171 : memref<!tpu.dma_semaphore, #tpu.memory_space<semaphore_mem>>) src(%arg10 : memref<80x128xf32, #tpu.memory_space<vmem>>) dst(%dma_wait3A_183 : memref<10000x128xf32, #tpu.memory_space<vmem_shared>>)
      tpu.yield
    }) : () -> ()
    %dma_start3A_98 = arith.constant 5 : i32
    %dma_start3A_99 = arith.constant 0 : i32
    %dma_start3A_100 = tpu.memref_slice %arg6[%dma_start3A_98, %dma_start3A_99] : memref<125x80xi32, #tpu.memory_space<vmem>> -> memref<1x80xi32, #tpu.memory_space<vmem>>
    %dma_start3A_101 = tpu.memref_squeeze %dma_start3A_100 : memref<1x80xi32, #tpu.memory_space<vmem>> -> memref<80xi32, #tpu.memory_space<vmem>>
    %dma_start3A_102 = arith.constant 0 : i32
    %dma_start3A_103 = arith.constant 0 : i32
    %dma_start3A_104 = tpu.memref_slice %arg3[%dma_start3A_102, %dma_start3A_103] : memref<10000x128xf32, #tpu.memory_space<hbm>> -> memref<10000x128xf32, #tpu.memory_space<hbm>>
    tpu.enqueue_indirect_dma source(%dma_start3A_104 : memref<10000x128xf32, #tpu.memory_space<hbm>>) target(%arg10 : memref<80x128xf32, #tpu.memory_space<vmem>>) offsets(%dma_start3A_101 : memref<80xi32, #tpu.memory_space<vmem>>) semaphore(%arg13 : memref<!tpu.dma_semaphore, #tpu.memory_space<semaphore_mem>>)
    %scan3A_105 = arith.constant 0 : i32
    %scan3A_106 = arith.constant 1 : i32
    %scan3A_107 = arith.constant 39 : i32
    %scan3A_108 = arith.addi %scan3A_106, %scan3A_107 : i32
    %scan3A_109 = arith.constant 1 : i32
    %scan3A_110 = scf.for %scan3A_171 = %scan3A_106 to %scan3A_108 step %scan3A_109 iter_args(%scan3A_172 = %scan3A_105) -> (i32)  : i32 {
      %mul3A_173 = arith.constant 3 : i32
      %mul3A_174 = arith.muli %scan3A_171, %mul3A_173 : i32
      %add3A_175 = arith.constant 0 : i32
      %add3A_176 = arith.addi %mul3A_174, %add3A_175 : i32
      %dma_wait3A_177 = arith.constant 0 : i32
      %dma_wait3A_178 = tpu.memref_slice %arg6[%add3A_176, %dma_wait3A_177] : memref<125x80xi32, #tpu.memory_space<vmem>> -> memref<1x80xi32, #tpu.memory_space<vmem>>
      %dma_wait3A_179 = tpu.memref_squeeze %dma_wait3A_178 : memref<1x80xi32, #tpu.memory_space<vmem>> -> memref<80xi32, #tpu.memory_space<vmem>>
      %dma_wait3A_180 = arith.constant 0 : i32
      %dma_wait3A_181 = arith.constant 0 : i32
      %dma_wait3A_182 = tpu.memref_slice %arg3[%dma_wait3A_180, %dma_wait3A_181] : memref<10000x128xf32, #tpu.memory_space<hbm>> -> memref<10000x128xf32, #tpu.memory_space<hbm>>
      tpu.wait_indirect_dma semaphore(%arg11 : memref<!tpu.dma_semaphore, #tpu.memory_space<semaphore_mem>>) src(%dma_wait3A_182 : memref<10000x128xf32, #tpu.memory_space<hbm>>) dst(%arg8 : memref<80x128xf32, #tpu.memory_space<vmem>>)
      "tpu.region"() ({
        %run_scoped3A_224 = tpu.sem_alloc : memref<!tpu.dma_semaphore, #tpu.memory_space<semaphore_mem>>
        %dma_start3A_225 = arith.constant 0 : i32
        %dma_start3A_226 = tpu.memref_slice %arg7[%add3A_176, %dma_start3A_225] : memref<125x80xi32, #tpu.memory_space<vmem>> -> memref<1x80xi32, #tpu.memory_space<vmem>>
        %dma_start3A_227 = tpu.memref_squeeze %dma_start3A_226 : memref<1x80xi32, #tpu.memory_space<vmem>> -> memref<80xi32, #tpu.memory_space<vmem>>
        %dma_start3A_228 = arith.constant 0 : i32
        %dma_start3A_229 = arith.constant 0 : i32
        %dma_start3A_230 = tpu.memref_slice %arg5[%dma_start3A_228, %dma_start3A_229] : memref<10000x128xf32, #tpu.memory_space<vmem_shared>> -> memref<10000x128xf32, #tpu.memory_space<vmem_shared>>
        tpu.enqueue_indirect_dma source(%arg8 : memref<80x128xf32, #tpu.memory_space<vmem>>) target(%dma_start3A_230 : memref<10000x128xf32, #tpu.memory_space<vmem_shared>>) offsets(%dma_start3A_227 : memref<80xi32, #tpu.memory_space<vmem>>) semaphore(%run_scoped3A_224 : memref<!tpu.dma_semaphore, #tpu.memory_space<semaphore_mem>>) {add = true}
        %dma_wait3A_231 = arith.constant 0 : i32
        %dma_wait3A_232 = tpu.memref_slice %arg7[%add3A_176, %dma_wait3A_231] : memref<125x80xi32, #tpu.memory_space<vmem>> -> memref<1x80xi32, #tpu.memory_space<vmem>>
        %dma_wait3A_233 = tpu.memref_squeeze %dma_wait3A_232 : memref<1x80xi32, #tpu.memory_space<vmem>> -> memref<80xi32, #tpu.memory_space<vmem>>
        %dma_wait3A_234 = arith.constant 0 : i32
        %dma_wait3A_235 = arith.constant 0 : i32
        %dma_wait3A_236 = tpu.memref_slice %arg5[%dma_wait3A_234, %dma_wait3A_235] : memref<10000x128xf32, #tpu.memory_space<vmem_shared>> -> memref<10000x128xf32, #tpu.memory_space<vmem_shared>>
        tpu.wait_indirect_dma semaphore(%run_scoped3A_224 : memref<!tpu.dma_semaphore, #tpu.memory_space<semaphore_mem>>) src(%arg8 : memref<80x128xf32, #tpu.memory_space<vmem>>) dst(%dma_wait3A_236 : memref<10000x128xf32, #tpu.memory_space<vmem_shared>>)
        tpu.yield
      }) : () -> ()
      %add3A_183 = arith.constant 3 : i32
      %add3A_184 = arith.addi %add3A_176, %add3A_183 : i32
      %dma_start3A_185 = arith.constant 0 : i32
      %dma_start3A_186 = tpu.memref_slice %arg6[%add3A_184, %dma_start3A_185] : memref<125x80xi32, #tpu.memory_space<vmem>> -> memref<1x80xi32, #tpu.memory_space<vmem>>
      %dma_start3A_187 = tpu.memref_squeeze %dma_start3A_186 : memref<1x80xi32, #tpu.memory_space<vmem>> -> memref<80xi32, #tpu.memory_space<vmem>>
      %dma_start3A_188 = arith.constant 0 : i32
      %dma_start3A_189 = arith.constant 0 : i32
      %dma_start3A_190 = tpu.memref_slice %arg3[%dma_start3A_188, %dma_start3A_189] : memref<10000x128xf32, #tpu.memory_space<hbm>> -> memref<10000x128xf32, #tpu.memory_space<hbm>>
      tpu.enqueue_indirect_dma source(%dma_start3A_190 : memref<10000x128xf32, #tpu.memory_space<hbm>>) target(%arg8 : memref<80x128xf32, #tpu.memory_space<vmem>>) offsets(%dma_start3A_187 : memref<80xi32, #tpu.memory_space<vmem>>) semaphore(%arg11 : memref<!tpu.dma_semaphore, #tpu.memory_space<semaphore_mem>>)
      %add3A_191 = arith.constant 1 : i32
      %add3A_192 = arith.addi %mul3A_174, %add3A_191 : i32
      %dma_wait3A_193 = arith.constant 0 : i32
      %dma_wait3A_194 = tpu.memref_slice %arg6[%add3A_192, %dma_wait3A_193] : memref<125x80xi32, #tpu.memory_space<vmem>> -> memref<1x80xi32, #tpu.memory_space<vmem>>
      %dma_wait3A_195 = tpu.memref_squeeze %dma_wait3A_194 : memref<1x80xi32, #tpu.memory_space<vmem>> -> memref<80xi32, #tpu.memory_space<vmem>>
      %dma_wait3A_196 = arith.constant 0 : i32
      %dma_wait3A_197 = arith.constant 0 : i32
      %dma_wait3A_198 = tpu.memref_slice %arg3[%dma_wait3A_196, %dma_wait3A_197] : memref<10000x128xf32, #tpu.memory_space<hbm>> -> memref<10000x128xf32, #tpu.memory_space<hbm>>
      tpu.wait_indirect_dma semaphore(%arg12 : memref<!tpu.dma_semaphore, #tpu.memory_space<semaphore_mem>>) src(%dma_wait3A_198 : memref<10000x128xf32, #tpu.memory_space<hbm>>) dst(%arg9 : memref<80x128xf32, #tpu.memory_space<vmem>>)
      "tpu.region"() ({
        %run_scoped3A_224 = tpu.sem_alloc : memref<!tpu.dma_semaphore, #tpu.memory_space<semaphore_mem>>
        %dma_start3A_225 = arith.constant 0 : i32
        %dma_start3A_226 = tpu.memref_slice %arg7[%add3A_192, %dma_start3A_225] : memref<125x80xi32, #tpu.memory_space<vmem>> -> memref<1x80xi32, #tpu.memory_space<vmem>>
        %dma_start3A_227 = tpu.memref_squeeze %dma_start3A_226 : memref<1x80xi32, #tpu.memory_space<vmem>> -> memref<80xi32, #tpu.memory_space<vmem>>
        %dma_start3A_228 = arith.constant 0 : i32
        %dma_start3A_229 = arith.constant 0 : i32
        %dma_start3A_230 = tpu.memref_slice %arg5[%dma_start3A_228, %dma_start3A_229] : memref<10000x128xf32, #tpu.memory_space<vmem_shared>> -> memref<10000x128xf32, #tpu.memory_space<vmem_shared>>
        tpu.enqueue_indirect_dma source(%arg9 : memref<80x128xf32, #tpu.memory_space<vmem>>) target(%dma_start3A_230 : memref<10000x128xf32, #tpu.memory_space<vmem_shared>>) offsets(%dma_start3A_227 : memref<80xi32, #tpu.memory_space<vmem>>) semaphore(%run_scoped3A_224 : memref<!tpu.dma_semaphore, #tpu.memory_space<semaphore_mem>>) {add = true}
        %dma_wait3A_231 = arith.constant 0 : i32
        %dma_wait3A_232 = tpu.memref_slice %arg7[%add3A_192, %dma_wait3A_231] : memref<125x80xi32, #tpu.memory_space<vmem>> -> memref<1x80xi32, #tpu.memory_space<vmem>>
        %dma_wait3A_233 = tpu.memref_squeeze %dma_wait3A_232 : memref<1x80xi32, #tpu.memory_space<vmem>> -> memref<80xi32, #tpu.memory_space<vmem>>
        %dma_wait3A_234 = arith.constant 0 : i32
        %dma_wait3A_235 = arith.constant 0 : i32
        %dma_wait3A_236 = tpu.memref_slice %arg5[%dma_wait3A_234, %dma_wait3A_235] : memref<10000x128xf32, #tpu.memory_space<vmem_shared>> -> memref<10000x128xf32, #tpu.memory_space<vmem_shared>>
        tpu.wait_indirect_dma semaphore(%run_scoped3A_224 : memref<!tpu.dma_semaphore, #tpu.memory_space<semaphore_mem>>) src(%arg9 : memref<80x128xf32, #tpu.memory_space<vmem>>) dst(%dma_wait3A_236 : memref<10000x128xf32, #tpu.memory_space<vmem_shared>>)
        tpu.yield
      }) : () -> ()
      %add3A_199 = arith.constant 3 : i32
      %add3A_200 = arith.addi %add3A_192, %add3A_199 : i32
      %dma_start3A_201 = arith.constant 0 : i32
      %dma_start3A_202 = tpu.memref_slice %arg6[%add3A_200, %dma_start3A_201] : memref<125x80xi32, #tpu.memory_space<vmem>> -> memref<1x80xi32, #tpu.memory_space<vmem>>
      %dma_start3A_203 = tpu.memref_squeeze %dma_start3A_202 : memref<1x80xi32, #tpu.memory_space<vmem>> -> memref<80xi32, #tpu.memory_space<vmem>>
      %dma_start3A_204 = arith.constant 0 : i32
      %dma_start3A_205 = arith.constant 0 : i32
      %dma_start3A_206 = tpu.memref_slice %arg3[%dma_start3A_204, %dma_start3A_205] : memref<10000x128xf32, #tpu.memory_space<hbm>> -> memref<10000x128xf32, #tpu.memory_space<hbm>>
      tpu.enqueue_indirect_dma source(%dma_start3A_206 : memref<10000x128xf32, #tpu.memory_space<hbm>>) target(%arg9 : memref<80x128xf32, #tpu.memory_space<vmem>>) offsets(%dma_start3A_203 : memref<80xi32, #tpu.memory_space<vmem>>) semaphore(%arg12 : memref<!tpu.dma_semaphore, #tpu.memory_space<semaphore_mem>>)
      %add3A_207 = arith.constant 2 : i32
      %add3A_208 = arith.addi %mul3A_174, %add3A_207 : i32
      %dma_wait3A_209 = arith.constant 0 : i32
      %dma_wait3A_210 = tpu.memref_slice %arg6[%add3A_208, %dma_wait3A_209] : memref<125x80xi32, #tpu.memory_space<vmem>> -> memref<1x80xi32, #tpu.memory_space<vmem>>
      %dma_wait3A_211 = tpu.memref_squeeze %dma_wait3A_210 : memref<1x80xi32, #tpu.memory_space<vmem>> -> memref<80xi32, #tpu.memory_space<vmem>>
      %dma_wait3A_212 = arith.constant 0 : i32
      %dma_wait3A_213 = arith.constant 0 : i32
      %dma_wait3A_214 = tpu.memref_slice %arg3[%dma_wait3A_212, %dma_wait3A_213] : memref<10000x128xf32, #tpu.memory_space<hbm>> -> memref<10000x128xf32, #tpu.memory_space<hbm>>
      tpu.wait_indirect_dma semaphore(%arg13 : memref<!tpu.dma_semaphore, #tpu.memory_space<semaphore_mem>>) src(%dma_wait3A_214 : memref<10000x128xf32, #tpu.memory_space<hbm>>) dst(%arg10 : memref<80x128xf32, #tpu.memory_space<vmem>>)
      "tpu.region"() ({
        %run_scoped3A_224 = tpu.sem_alloc : memref<!tpu.dma_semaphore, #tpu.memory_space<semaphore_mem>>
        %dma_start3A_225 = arith.constant 0 : i32
        %dma_start3A_226 = tpu.memref_slice %arg7[%add3A_208, %dma_start3A_225] : memref<125x80xi32, #tpu.memory_space<vmem>> -> memref<1x80xi32, #tpu.memory_space<vmem>>
        %dma_start3A_227 = tpu.memref_squeeze %dma_start3A_226 : memref<1x80xi32, #tpu.memory_space<vmem>> -> memref<80xi32, #tpu.memory_space<vmem>>
        %dma_start3A_228 = arith.constant 0 : i32
        %dma_start3A_229 = arith.constant 0 : i32
        %dma_start3A_230 = tpu.memref_slice %arg5[%dma_start3A_228, %dma_start3A_229] : memref<10000x128xf32, #tpu.memory_space<vmem_shared>> -> memref<10000x128xf32, #tpu.memory_space<vmem_shared>>
        tpu.enqueue_indirect_dma source(%arg10 : memref<80x128xf32, #tpu.memory_space<vmem>>) target(%dma_start3A_230 : memref<10000x128xf32, #tpu.memory_space<vmem_shared>>) offsets(%dma_start3A_227 : memref<80xi32, #tpu.memory_space<vmem>>) semaphore(%run_scoped3A_224 : memref<!tpu.dma_semaphore, #tpu.memory_space<semaphore_mem>>) {add = true}
        %dma_wait3A_231 = arith.constant 0 : i32
        %dma_wait3A_232 = tpu.memref_slice %arg7[%add3A_208, %dma_wait3A_231] : memref<125x80xi32, #tpu.memory_space<vmem>> -> memref<1x80xi32, #tpu.memory_space<vmem>>
        %dma_wait3A_233 = tpu.memref_squeeze %dma_wait3A_232 : memref<1x80xi32, #tpu.memory_space<vmem>> -> memref<80xi32, #tpu.memory_space<vmem>>
        %dma_wait3A_234 = arith.constant 0 : i32
        %dma_wait3A_235 = arith.constant 0 : i32
        %dma_wait3A_236 = tpu.memref_slice %arg5[%dma_wait3A_234, %dma_wait3A_235] : memref<10000x128xf32, #tpu.memory_space<vmem_shared>> -> memref<10000x128xf32, #tpu.memory_space<vmem_shared>>
        tpu.wait_indirect_dma semaphore(%run_scoped3A_224 : memref<!tpu.dma_semaphore, #tpu.memory_space<semaphore_mem>>) src(%arg10 : memref<80x128xf32, #tpu.memory_space<vmem>>) dst(%dma_wait3A_236 : memref<10000x128xf32, #tpu.memory_space<vmem_shared>>)
        tpu.yield
      }) : () -> ()
      %add3A_215 = arith.constant 3 : i32
      %add3A_216 = arith.addi %add3A_208, %add3A_215 : i32
      %dma_start3A_217 = arith.constant 0 : i32
      %dma_start3A_218 = tpu.memref_slice %arg6[%add3A_216, %dma_start3A_217] : memref<125x80xi32, #tpu.memory_space<vmem>> -> memref<1x80xi32, #tpu.memory_space<vmem>>
      %dma_start3A_219 = tpu.memref_squeeze %dma_start3A_218 : memref<1x80xi32, #tpu.memory_space<vmem>> -> memref<80xi32, #tpu.memory_space<vmem>>
      %dma_start3A_220 = arith.constant 0 : i32
      %dma_start3A_221 = arith.constant 0 : i32
      %dma_start3A_222 = tpu.memref_slice %arg3[%dma_start3A_220, %dma_start3A_221] : memref<10000x128xf32, #tpu.memory_space<hbm>> -> memref<10000x128xf32, #tpu.memory_space<hbm>>
      tpu.enqueue_indirect_dma source(%dma_start3A_222 : memref<10000x128xf32, #tpu.memory_space<hbm>>) target(%arg10 : memref<80x128xf32, #tpu.memory_space<vmem>>) offsets(%dma_start3A_219 : memref<80xi32, #tpu.memory_space<vmem>>) semaphore(%arg13 : memref<!tpu.dma_semaphore, #tpu.memory_space<semaphore_mem>>)
      %scan3A_223 = arith.constant 0 : i32
      scf.yield %scan3A_223 : i32
    }
    %scan3A_111 = arith.constant 39 : i32
    %dma_wait3A_112 = arith.constant 120 : i32
    %dma_wait3A_113 = arith.constant 0 : i32
    %dma_wait3A_114 = tpu.memref_slice %arg6[%dma_wait3A_112, %dma_wait3A_113] : memref<125x80xi32, #tpu.memory_space<vmem>> -> memref<1x80xi32, #tpu.memory_space<vmem>>
    %dma_wait3A_115 = tpu.memref_squeeze %dma_wait3A_114 : memref<1x80xi32, #tpu.memory_space<vmem>> -> memref<80xi32, #tpu.memory_space<vmem>>
    %dma_wait3A_116 = arith.constant 0 : i32
    %dma_wait3A_117 = arith.constant 0 : i32
    %dma_wait3A_118 = tpu.memref_slice %arg3[%dma_wait3A_116, %dma_wait3A_117] : memref<10000x128xf32, #tpu.memory_space<hbm>> -> memref<10000x128xf32, #tpu.memory_space<hbm>>
    tpu.wait_indirect_dma semaphore(%arg11 : memref<!tpu.dma_semaphore, #tpu.memory_space<semaphore_mem>>) src(%dma_wait3A_118 : memref<10000x128xf32, #tpu.memory_space<hbm>>) dst(%arg8 : memref<80x128xf32, #tpu.memory_space<vmem>>)
    %run_scoped3A_119 = arith.constant 120 : i32
    "tpu.region"() ({
      %run_scoped3A_171 = tpu.sem_alloc : memref<!tpu.dma_semaphore, #tpu.memory_space<semaphore_mem>>
      %dma_start3A_172 = arith.constant 0 : i32
      %dma_start3A_173 = tpu.memref_slice %arg7[%run_scoped3A_119, %dma_start3A_172] : memref<125x80xi32, #tpu.memory_space<vmem>> -> memref<1x80xi32, #tpu.memory_space<vmem>>
      %dma_start3A_174 = tpu.memref_squeeze %dma_start3A_173 : memref<1x80xi32, #tpu.memory_space<vmem>> -> memref<80xi32, #tpu.memory_space<vmem>>
      %dma_start3A_175 = arith.constant 0 : i32
      %dma_start3A_176 = arith.constant 0 : i32
      %dma_start3A_177 = tpu.memref_slice %arg5[%dma_start3A_175, %dma_start3A_176] : memref<10000x128xf32, #tpu.memory_space<vmem_shared>> -> memref<10000x128xf32, #tpu.memory_space<vmem_shared>>
      tpu.enqueue_indirect_dma source(%arg8 : memref<80x128xf32, #tpu.memory_space<vmem>>) target(%dma_start3A_177 : memref<10000x128xf32, #tpu.memory_space<vmem_shared>>) offsets(%dma_start3A_174 : memref<80xi32, #tpu.memory_space<vmem>>) semaphore(%run_scoped3A_171 : memref<!tpu.dma_semaphore, #tpu.memory_space<semaphore_mem>>) {add = true}
      %dma_wait3A_178 = arith.constant 0 : i32
      %dma_wait3A_179 = tpu.memref_slice %arg7[%run_scoped3A_119, %dma_wait3A_178] : memref<125x80xi32, #tpu.memory_space<vmem>> -> memref<1x80xi32, #tpu.memory_space<vmem>>
      %dma_wait3A_180 = tpu.memref_squeeze %dma_wait3A_179 : memref<1x80xi32, #tpu.memory_space<vmem>> -> memref<80xi32, #tpu.memory_space<vmem>>
      %dma_wait3A_181 = arith.constant 0 : i32
      %dma_wait3A_182 = arith.constant 0 : i32
      %dma_wait3A_183 = tpu.memref_slice %arg5[%dma_wait3A_181, %dma_wait3A_182] : memref<10000x128xf32, #tpu.memory_space<vmem_shared>> -> memref<10000x128xf32, #tpu.memory_space<vmem_shared>>
      tpu.wait_indirect_dma semaphore(%run_scoped3A_171 : memref<!tpu.dma_semaphore, #tpu.memory_space<semaphore_mem>>) src(%arg8 : memref<80x128xf32, #tpu.memory_space<vmem>>) dst(%dma_wait3A_183 : memref<10000x128xf32, #tpu.memory_space<vmem_shared>>)
      tpu.yield
    }) : () -> ()
    %dma_start3A_120 = arith.constant 123 : i32
    %dma_start3A_121 = arith.constant 0 : i32
    %dma_start3A_122 = tpu.memref_slice %arg6[%dma_start3A_120, %dma_start3A_121] : memref<125x80xi32, #tpu.memory_space<vmem>> -> memref<1x80xi32, #tpu.memory_space<vmem>>
    %dma_start3A_123 = tpu.memref_squeeze %dma_start3A_122 : memref<1x80xi32, #tpu.memory_space<vmem>> -> memref<80xi32, #tpu.memory_space<vmem>>
    %dma_start3A_124 = arith.constant 0 : i32
    %dma_start3A_125 = arith.constant 0 : i32
    %dma_start3A_126 = tpu.memref_slice %arg3[%dma_start3A_124, %dma_start3A_125] : memref<10000x128xf32, #tpu.memory_space<hbm>> -> memref<10000x128xf32, #tpu.memory_space<hbm>>
    tpu.enqueue_indirect_dma source(%dma_start3A_126 : memref<10000x128xf32, #tpu.memory_space<hbm>>) target(%arg8 : memref<80x128xf32, #tpu.memory_space<vmem>>) offsets(%dma_start3A_123 : memref<80xi32, #tpu.memory_space<vmem>>) semaphore(%arg11 : memref<!tpu.dma_semaphore, #tpu.memory_space<semaphore_mem>>)
    %dma_wait3A_127 = arith.constant 121 : i32
    %dma_wait3A_128 = arith.constant 0 : i32
    %dma_wait3A_129 = tpu.memref_slice %arg6[%dma_wait3A_127, %dma_wait3A_128] : memref<125x80xi32, #tpu.memory_space<vmem>> -> memref<1x80xi32, #tpu.memory_space<vmem>>
    %dma_wait3A_130 = tpu.memref_squeeze %dma_wait3A_129 : memref<1x80xi32, #tpu.memory_space<vmem>> -> memref<80xi32, #tpu.memory_space<vmem>>
    %dma_wait3A_131 = arith.constant 0 : i32
    %dma_wait3A_132 = arith.constant 0 : i32
    %dma_wait3A_133 = tpu.memref_slice %arg3[%dma_wait3A_131, %dma_wait3A_132] : memref<10000x128xf32, #tpu.memory_space<hbm>> -> memref<10000x128xf32, #tpu.memory_space<hbm>>
    tpu.wait_indirect_dma semaphore(%arg12 : memref<!tpu.dma_semaphore, #tpu.memory_space<semaphore_mem>>) src(%dma_wait3A_133 : memref<10000x128xf32, #tpu.memory_space<hbm>>) dst(%arg9 : memref<80x128xf32, #tpu.memory_space<vmem>>)
    %run_scoped3A_134 = arith.constant 121 : i32
    "tpu.region"() ({
      %run_scoped3A_171 = tpu.sem_alloc : memref<!tpu.dma_semaphore, #tpu.memory_space<semaphore_mem>>
      %dma_start3A_172 = arith.constant 0 : i32
      %dma_start3A_173 = tpu.memref_slice %arg7[%run_scoped3A_134, %dma_start3A_172] : memref<125x80xi32, #tpu.memory_space<vmem>> -> memref<1x80xi32, #tpu.memory_space<vmem>>
      %dma_start3A_174 = tpu.memref_squeeze %dma_start3A_173 : memref<1x80xi32, #tpu.memory_space<vmem>> -> memref<80xi32, #tpu.memory_space<vmem>>
      %dma_start3A_175 = arith.constant 0 : i32
      %dma_start3A_176 = arith.constant 0 : i32
      %dma_start3A_177 = tpu.memref_slice %arg5[%dma_start3A_175, %dma_start3A_176] : memref<10000x128xf32, #tpu.memory_space<vmem_shared>> -> memref<10000x128xf32, #tpu.memory_space<vmem_shared>>
      tpu.enqueue_indirect_dma source(%arg9 : memref<80x128xf32, #tpu.memory_space<vmem>>) target(%dma_start3A_177 : memref<10000x128xf32, #tpu.memory_space<vmem_shared>>) offsets(%dma_start3A_174 : memref<80xi32, #tpu.memory_space<vmem>>) semaphore(%run_scoped3A_171 : memref<!tpu.dma_semaphore, #tpu.memory_space<semaphore_mem>>) {add = true}
      %dma_wait3A_178 = arith.constant 0 : i32
      %dma_wait3A_179 = tpu.memref_slice %arg7[%run_scoped3A_134, %dma_wait3A_178] : memref<125x80xi32, #tpu.memory_space<vmem>> -> memref<1x80xi32, #tpu.memory_space<vmem>>
      %dma_wait3A_180 = tpu.memref_squeeze %dma_wait3A_179 : memref<1x80xi32, #tpu.memory_space<vmem>> -> memref<80xi32, #tpu.memory_space<vmem>>
      %dma_wait3A_181 = arith.constant 0 : i32
      %dma_wait3A_182 = arith.constant 0 : i32
      %dma_wait3A_183 = tpu.memref_slice %arg5[%dma_wait3A_181, %dma_wait3A_182] : memref<10000x128xf32, #tpu.memory_space<vmem_shared>> -> memref<10000x128xf32, #tpu.memory_space<vmem_shared>>
      tpu.wait_indirect_dma semaphore(%run_scoped3A_171 : memref<!tpu.dma_semaphore, #tpu.memory_space<semaphore_mem>>) src(%arg9 : memref<80x128xf32, #tpu.memory_space<vmem>>) dst(%dma_wait3A_183 : memref<10000x128xf32, #tpu.memory_space<vmem_shared>>)
      tpu.yield
    }) : () -> ()
    %dma_start3A_135 = arith.constant 124 : i32
    %dma_start3A_136 = arith.constant 0 : i32
    %dma_start3A_137 = tpu.memref_slice %arg6[%dma_start3A_135, %dma_start3A_136] : memref<125x80xi32, #tpu.memory_space<vmem>> -> memref<1x80xi32, #tpu.memory_space<vmem>>
    %dma_start3A_138 = tpu.memref_squeeze %dma_start3A_137 : memref<1x80xi32, #tpu.memory_space<vmem>> -> memref<80xi32, #tpu.memory_space<vmem>>
    %dma_start3A_139 = arith.constant 0 : i32
    %dma_start3A_140 = arith.constant 0 : i32
    %dma_start3A_141 = tpu.memref_slice %arg3[%dma_start3A_139, %dma_start3A_140] : memref<10000x128xf32, #tpu.memory_space<hbm>> -> memref<10000x128xf32, #tpu.memory_space<hbm>>
    tpu.enqueue_indirect_dma source(%dma_start3A_141 : memref<10000x128xf32, #tpu.memory_space<hbm>>) target(%arg9 : memref<80x128xf32, #tpu.memory_space<vmem>>) offsets(%dma_start3A_138 : memref<80xi32, #tpu.memory_space<vmem>>) semaphore(%arg12 : memref<!tpu.dma_semaphore, #tpu.memory_space<semaphore_mem>>)
    %dma_wait3A_142 = arith.constant 122 : i32
    %dma_wait3A_143 = arith.constant 0 : i32
    %dma_wait3A_144 = tpu.memref_slice %arg6[%dma_wait3A_142, %dma_wait3A_143] : memref<125x80xi32, #tpu.memory_space<vmem>> -> memref<1x80xi32, #tpu.memory_space<vmem>>
    %dma_wait3A_145 = tpu.memref_squeeze %dma_wait3A_144 : memref<1x80xi32, #tpu.memory_space<vmem>> -> memref<80xi32, #tpu.memory_space<vmem>>
    %dma_wait3A_146 = arith.constant 0 : i32
    %dma_wait3A_147 = arith.constant 0 : i32
    %dma_wait3A_148 = tpu.memref_slice %arg3[%dma_wait3A_146, %dma_wait3A_147] : memref<10000x128xf32, #tpu.memory_space<hbm>> -> memref<10000x128xf32, #tpu.memory_space<hbm>>
    tpu.wait_indirect_dma semaphore(%arg13 : memref<!tpu.dma_semaphore, #tpu.memory_space<semaphore_mem>>) src(%dma_wait3A_148 : memref<10000x128xf32, #tpu.memory_space<hbm>>) dst(%arg10 : memref<80x128xf32, #tpu.memory_space<vmem>>)
    %run_scoped3A_149 = arith.constant 122 : i32
    "tpu.region"() ({
      %run_scoped3A_171 = tpu.sem_alloc : memref<!tpu.dma_semaphore, #tpu.memory_space<semaphore_mem>>
      %dma_start3A_172 = arith.constant 0 : i32
      %dma_start3A_173 = tpu.memref_slice %arg7[%run_scoped3A_149, %dma_start3A_172] : memref<125x80xi32, #tpu.memory_space<vmem>> -> memref<1x80xi32, #tpu.memory_space<vmem>>
      %dma_start3A_174 = tpu.memref_squeeze %dma_start3A_173 : memref<1x80xi32, #tpu.memory_space<vmem>> -> memref<80xi32, #tpu.memory_space<vmem>>
      %dma_start3A_175 = arith.constant 0 : i32
      %dma_start3A_176 = arith.constant 0 : i32
      %dma_start3A_177 = tpu.memref_slice %arg5[%dma_start3A_175, %dma_start3A_176] : memref<10000x128xf32, #tpu.memory_space<vmem_shared>> -> memref<10000x128xf32, #tpu.memory_space<vmem_shared>>
      tpu.enqueue_indirect_dma source(%arg10 : memref<80x128xf32, #tpu.memory_space<vmem>>) target(%dma_start3A_177 : memref<10000x128xf32, #tpu.memory_space<vmem_shared>>) offsets(%dma_start3A_174 : memref<80xi32, #tpu.memory_space<vmem>>) semaphore(%run_scoped3A_171 : memref<!tpu.dma_semaphore, #tpu.memory_space<semaphore_mem>>) {add = true}
      %dma_wait3A_178 = arith.constant 0 : i32
      %dma_wait3A_179 = tpu.memref_slice %arg7[%run_scoped3A_149, %dma_wait3A_178] : memref<125x80xi32, #tpu.memory_space<vmem>> -> memref<1x80xi32, #tpu.memory_space<vmem>>
      %dma_wait3A_180 = tpu.memref_squeeze %dma_wait3A_179 : memref<1x80xi32, #tpu.memory_space<vmem>> -> memref<80xi32, #tpu.memory_space<vmem>>
      %dma_wait3A_181 = arith.constant 0 : i32
      %dma_wait3A_182 = arith.constant 0 : i32
      %dma_wait3A_183 = tpu.memref_slice %arg5[%dma_wait3A_181, %dma_wait3A_182] : memref<10000x128xf32, #tpu.memory_space<vmem_shared>> -> memref<10000x128xf32, #tpu.memory_space<vmem_shared>>
      tpu.wait_indirect_dma semaphore(%run_scoped3A_171 : memref<!tpu.dma_semaphore, #tpu.memory_space<semaphore_mem>>) src(%arg10 : memref<80x128xf32, #tpu.memory_space<vmem>>) dst(%dma_wait3A_183 : memref<10000x128xf32, #tpu.memory_space<vmem_shared>>)
      tpu.yield
    }) : () -> ()
    %dma_wait3A_150 = arith.constant 123 : i32
    %dma_wait3A_151 = arith.constant 0 : i32
    %dma_wait3A_152 = tpu.memref_slice %arg6[%dma_wait3A_150, %dma_wait3A_151] : memref<125x80xi32, #tpu.memory_space<vmem>> -> memref<1x80xi32, #tpu.memory_space<vmem>>
    %dma_wait3A_153 = tpu.memref_squeeze %dma_wait3A_152 : memref<1x80xi32, #tpu.memory_space<vmem>> -> memref<80xi32, #tpu.memory_space<vmem>>
    %dma_wait3A_154 = arith.constant 0 : i32
    %dma_wait3A_155 = arith.constant 0 : i32
    %dma_wait3A_156 = tpu.memref_slice %arg3[%dma_wait3A_154, %dma_wait3A_155] : memref<10000x128xf32, #tpu.memory_space<hbm>> -> memref<10000x128xf32, #tpu.memory_space<hbm>>
    tpu.wait_indirect_dma semaphore(%arg11 : memref<!tpu.dma_semaphore, #tpu.memory_space<semaphore_mem>>) src(%dma_wait3A_156 : memref<10000x128xf32, #tpu.memory_space<hbm>>) dst(%arg8 : memref<80x128xf32, #tpu.memory_space<vmem>>)
    %run_scoped3A_157 = arith.constant 123 : i32
    "tpu.region"() ({
      %run_scoped3A_171 = tpu.sem_alloc : memref<!tpu.dma_semaphore, #tpu.memory_space<semaphore_mem>>
      %dma_start3A_172 = arith.constant 0 : i32
      %dma_start3A_173 = tpu.memref_slice %arg7[%run_scoped3A_157, %dma_start3A_172] : memref<125x80xi32, #tpu.memory_space<vmem>> -> memref<1x80xi32, #tpu.memory_space<vmem>>
      %dma_start3A_174 = tpu.memref_squeeze %dma_start3A_173 : memref<1x80xi32, #tpu.memory_space<vmem>> -> memref<80xi32, #tpu.memory_space<vmem>>
      %dma_start3A_175 = arith.constant 0 : i32
      %dma_start3A_176 = arith.constant 0 : i32
      %dma_start3A_177 = tpu.memref_slice %arg5[%dma_start3A_175, %dma_start3A_176] : memref<10000x128xf32, #tpu.memory_space<vmem_shared>> -> memref<10000x128xf32, #tpu.memory_space<vmem_shared>>
      tpu.enqueue_indirect_dma source(%arg8 : memref<80x128xf32, #tpu.memory_space<vmem>>) target(%dma_start3A_177 : memref<10000x128xf32, #tpu.memory_space<vmem_shared>>) offsets(%dma_start3A_174 : memref<80xi32, #tpu.memory_space<vmem>>) semaphore(%run_scoped3A_171 : memref<!tpu.dma_semaphore, #tpu.memory_space<semaphore_mem>>) {add = true}
      %dma_wait3A_178 = arith.constant 0 : i32
      %dma_wait3A_179 = tpu.memref_slice %arg7[%run_scoped3A_157, %dma_wait3A_178] : memref<125x80xi32, #tpu.memory_space<vmem>> -> memref<1x80xi32, #tpu.memory_space<vmem>>
      %dma_wait3A_180 = tpu.memref_squeeze %dma_wait3A_179 : memref<1x80xi32, #tpu.memory_space<vmem>> -> memref<80xi32, #tpu.memory_space<vmem>>
      %dma_wait3A_181 = arith.constant 0 : i32
      %dma_wait3A_182 = arith.constant 0 : i32
      %dma_wait3A_183 = tpu.memref_slice %arg5[%dma_wait3A_181, %dma_wait3A_182] : memref<10000x128xf32, #tpu.memory_space<vmem_shared>> -> memref<10000x128xf32, #tpu.memory_space<vmem_shared>>
      tpu.wait_indirect_dma semaphore(%run_scoped3A_171 : memref<!tpu.dma_semaphore, #tpu.memory_space<semaphore_mem>>) src(%arg8 : memref<80x128xf32, #tpu.memory_space<vmem>>) dst(%dma_wait3A_183 : memref<10000x128xf32, #tpu.memory_space<vmem_shared>>)
      tpu.yield
    }) : () -> ()
    %dma_wait3A_158 = arith.constant 124 : i32
    %dma_wait3A_159 = arith.constant 0 : i32
    %dma_wait3A_160 = tpu.memref_slice %arg6[%dma_wait3A_158, %dma_wait3A_159] : memref<125x80xi32, #tpu.memory_space<vmem>> -> memref<1x80xi32, #tpu.memory_space<vmem>>
    %dma_wait3A_161 = tpu.memref_squeeze %dma_wait3A_160 : memref<1x80xi32, #tpu.memory_space<vmem>> -> memref<80xi32, #tpu.memory_space<vmem>>
    %dma_wait3A_162 = arith.constant 0 : i32
    %dma_wait3A_163 = arith.constant 0 : i32
    %dma_wait3A_164 = tpu.memref_slice %arg3[%dma_wait3A_162, %dma_wait3A_163] : memref<10000x128xf32, #tpu.memory_space<hbm>> -> memref<10000x128xf32, #tpu.memory_space<hbm>>
    tpu.wait_indirect_dma semaphore(%arg12 : memref<!tpu.dma_semaphore, #tpu.memory_space<semaphore_mem>>) src(%dma_wait3A_164 : memref<10000x128xf32, #tpu.memory_space<hbm>>) dst(%arg9 : memref<80x128xf32, #tpu.memory_space<vmem>>)
    %run_scoped3A_165 = arith.constant 124 : i32
    "tpu.region"() ({
      %run_scoped3A_171 = tpu.sem_alloc : memref<!tpu.dma_semaphore, #tpu.memory_space<semaphore_mem>>
      %dma_start3A_172 = arith.constant 0 : i32
      %dma_start3A_173 = tpu.memref_slice %arg7[%run_scoped3A_165, %dma_start3A_172] : memref<125x80xi32, #tpu.memory_space<vmem>> -> memref<1x80xi32, #tpu.memory_space<vmem>>
      %dma_start3A_174 = tpu.memref_squeeze %dma_start3A_173 : memref<1x80xi32, #tpu.memory_space<vmem>> -> memref<80xi32, #tpu.memory_space<vmem>>
      %dma_start3A_175 = arith.constant 0 : i32
      %dma_start3A_176 = arith.constant 0 : i32
      %dma_start3A_177 = tpu.memref_slice %arg5[%dma_start3A_175, %dma_start3A_176] : memref<10000x128xf32, #tpu.memory_space<vmem_shared>> -> memref<10000x128xf32, #tpu.memory_space<vmem_shared>>
      tpu.enqueue_indirect_dma source(%arg9 : memref<80x128xf32, #tpu.memory_space<vmem>>) target(%dma_start3A_177 : memref<10000x128xf32, #tpu.memory_space<vmem_shared>>) offsets(%dma_start3A_174 : memref<80xi32, #tpu.memory_space<vmem>>) semaphore(%run_scoped3A_171 : memref<!tpu.dma_semaphore, #tpu.memory_space<semaphore_mem>>) {add = true}
      %dma_wait3A_178 = arith.constant 0 : i32
      %dma_wait3A_179 = tpu.memref_slice %arg7[%run_scoped3A_165, %dma_wait3A_178] : memref<125x80xi32, #tpu.memory_space<vmem>> -> memref<1x80xi32, #tpu.memory_space<vmem>>
      %dma_wait3A_180 = tpu.memref_squeeze %dma_wait3A_179 : memref<1x80xi32, #tpu.memory_space<vmem>> -> memref<80xi32, #tpu.memory_space<vmem>>
      %dma_wait3A_181 = arith.constant 0 : i32
      %dma_wait3A_182 = arith.constant 0 : i32
      %dma_wait3A_183 = tpu.memref_slice %arg5[%dma_wait3A_181, %dma_wait3A_182] : memref<10000x128xf32, #tpu.memory_space<vmem_shared>> -> memref<10000x128xf32, #tpu.memory_space<vmem_shared>>
      tpu.wait_indirect_dma semaphore(%run_scoped3A_171 : memref<!tpu.dma_semaphore, #tpu.memory_space<semaphore_mem>>) src(%arg9 : memref<80x128xf32, #tpu.memory_space<vmem>>) dst(%dma_wait3A_183 : memref<10000x128xf32, #tpu.memory_space<vmem_shared>>)
      tpu.yield
    }) : () -> ()
    %barrier3A_166 = arith.constant 0 : index
    tpu.barrier barrier_id(%barrier3A_166)
    %mul3A_167 = arith.constant 625 : i32
    %mul3A_168 = arith.muli %arg1, %mul3A_167 : i32
    %mul3A_169 = arith.constant 625 : i32
    %mul3A_170 = arith.muli %arg1, %mul3A_169 : i32
    "tpu.region"() ({
      %run_scoped3A_171 = tpu.sem_alloc : memref<!tpu.dma_semaphore, #tpu.memory_space<semaphore_mem>>
      %dma_start3A_172 = arith.constant 0 : i32
      %dma_start3A_173 = tpu.memref_slice %arg4[%arg0, %mul3A_170, %dma_start3A_172] : memref<2x10000x128xf32, #tpu.memory_space<hbm>> -> memref<1x625x128xf32, #tpu.memory_space<hbm>>
      %dma_start3A_174 = tpu.memref_squeeze %dma_start3A_173 : memref<1x625x128xf32, #tpu.memory_space<hbm>> -> memref<625x128xf32, #tpu.memory_space<hbm>>
      %dma_start3A_175 = arith.constant 0 : i32
      %dma_start3A_176 = tpu.memref_slice %arg5[%mul3A_168, %dma_start3A_175] : memref<10000x128xf32, #tpu.memory_space<vmem_shared>> -> memref<625x128xf32, #tpu.memory_space<vmem_shared>>
      tpu.enqueue_dma source(%dma_start3A_176 : memref<625x128xf32, #tpu.memory_space<vmem_shared>>) target(%dma_start3A_174 : memref<625x128xf32, #tpu.memory_space<hbm>>) target_semaphore(%run_scoped3A_171 : memref<!tpu.dma_semaphore, #tpu.memory_space<semaphore_mem>>)
      %dma_wait3A_177 = arith.constant 0 : i32
      %dma_wait3A_178 = tpu.memref_slice %arg4[%arg0, %mul3A_170, %dma_wait3A_177] : memref<2x10000x128xf32, #tpu.memory_space<hbm>> -> memref<1x625x128xf32, #tpu.memory_space<hbm>>
      %dma_wait3A_179 = tpu.memref_squeeze %dma_wait3A_178 : memref<1x625x128xf32, #tpu.memory_space<hbm>> -> memref<625x128xf32, #tpu.memory_space<hbm>>
      %dma_wait3A_180 = arith.constant 0 : i32
      %dma_wait3A_181 = tpu.memref_slice %arg5[%mul3A_168, %dma_wait3A_180] : memref<10000x128xf32, #tpu.memory_space<vmem_shared>> -> memref<625x128xf32, #tpu.memory_space<vmem_shared>>
      tpu.wait_dma2 semaphore(%run_scoped3A_171 : memref<!tpu.dma_semaphore, #tpu.memory_space<semaphore_mem>>) src(%dma_wait3A_181 : memref<625x128xf32, #tpu.memory_space<vmem_shared>>) dst(%dma_wait3A_179 : memref<625x128xf32, #tpu.memory_space<hbm>>)
      tpu.yield
    }) : () -> ()
    return
  }
}

#map = affine_map<(d0, d1) -> (0, 0, 0, 0)>
#map1 = affine_map<(d0, d1) -> (0, 0)>
#map2 = affine_map<(d0, d1) -> (0, 0, 0)>
module attributes {stable_mosaic.version = 14 : i64} {
  func.func @body(%arg0: i32, %arg1: i32, %arg2: memref<2x32x80x125xi32, #tpu.memory_space<hbm>>, %arg3: memref<10000x16xf32, #tpu.memory_space<hbm>>, %arg4: memref<2x10000x16xf32, #tpu.memory_space<hbm>>, %arg5: memref<10000x16xf32, #tpu.memory_space<vmem_shared>>, %arg6: memref<80x125xi32, #tpu.memory_space<vmem>>, %arg7: memref<80x125xi32, #tpu.memory_space<vmem>>, %arg8: memref<125x16xf32, #tpu.memory_space<vmem>>, %arg9: memref<125x16xf32, #tpu.memory_space<vmem>>, %arg10: memref<!tpu.dma_semaphore, #tpu.memory_space<semaphore_mem>>, %arg11: memref<!tpu.dma_semaphore, #tpu.memory_space<semaphore_mem>>) attributes {dimension_semantics = [#tpu.dimension_semantics<core_parallel>, #tpu.dimension_semantics<subcore_parallel>], iteration_bounds = array<i64: 2, 16>, scalar_prefetch = 0 : i64, scratch_operands = 7 : i64, tpu.core_type = #tpu.core_type<sc_vector_subcore>, window_params = [{transform_indices = #map}, {transform_indices = #map1}, {transform_indices = #map2}]} {
    %mul3A = arith.constant 16 : i32
    %mul3A_0 = arith.muli %arg0, %mul3A : i32
    %add3A = arith.addi %mul3A_0, %arg1 : i32
    %run_scoped3A = arith.constant 0 : i32
    "tpu.region"() ({
      %run_scoped3A_67 = tpu.sem_alloc : memref<!tpu.dma_semaphore, #tpu.memory_space<semaphore_mem>>
      %dma_start3A_68 = arith.constant 0 : i32
      %dma_start3A_69 = arith.constant 0 : i32
      %dma_start3A_70 = tpu.memref_slice %arg2[%run_scoped3A, %add3A, %dma_start3A_68, %dma_start3A_69] : memref<2x32x80x125xi32, #tpu.memory_space<hbm>> -> memref<1x1x80x125xi32, #tpu.memory_space<hbm>>
      %dma_start3A_71 = tpu.memref_squeeze %dma_start3A_70 : memref<1x1x80x125xi32, #tpu.memory_space<hbm>> -> memref<80x125xi32, #tpu.memory_space<hbm>>
      %dma_start3A_72 = arith.constant 0 : i32
      %dma_start3A_73 = arith.constant 0 : i32
      %dma_start3A_74 = tpu.memref_slice %arg2[%run_scoped3A, %add3A, %dma_start3A_72, %dma_start3A_73] : memref<2x32x80x125xi32, #tpu.memory_space<hbm>> -> memref<1x1x80x125xi32, #tpu.memory_space<hbm>>
      %dma_start3A_75 = tpu.memref_squeeze %dma_start3A_74 : memref<1x1x80x125xi32, #tpu.memory_space<hbm>> -> memref<80x125xi32, #tpu.memory_space<hbm>>
      tpu.enqueue_dma source(%dma_start3A_75 : memref<80x125xi32, #tpu.memory_space<hbm>>) target(%arg6 : memref<80x125xi32, #tpu.memory_space<vmem>>) target_semaphore(%run_scoped3A_67 : memref<!tpu.dma_semaphore, #tpu.memory_space<semaphore_mem>>)
      %dma_wait3A_76 = arith.constant 0 : i32
      %dma_wait3A_77 = arith.constant 0 : i32
      %dma_wait3A_78 = tpu.memref_slice %arg2[%run_scoped3A, %add3A, %dma_wait3A_76, %dma_wait3A_77] : memref<2x32x80x125xi32, #tpu.memory_space<hbm>> -> memref<1x1x80x125xi32, #tpu.memory_space<hbm>>
      %dma_wait3A_79 = tpu.memref_squeeze %dma_wait3A_78 : memref<1x1x80x125xi32, #tpu.memory_space<hbm>> -> memref<80x125xi32, #tpu.memory_space<hbm>>
      %dma_wait3A_80 = arith.constant 0 : i32
      %dma_wait3A_81 = arith.constant 0 : i32
      %dma_wait3A_82 = tpu.memref_slice %arg2[%run_scoped3A, %add3A, %dma_wait3A_80, %dma_wait3A_81] : memref<2x32x80x125xi32, #tpu.memory_space<hbm>> -> memref<1x1x80x125xi32, #tpu.memory_space<hbm>>
      %dma_wait3A_83 = tpu.memref_squeeze %dma_wait3A_82 : memref<1x1x80x125xi32, #tpu.memory_space<hbm>> -> memref<80x125xi32, #tpu.memory_space<hbm>>
      tpu.wait_dma2 semaphore(%run_scoped3A_67 : memref<!tpu.dma_semaphore, #tpu.memory_space<semaphore_mem>>) src(%dma_wait3A_83 : memref<80x125xi32, #tpu.memory_space<hbm>>) dst(%arg6 : memref<80x125xi32, #tpu.memory_space<vmem>>)
      tpu.yield
    }) : () -> ()
    %run_scoped3A_1 = arith.constant 1 : i32
    "tpu.region"() ({
      %run_scoped3A_67 = tpu.sem_alloc : memref<!tpu.dma_semaphore, #tpu.memory_space<semaphore_mem>>
      %dma_start3A_68 = arith.constant 0 : i32
      %dma_start3A_69 = arith.constant 0 : i32
      %dma_start3A_70 = tpu.memref_slice %arg2[%run_scoped3A_1, %add3A, %dma_start3A_68, %dma_start3A_69] : memref<2x32x80x125xi32, #tpu.memory_space<hbm>> -> memref<1x1x80x125xi32, #tpu.memory_space<hbm>>
      %dma_start3A_71 = tpu.memref_squeeze %dma_start3A_70 : memref<1x1x80x125xi32, #tpu.memory_space<hbm>> -> memref<80x125xi32, #tpu.memory_space<hbm>>
      %dma_start3A_72 = arith.constant 0 : i32
      %dma_start3A_73 = arith.constant 0 : i32
      %dma_start3A_74 = tpu.memref_slice %arg2[%run_scoped3A_1, %add3A, %dma_start3A_72, %dma_start3A_73] : memref<2x32x80x125xi32, #tpu.memory_space<hbm>> -> memref<1x1x80x125xi32, #tpu.memory_space<hbm>>
      %dma_start3A_75 = tpu.memref_squeeze %dma_start3A_74 : memref<1x1x80x125xi32, #tpu.memory_space<hbm>> -> memref<80x125xi32, #tpu.memory_space<hbm>>
      tpu.enqueue_dma source(%dma_start3A_75 : memref<80x125xi32, #tpu.memory_space<hbm>>) target(%arg7 : memref<80x125xi32, #tpu.memory_space<vmem>>) target_semaphore(%run_scoped3A_67 : memref<!tpu.dma_semaphore, #tpu.memory_space<semaphore_mem>>)
      %dma_wait3A_76 = arith.constant 0 : i32
      %dma_wait3A_77 = arith.constant 0 : i32
      %dma_wait3A_78 = tpu.memref_slice %arg2[%run_scoped3A_1, %add3A, %dma_wait3A_76, %dma_wait3A_77] : memref<2x32x80x125xi32, #tpu.memory_space<hbm>> -> memref<1x1x80x125xi32, #tpu.memory_space<hbm>>
      %dma_wait3A_79 = tpu.memref_squeeze %dma_wait3A_78 : memref<1x1x80x125xi32, #tpu.memory_space<hbm>> -> memref<80x125xi32, #tpu.memory_space<hbm>>
      %dma_wait3A_80 = arith.constant 0 : i32
      %dma_wait3A_81 = arith.constant 0 : i32
      %dma_wait3A_82 = tpu.memref_slice %arg2[%run_scoped3A_1, %add3A, %dma_wait3A_80, %dma_wait3A_81] : memref<2x32x80x125xi32, #tpu.memory_space<hbm>> -> memref<1x1x80x125xi32, #tpu.memory_space<hbm>>
      %dma_wait3A_83 = tpu.memref_squeeze %dma_wait3A_82 : memref<1x1x80x125xi32, #tpu.memory_space<hbm>> -> memref<80x125xi32, #tpu.memory_space<hbm>>
      tpu.wait_dma2 semaphore(%run_scoped3A_67 : memref<!tpu.dma_semaphore, #tpu.memory_space<semaphore_mem>>) src(%dma_wait3A_83 : memref<80x125xi32, #tpu.memory_space<hbm>>) dst(%arg7 : memref<80x125xi32, #tpu.memory_space<vmem>>)
      tpu.yield
    }) : () -> ()
    %dma_start3A = arith.constant 0 : i32
    %dma_start3A_2 = arith.constant 0 : i32
    %dma_start3A_3 = tpu.memref_slice %arg6[%dma_start3A, %dma_start3A_2] : memref<80x125xi32, #tpu.memory_space<vmem>> -> memref<1x125xi32, #tpu.memory_space<vmem>>
    %dma_start3A_4 = tpu.memref_squeeze %dma_start3A_3 : memref<1x125xi32, #tpu.memory_space<vmem>> -> memref<125xi32, #tpu.memory_space<vmem>>
    %dma_start3A_5 = arith.constant 0 : i32
    %dma_start3A_6 = arith.constant 0 : i32
    %dma_start3A_7 = tpu.memref_slice %arg3[%dma_start3A_5, %dma_start3A_6] : memref<10000x16xf32, #tpu.memory_space<hbm>> -> memref<10000x16xf32, #tpu.memory_space<hbm>>
    tpu.enqueue_indirect_dma source(%dma_start3A_7 : memref<10000x16xf32, #tpu.memory_space<hbm>>) target(%arg8 : memref<125x16xf32, #tpu.memory_space<vmem>>) offsets(%dma_start3A_4 : memref<125xi32, #tpu.memory_space<vmem>>) semaphore(%arg10 : memref<!tpu.dma_semaphore, #tpu.memory_space<semaphore_mem>>)
    %broadcast_in_dim3A = arith.constant 0.000000e+00 : f32
    %broadcast_in_dim3A_8 = vector.broadcast %broadcast_in_dim3A : f32 to vector<16xf32>
    %scan3A = arith.constant 0 : i32
    %scan3A_9 = arith.constant 0 : i32
    %scan3A_10 = arith.constant 125 : i32
    %scan3A_11 = arith.addi %scan3A_9, %scan3A_10 : i32
    %scan3A_12 = arith.constant 1 : i32
    %scan3A_13 = scf.for %scan3A_67 = %scan3A_9 to %scan3A_11 step %scan3A_12 iter_args(%scan3A_68 = %scan3A) -> (i32)  : i32 {
      %swap3A = arith.index_cast %scan3A_67 : i32 to index
      %swap3A_69 = arith.constant 0 : index
      %swap3A_70 = tpu.vector_load %arg9[%swap3A, %swap3A_69] {strides = array<i32>} : memref<125x16xf32, #tpu.memory_space<vmem>>, vector<1x16xf32>,
      %swap3A_71 = vector.shape_cast %swap3A_70 : vector<1x16xf32> to vector<16xf32>
      %swap3A_72 = vector.shape_cast %broadcast_in_dim3A_8 : vector<16xf32> to vector<1x16xf32>
      tpu.vector_store %arg9[%swap3A, %swap3A_69], %swap3A_72 {strides = array<i32>} : memref<125x16xf32, #tpu.memory_space<vmem>>, vector<1x16xf32>,
      %scan3A_73 = arith.constant 0 : i32
      scf.yield %scan3A_73 : i32
    }
    %scan3A_14 = arith.constant 125 : i32
    %mul3A_15 = arith.constant 625 : i32
    %mul3A_16 = arith.muli %arg1, %mul3A_15 : i32
    %add3A_17 = arith.constant 0 : i32
    %add3A_18 = arith.addi %mul3A_16, %add3A_17 : i32
    "tpu.region"() ({
      %run_scoped3A_67 = tpu.sem_alloc : memref<!tpu.dma_semaphore, #tpu.memory_space<semaphore_mem>>
      %dma_start3A_68 = arith.constant 0 : i32
      %dma_start3A_69 = tpu.memref_slice %arg5[%add3A_18, %dma_start3A_68] : memref<10000x16xf32, #tpu.memory_space<vmem_shared>> -> memref<125x16xf32, #tpu.memory_space<vmem_shared>>
      %dma_start3A_70 = arith.constant 0 : i32
      %dma_start3A_71 = tpu.memref_slice %arg5[%add3A_18, %dma_start3A_70] : memref<10000x16xf32, #tpu.memory_space<vmem_shared>> -> memref<125x16xf32, #tpu.memory_space<vmem_shared>>
      tpu.enqueue_dma source(%arg9 : memref<125x16xf32, #tpu.memory_space<vmem>>) target(%dma_start3A_71 : memref<125x16xf32, #tpu.memory_space<vmem_shared>>) target_semaphore(%run_scoped3A_67 : memref<!tpu.dma_semaphore, #tpu.memory_space<semaphore_mem>>)
      %dma_wait3A_72 = arith.constant 0 : i32
      %dma_wait3A_73 = tpu.memref_slice %arg5[%add3A_18, %dma_wait3A_72] : memref<10000x16xf32, #tpu.memory_space<vmem_shared>> -> memref<125x16xf32, #tpu.memory_space<vmem_shared>>
      %dma_wait3A_74 = arith.constant 0 : i32
      %dma_wait3A_75 = tpu.memref_slice %arg5[%add3A_18, %dma_wait3A_74] : memref<10000x16xf32, #tpu.memory_space<vmem_shared>> -> memref<125x16xf32, #tpu.memory_space<vmem_shared>>
      tpu.wait_dma2 semaphore(%run_scoped3A_67 : memref<!tpu.dma_semaphore, #tpu.memory_space<semaphore_mem>>) src(%arg9 : memref<125x16xf32, #tpu.memory_space<vmem>>) dst(%dma_wait3A_75 : memref<125x16xf32, #tpu.memory_space<vmem_shared>>)
      tpu.yield
    }) : () -> ()
    %mul3A_19 = arith.constant 625 : i32
    %mul3A_20 = arith.muli %arg1, %mul3A_19 : i32
    %add3A_21 = arith.constant 125 : i32
    %add3A_22 = arith.addi %mul3A_20, %add3A_21 : i32
    "tpu.region"() ({
      %run_scoped3A_67 = tpu.sem_alloc : memref<!tpu.dma_semaphore, #tpu.memory_space<semaphore_mem>>
      %dma_start3A_68 = arith.constant 0 : i32
      %dma_start3A_69 = tpu.memref_slice %arg5[%add3A_22, %dma_start3A_68] : memref<10000x16xf32, #tpu.memory_space<vmem_shared>> -> memref<125x16xf32, #tpu.memory_space<vmem_shared>>
      %dma_start3A_70 = arith.constant 0 : i32
      %dma_start3A_71 = tpu.memref_slice %arg5[%add3A_22, %dma_start3A_70] : memref<10000x16xf32, #tpu.memory_space<vmem_shared>> -> memref<125x16xf32, #tpu.memory_space<vmem_shared>>
      tpu.enqueue_dma source(%arg9 : memref<125x16xf32, #tpu.memory_space<vmem>>) target(%dma_start3A_71 : memref<125x16xf32, #tpu.memory_space<vmem_shared>>) target_semaphore(%run_scoped3A_67 : memref<!tpu.dma_semaphore, #tpu.memory_space<semaphore_mem>>)
      %dma_wait3A_72 = arith.constant 0 : i32
      %dma_wait3A_73 = tpu.memref_slice %arg5[%add3A_22, %dma_wait3A_72] : memref<10000x16xf32, #tpu.memory_space<vmem_shared>> -> memref<125x16xf32, #tpu.memory_space<vmem_shared>>
      %dma_wait3A_74 = arith.constant 0 : i32
      %dma_wait3A_75 = tpu.memref_slice %arg5[%add3A_22, %dma_wait3A_74] : memref<10000x16xf32, #tpu.memory_space<vmem_shared>> -> memref<125x16xf32, #tpu.memory_space<vmem_shared>>
      tpu.wait_dma2 semaphore(%run_scoped3A_67 : memref<!tpu.dma_semaphore, #tpu.memory_space<semaphore_mem>>) src(%arg9 : memref<125x16xf32, #tpu.memory_space<vmem>>) dst(%dma_wait3A_75 : memref<125x16xf32, #tpu.memory_space<vmem_shared>>)
      tpu.yield
    }) : () -> ()
    %mul3A_23 = arith.constant 625 : i32
    %mul3A_24 = arith.muli %arg1, %mul3A_23 : i32
    %add3A_25 = arith.constant 250 : i32
    %add3A_26 = arith.addi %mul3A_24, %add3A_25 : i32
    "tpu.region"() ({
      %run_scoped3A_67 = tpu.sem_alloc : memref<!tpu.dma_semaphore, #tpu.memory_space<semaphore_mem>>
      %dma_start3A_68 = arith.constant 0 : i32
      %dma_start3A_69 = tpu.memref_slice %arg5[%add3A_26, %dma_start3A_68] : memref<10000x16xf32, #tpu.memory_space<vmem_shared>> -> memref<125x16xf32, #tpu.memory_space<vmem_shared>>
      %dma_start3A_70 = arith.constant 0 : i32
      %dma_start3A_71 = tpu.memref_slice %arg5[%add3A_26, %dma_start3A_70] : memref<10000x16xf32, #tpu.memory_space<vmem_shared>> -> memref<125x16xf32, #tpu.memory_space<vmem_shared>>
      tpu.enqueue_dma source(%arg9 : memref<125x16xf32, #tpu.memory_space<vmem>>) target(%dma_start3A_71 : memref<125x16xf32, #tpu.memory_space<vmem_shared>>) target_semaphore(%run_scoped3A_67 : memref<!tpu.dma_semaphore, #tpu.memory_space<semaphore_mem>>)
      %dma_wait3A_72 = arith.constant 0 : i32
      %dma_wait3A_73 = tpu.memref_slice %arg5[%add3A_26, %dma_wait3A_72] : memref<10000x16xf32, #tpu.memory_space<vmem_shared>> -> memref<125x16xf32, #tpu.memory_space<vmem_shared>>
      %dma_wait3A_74 = arith.constant 0 : i32
      %dma_wait3A_75 = tpu.memref_slice %arg5[%add3A_26, %dma_wait3A_74] : memref<10000x16xf32, #tpu.memory_space<vmem_shared>> -> memref<125x16xf32, #tpu.memory_space<vmem_shared>>
      tpu.wait_dma2 semaphore(%run_scoped3A_67 : memref<!tpu.dma_semaphore, #tpu.memory_space<semaphore_mem>>) src(%arg9 : memref<125x16xf32, #tpu.memory_space<vmem>>) dst(%dma_wait3A_75 : memref<125x16xf32, #tpu.memory_space<vmem_shared>>)
      tpu.yield
    }) : () -> ()
    %mul3A_27 = arith.constant 625 : i32
    %mul3A_28 = arith.muli %arg1, %mul3A_27 : i32
    %add3A_29 = arith.constant 375 : i32
    %add3A_30 = arith.addi %mul3A_28, %add3A_29 : i32
    "tpu.region"() ({
      %run_scoped3A_67 = tpu.sem_alloc : memref<!tpu.dma_semaphore, #tpu.memory_space<semaphore_mem>>
      %dma_start3A_68 = arith.constant 0 : i32
      %dma_start3A_69 = tpu.memref_slice %arg5[%add3A_30, %dma_start3A_68] : memref<10000x16xf32, #tpu.memory_space<vmem_shared>> -> memref<125x16xf32, #tpu.memory_space<vmem_shared>>
      %dma_start3A_70 = arith.constant 0 : i32
      %dma_start3A_71 = tpu.memref_slice %arg5[%add3A_30, %dma_start3A_70] : memref<10000x16xf32, #tpu.memory_space<vmem_shared>> -> memref<125x16xf32, #tpu.memory_space<vmem_shared>>
      tpu.enqueue_dma source(%arg9 : memref<125x16xf32, #tpu.memory_space<vmem>>) target(%dma_start3A_71 : memref<125x16xf32, #tpu.memory_space<vmem_shared>>) target_semaphore(%run_scoped3A_67 : memref<!tpu.dma_semaphore, #tpu.memory_space<semaphore_mem>>)
      %dma_wait3A_72 = arith.constant 0 : i32
      %dma_wait3A_73 = tpu.memref_slice %arg5[%add3A_30, %dma_wait3A_72] : memref<10000x16xf32, #tpu.memory_space<vmem_shared>> -> memref<125x16xf32, #tpu.memory_space<vmem_shared>>
      %dma_wait3A_74 = arith.constant 0 : i32
      %dma_wait3A_75 = tpu.memref_slice %arg5[%add3A_30, %dma_wait3A_74] : memref<10000x16xf32, #tpu.memory_space<vmem_shared>> -> memref<125x16xf32, #tpu.memory_space<vmem_shared>>
      tpu.wait_dma2 semaphore(%run_scoped3A_67 : memref<!tpu.dma_semaphore, #tpu.memory_space<semaphore_mem>>) src(%arg9 : memref<125x16xf32, #tpu.memory_space<vmem>>) dst(%dma_wait3A_75 : memref<125x16xf32, #tpu.memory_space<vmem_shared>>)
      tpu.yield
    }) : () -> ()
    %mul3A_31 = arith.constant 625 : i32
    %mul3A_32 = arith.muli %arg1, %mul3A_31 : i32
    %add3A_33 = arith.constant 500 : i32
    %add3A_34 = arith.addi %mul3A_32, %add3A_33 : i32
    "tpu.region"() ({
      %run_scoped3A_67 = tpu.sem_alloc : memref<!tpu.dma_semaphore, #tpu.memory_space<semaphore_mem>>
      %dma_start3A_68 = arith.constant 0 : i32
      %dma_start3A_69 = tpu.memref_slice %arg5[%add3A_34, %dma_start3A_68] : memref<10000x16xf32, #tpu.memory_space<vmem_shared>> -> memref<125x16xf32, #tpu.memory_space<vmem_shared>>
      %dma_start3A_70 = arith.constant 0 : i32
      %dma_start3A_71 = tpu.memref_slice %arg5[%add3A_34, %dma_start3A_70] : memref<10000x16xf32, #tpu.memory_space<vmem_shared>> -> memref<125x16xf32, #tpu.memory_space<vmem_shared>>
      tpu.enqueue_dma source(%arg9 : memref<125x16xf32, #tpu.memory_space<vmem>>) target(%dma_start3A_71 : memref<125x16xf32, #tpu.memory_space<vmem_shared>>) target_semaphore(%run_scoped3A_67 : memref<!tpu.dma_semaphore, #tpu.memory_space<semaphore_mem>>)
      %dma_wait3A_72 = arith.constant 0 : i32
      %dma_wait3A_73 = tpu.memref_slice %arg5[%add3A_34, %dma_wait3A_72] : memref<10000x16xf32, #tpu.memory_space<vmem_shared>> -> memref<125x16xf32, #tpu.memory_space<vmem_shared>>
      %dma_wait3A_74 = arith.constant 0 : i32
      %dma_wait3A_75 = tpu.memref_slice %arg5[%add3A_34, %dma_wait3A_74] : memref<10000x16xf32, #tpu.memory_space<vmem_shared>> -> memref<125x16xf32, #tpu.memory_space<vmem_shared>>
      tpu.wait_dma2 semaphore(%run_scoped3A_67 : memref<!tpu.dma_semaphore, #tpu.memory_space<semaphore_mem>>) src(%arg9 : memref<125x16xf32, #tpu.memory_space<vmem>>) dst(%dma_wait3A_75 : memref<125x16xf32, #tpu.memory_space<vmem_shared>>)
      tpu.yield
    }) : () -> ()
    %dma_start3A_35 = arith.constant 1 : i32
    %dma_start3A_36 = arith.constant 0 : i32
    %dma_start3A_37 = tpu.memref_slice %arg6[%dma_start3A_35, %dma_start3A_36] : memref<80x125xi32, #tpu.memory_space<vmem>> -> memref<1x125xi32, #tpu.memory_space<vmem>>
    %dma_start3A_38 = tpu.memref_squeeze %dma_start3A_37 : memref<1x125xi32, #tpu.memory_space<vmem>> -> memref<125xi32, #tpu.memory_space<vmem>>
    %dma_start3A_39 = arith.constant 0 : i32
    %dma_start3A_40 = arith.constant 0 : i32
    %dma_start3A_41 = tpu.memref_slice %arg3[%dma_start3A_39, %dma_start3A_40] : memref<10000x16xf32, #tpu.memory_space<hbm>> -> memref<10000x16xf32, #tpu.memory_space<hbm>>
    tpu.enqueue_indirect_dma source(%dma_start3A_41 : memref<10000x16xf32, #tpu.memory_space<hbm>>) target(%arg9 : memref<125x16xf32, #tpu.memory_space<vmem>>) offsets(%dma_start3A_38 : memref<125xi32, #tpu.memory_space<vmem>>) semaphore(%arg11 : memref<!tpu.dma_semaphore, #tpu.memory_space<semaphore_mem>>)
    %barrier3A = arith.constant 0 : index
    tpu.barrier barrier_id(%barrier3A)
    %scan3A_42 = arith.constant 0 : i32
    %scan3A_43 = arith.constant 0 : i32
    %scan3A_44 = arith.constant 40 : i32
    %scan3A_45 = arith.addi %scan3A_43, %scan3A_44 : i32
    %scan3A_46 = arith.constant 1 : i32
    %scan3A_47 = scf.for %scan3A_67 = %scan3A_43 to %scan3A_45 step %scan3A_46 iter_args(%scan3A_68 = %scan3A_42) -> (i32)  : i32 {
      %mul3A_69 = arith.constant 2 : i32
      %mul3A_70 = arith.muli %mul3A_69, %scan3A_67 : i32
      %dma_wait3A_71 = arith.constant 0 : i32
      %dma_wait3A_72 = tpu.memref_slice %arg6[%mul3A_70, %dma_wait3A_71] : memref<80x125xi32, #tpu.memory_space<vmem>> -> memref<1x125xi32, #tpu.memory_space<vmem>>
      %dma_wait3A_73 = tpu.memref_squeeze %dma_wait3A_72 : memref<1x125xi32, #tpu.memory_space<vmem>> -> memref<125xi32, #tpu.memory_space<vmem>>
      %dma_wait3A_74 = arith.constant 0 : i32
      %dma_wait3A_75 = arith.constant 0 : i32
      %dma_wait3A_76 = tpu.memref_slice %arg3[%dma_wait3A_74, %dma_wait3A_75] : memref<10000x16xf32, #tpu.memory_space<hbm>> -> memref<10000x16xf32, #tpu.memory_space<hbm>>
      tpu.wait_indirect_dma semaphore(%arg10 : memref<!tpu.dma_semaphore, #tpu.memory_space<semaphore_mem>>) src(%dma_wait3A_76 : memref<10000x16xf32, #tpu.memory_space<hbm>>) dst(%arg8 : memref<125x16xf32, #tpu.memory_space<vmem>>)
      "tpu.region"() ({
        %run_scoped3A_107 = tpu.sem_alloc : memref<!tpu.dma_semaphore, #tpu.memory_space<semaphore_mem>>
        %dma_start3A_108 = arith.constant 0 : i32
        %dma_start3A_109 = tpu.memref_slice %arg7[%mul3A_70, %dma_start3A_108] : memref<80x125xi32, #tpu.memory_space<vmem>> -> memref<1x125xi32, #tpu.memory_space<vmem>>
        %dma_start3A_110 = tpu.memref_squeeze %dma_start3A_109 : memref<1x125xi32, #tpu.memory_space<vmem>> -> memref<125xi32, #tpu.memory_space<vmem>>
        %dma_start3A_111 = arith.constant 0 : i32
        %dma_start3A_112 = arith.constant 0 : i32
        %dma_start3A_113 = tpu.memref_slice %arg5[%dma_start3A_111, %dma_start3A_112] : memref<10000x16xf32, #tpu.memory_space<vmem_shared>> -> memref<10000x16xf32, #tpu.memory_space<vmem_shared>>
        tpu.enqueue_indirect_dma source(%arg8 : memref<125x16xf32, #tpu.memory_space<vmem>>) target(%dma_start3A_113 : memref<10000x16xf32, #tpu.memory_space<vmem_shared>>) offsets(%dma_start3A_110 : memref<125xi32, #tpu.memory_space<vmem>>) semaphore(%run_scoped3A_107 : memref<!tpu.dma_semaphore, #tpu.memory_space<semaphore_mem>>) {add = true}
        %dma_wait3A_114 = arith.constant 0 : i32
        %dma_wait3A_115 = tpu.memref_slice %arg7[%mul3A_70, %dma_wait3A_114] : memref<80x125xi32, #tpu.memory_space<vmem>> -> memref<1x125xi32, #tpu.memory_space<vmem>>
        %dma_wait3A_116 = tpu.memref_squeeze %dma_wait3A_115 : memref<1x125xi32, #tpu.memory_space<vmem>> -> memref<125xi32, #tpu.memory_space<vmem>>
        %dma_wait3A_117 = arith.constant 0 : i32
        %dma_wait3A_118 = arith.constant 0 : i32
        %dma_wait3A_119 = tpu.memref_slice %arg5[%dma_wait3A_117, %dma_wait3A_118] : memref<10000x16xf32, #tpu.memory_space<vmem_shared>> -> memref<10000x16xf32, #tpu.memory_space<vmem_shared>>
        tpu.wait_indirect_dma semaphore(%run_scoped3A_107 : memref<!tpu.dma_semaphore, #tpu.memory_space<semaphore_mem>>) src(%arg8 : memref<125x16xf32, #tpu.memory_space<vmem>>) dst(%dma_wait3A_119 : memref<10000x16xf32, #tpu.memory_space<vmem_shared>>)
        tpu.yield
      }) : () -> ()
      %add3A_77 = arith.constant 2 : i32
      %add3A_78 = arith.addi %mul3A_70, %add3A_77 : i32
      %min3A = arith.constant 79 : i32
      %min3A_79 = arith.minsi %add3A_78, %min3A : i32
      %dma_start3A_80 = arith.constant 0 : i32
      %dma_start3A_81 = tpu.memref_slice %arg6[%min3A_79, %dma_start3A_80] : memref<80x125xi32, #tpu.memory_space<vmem>> -> memref<1x125xi32, #tpu.memory_space<vmem>>
      %dma_start3A_82 = tpu.memref_squeeze %dma_start3A_81 : memref<1x125xi32, #tpu.memory_space<vmem>> -> memref<125xi32, #tpu.memory_space<vmem>>
      %dma_start3A_83 = arith.constant 0 : i32
      %dma_start3A_84 = arith.constant 0 : i32
      %dma_start3A_85 = tpu.memref_slice %arg3[%dma_start3A_83, %dma_start3A_84] : memref<10000x16xf32, #tpu.memory_space<hbm>> -> memref<10000x16xf32, #tpu.memory_space<hbm>>
      tpu.enqueue_indirect_dma source(%dma_start3A_85 : memref<10000x16xf32, #tpu.memory_space<hbm>>) target(%arg8 : memref<125x16xf32, #tpu.memory_space<vmem>>) offsets(%dma_start3A_82 : memref<125xi32, #tpu.memory_space<vmem>>) semaphore(%arg10 : memref<!tpu.dma_semaphore, #tpu.memory_space<semaphore_mem>>)
      %add3A_86 = arith.constant 1 : i32
      %add3A_87 = arith.addi %mul3A_70, %add3A_86 : i32
      %dma_wait3A_88 = arith.constant 0 : i32
      %dma_wait3A_89 = tpu.memref_slice %arg6[%add3A_87, %dma_wait3A_88] : memref<80x125xi32, #tpu.memory_space<vmem>> -> memref<1x125xi32, #tpu.memory_space<vmem>>
      %dma_wait3A_90 = tpu.memref_squeeze %dma_wait3A_89 : memref<1x125xi32, #tpu.memory_space<vmem>> -> memref<125xi32, #tpu.memory_space<vmem>>
      %dma_wait3A_91 = arith.constant 0 : i32
      %dma_wait3A_92 = arith.constant 0 : i32
      %dma_wait3A_93 = tpu.memref_slice %arg3[%dma_wait3A_91, %dma_wait3A_92] : memref<10000x16xf32, #tpu.memory_space<hbm>> -> memref<10000x16xf32, #tpu.memory_space<hbm>>
      tpu.wait_indirect_dma semaphore(%arg11 : memref<!tpu.dma_semaphore, #tpu.memory_space<semaphore_mem>>) src(%dma_wait3A_93 : memref<10000x16xf32, #tpu.memory_space<hbm>>) dst(%arg9 : memref<125x16xf32, #tpu.memory_space<vmem>>)
      %add3A_94 = arith.constant 1 : i32
      %add3A_95 = arith.addi %mul3A_70, %add3A_94 : i32
      "tpu.region"() ({
        %run_scoped3A_107 = tpu.sem_alloc : memref<!tpu.dma_semaphore, #tpu.memory_space<semaphore_mem>>
        %dma_start3A_108 = arith.constant 0 : i32
        %dma_start3A_109 = tpu.memref_slice %arg7[%add3A_95, %dma_start3A_108] : memref<80x125xi32, #tpu.memory_space<vmem>> -> memref<1x125xi32, #tpu.memory_space<vmem>>
        %dma_start3A_110 = tpu.memref_squeeze %dma_start3A_109 : memref<1x125xi32, #tpu.memory_space<vmem>> -> memref<125xi32, #tpu.memory_space<vmem>>
        %dma_start3A_111 = arith.constant 0 : i32
        %dma_start3A_112 = arith.constant 0 : i32
        %dma_start3A_113 = tpu.memref_slice %arg5[%dma_start3A_111, %dma_start3A_112] : memref<10000x16xf32, #tpu.memory_space<vmem_shared>> -> memref<10000x16xf32, #tpu.memory_space<vmem_shared>>
        tpu.enqueue_indirect_dma source(%arg9 : memref<125x16xf32, #tpu.memory_space<vmem>>) target(%dma_start3A_113 : memref<10000x16xf32, #tpu.memory_space<vmem_shared>>) offsets(%dma_start3A_110 : memref<125xi32, #tpu.memory_space<vmem>>) semaphore(%run_scoped3A_107 : memref<!tpu.dma_semaphore, #tpu.memory_space<semaphore_mem>>) {add = true}
        %dma_wait3A_114 = arith.constant 0 : i32
        %dma_wait3A_115 = tpu.memref_slice %arg7[%add3A_95, %dma_wait3A_114] : memref<80x125xi32, #tpu.memory_space<vmem>> -> memref<1x125xi32, #tpu.memory_space<vmem>>
        %dma_wait3A_116 = tpu.memref_squeeze %dma_wait3A_115 : memref<1x125xi32, #tpu.memory_space<vmem>> -> memref<125xi32, #tpu.memory_space<vmem>>
        %dma_wait3A_117 = arith.constant 0 : i32
        %dma_wait3A_118 = arith.constant 0 : i32
        %dma_wait3A_119 = tpu.memref_slice %arg5[%dma_wait3A_117, %dma_wait3A_118] : memref<10000x16xf32, #tpu.memory_space<vmem_shared>> -> memref<10000x16xf32, #tpu.memory_space<vmem_shared>>
        tpu.wait_indirect_dma semaphore(%run_scoped3A_107 : memref<!tpu.dma_semaphore, #tpu.memory_space<semaphore_mem>>) src(%arg9 : memref<125x16xf32, #tpu.memory_space<vmem>>) dst(%dma_wait3A_119 : memref<10000x16xf32, #tpu.memory_space<vmem_shared>>)
        tpu.yield
      }) : () -> ()
      %add3A_96 = arith.constant 3 : i32
      %add3A_97 = arith.addi %mul3A_70, %add3A_96 : i32
      %min3A_98 = arith.constant 79 : i32
      %min3A_99 = arith.minsi %add3A_97, %min3A_98 : i32
      %dma_start3A_100 = arith.constant 0 : i32
      %dma_start3A_101 = tpu.memref_slice %arg6[%min3A_99, %dma_start3A_100] : memref<80x125xi32, #tpu.memory_space<vmem>> -> memref<1x125xi32, #tpu.memory_space<vmem>>
      %dma_start3A_102 = tpu.memref_squeeze %dma_start3A_101 : memref<1x125xi32, #tpu.memory_space<vmem>> -> memref<125xi32, #tpu.memory_space<vmem>>
      %dma_start3A_103 = arith.constant 0 : i32
      %dma_start3A_104 = arith.constant 0 : i32
      %dma_start3A_105 = tpu.memref_slice %arg3[%dma_start3A_103, %dma_start3A_104] : memref<10000x16xf32, #tpu.memory_space<hbm>> -> memref<10000x16xf32, #tpu.memory_space<hbm>>
      tpu.enqueue_indirect_dma source(%dma_start3A_105 : memref<10000x16xf32, #tpu.memory_space<hbm>>) target(%arg9 : memref<125x16xf32, #tpu.memory_space<vmem>>) offsets(%dma_start3A_102 : memref<125xi32, #tpu.memory_space<vmem>>) semaphore(%arg11 : memref<!tpu.dma_semaphore, #tpu.memory_space<semaphore_mem>>)
      %scan3A_106 = arith.constant 0 : i32
      scf.yield %scan3A_106 : i32
    }
    %scan3A_48 = arith.constant 40 : i32
    %dma_wait3A = arith.constant 0 : i32
    %dma_wait3A_49 = arith.constant 0 : i32
    %dma_wait3A_50 = tpu.memref_slice %arg6[%dma_wait3A, %dma_wait3A_49] : memref<80x125xi32, #tpu.memory_space<vmem>> -> memref<1x125xi32, #tpu.memory_space<vmem>>
    %dma_wait3A_51 = tpu.memref_squeeze %dma_wait3A_50 : memref<1x125xi32, #tpu.memory_space<vmem>> -> memref<125xi32, #tpu.memory_space<vmem>>
    %dma_wait3A_52 = arith.constant 0 : i32
    %dma_wait3A_53 = arith.constant 0 : i32
    %dma_wait3A_54 = tpu.memref_slice %arg3[%dma_wait3A_52, %dma_wait3A_53] : memref<10000x16xf32, #tpu.memory_space<hbm>> -> memref<10000x16xf32, #tpu.memory_space<hbm>>
    tpu.wait_indirect_dma semaphore(%arg10 : memref<!tpu.dma_semaphore, #tpu.memory_space<semaphore_mem>>) src(%dma_wait3A_54 : memref<10000x16xf32, #tpu.memory_space<hbm>>) dst(%arg8 : memref<125x16xf32, #tpu.memory_space<vmem>>)
    %dma_wait3A_55 = arith.constant 0 : i32
    %dma_wait3A_56 = arith.constant 0 : i32
    %dma_wait3A_57 = tpu.memref_slice %arg6[%dma_wait3A_55, %dma_wait3A_56] : memref<80x125xi32, #tpu.memory_space<vmem>> -> memref<1x125xi32, #tpu.memory_space<vmem>>
    %dma_wait3A_58 = tpu.memref_squeeze %dma_wait3A_57 : memref<1x125xi32, #tpu.memory_space<vmem>> -> memref<125xi32, #tpu.memory_space<vmem>>
    %dma_wait3A_59 = arith.constant 0 : i32
    %dma_wait3A_60 = arith.constant 0 : i32
    %dma_wait3A_61 = tpu.memref_slice %arg3[%dma_wait3A_59, %dma_wait3A_60] : memref<10000x16xf32, #tpu.memory_space<hbm>> -> memref<10000x16xf32, #tpu.memory_space<hbm>>
    tpu.wait_indirect_dma semaphore(%arg11 : memref<!tpu.dma_semaphore, #tpu.memory_space<semaphore_mem>>) src(%dma_wait3A_61 : memref<10000x16xf32, #tpu.memory_space<hbm>>) dst(%arg9 : memref<125x16xf32, #tpu.memory_space<vmem>>)
    %barrier3A_62 = arith.constant 0 : index
    tpu.barrier barrier_id(%barrier3A_62)
    %mul3A_63 = arith.constant 625 : i32
    %mul3A_64 = arith.muli %arg1, %mul3A_63 : i32
    %mul3A_65 = arith.constant 625 : i32
    %mul3A_66 = arith.muli %arg1, %mul3A_65 : i32
    "tpu.region"() ({
      %run_scoped3A_67 = tpu.sem_alloc : memref<!tpu.dma_semaphore, #tpu.memory_space<semaphore_mem>>
      %dma_start3A_68 = arith.constant 0 : i32
      %dma_start3A_69 = tpu.memref_slice %arg4[%arg0, %mul3A_66, %dma_start3A_68] : memref<2x10000x16xf32, #tpu.memory_space<hbm>> -> memref<1x625x16xf32, #tpu.memory_space<hbm>>
      %dma_start3A_70 = tpu.memref_squeeze %dma_start3A_69 : memref<1x625x16xf32, #tpu.memory_space<hbm>> -> memref<625x16xf32, #tpu.memory_space<hbm>>
      %dma_start3A_71 = arith.constant 0 : i32
      %dma_start3A_72 = tpu.memref_slice %arg5[%mul3A_64, %dma_start3A_71] : memref<10000x16xf32, #tpu.memory_space<vmem_shared>> -> memref<625x16xf32, #tpu.memory_space<vmem_shared>>
      tpu.enqueue_dma source(%dma_start3A_72 : memref<625x16xf32, #tpu.memory_space<vmem_shared>>) target(%dma_start3A_70 : memref<625x16xf32, #tpu.memory_space<hbm>>) target_semaphore(%run_scoped3A_67 : memref<!tpu.dma_semaphore, #tpu.memory_space<semaphore_mem>>)
      %dma_wait3A_73 = arith.constant 0 : i32
      %dma_wait3A_74 = tpu.memref_slice %arg4[%arg0, %mul3A_66, %dma_wait3A_73] : memref<2x10000x16xf32, #tpu.memory_space<hbm>> -> memref<1x625x16xf32, #tpu.memory_space<hbm>>
      %dma_wait3A_75 = tpu.memref_squeeze %dma_wait3A_74 : memref<1x625x16xf32, #tpu.memory_space<hbm>> -> memref<625x16xf32, #tpu.memory_space<hbm>>
      %dma_wait3A_76 = arith.constant 0 : i32
      %dma_wait3A_77 = tpu.memref_slice %arg5[%mul3A_64, %dma_wait3A_76] : memref<10000x16xf32, #tpu.memory_space<vmem_shared>> -> memref<625x16xf32, #tpu.memory_space<vmem_shared>>
      tpu.wait_dma2 semaphore(%run_scoped3A_67 : memref<!tpu.dma_semaphore, #tpu.memory_space<semaphore_mem>>) src(%dma_wait3A_77 : memref<625x16xf32, #tpu.memory_space<vmem_shared>>) dst(%dma_wait3A_75 : memref<625x16xf32, #tpu.memory_space<hbm>>)
      tpu.yield
    }) : () -> ()
    return
  }
}

module attributes {stable_mosaic.version = 14 : i64} {
  func.func @_tc1_body(%arg0: memref<2x10000x16xf32, #tpu.memory_space<vmem>>, %arg1: memref<10000x128xf32, #tpu.memory_space<vmem>>, %arg2: memref<10000x1xf32, #tpu.memory_space<vmem>>, %arg3: memref<10000x128xf32, #tpu.memory_space<vmem>>) attributes {dimension_semantics = [], scalar_prefetch = 0 : i64, scratch_operands = 0 : i64, tpu.core_type = #tpu.core_type<tc>} {
    %get3A = arith.constant 0 : index
    %get3A_0 = arith.constant 0 : index
    %get3A_1 = arith.constant 0 : index
    %get3A_2 = vector.load %arg0[%get3A, %get3A_0, %get3A_1] : memref<2x10000x16xf32, #tpu.memory_space<vmem>>, vector<2x10000x16xf32>
    %slice3A = vector.extract_strided_slice %get3A_2 {offsets = [0, 0, 0], sizes = [1, 10000, 1], strides = [1, 1, 1]} : vector<2x10000x16xf32> to vector<1x10000x1xf32>
    %squeeze3A = vector.shape_cast %slice3A : vector<1x10000x1xf32> to vector<10000x1xf32>
    %slice3A_3 = vector.extract_strided_slice %get3A_2 {offsets = [1, 0, 0], sizes = [1, 10000, 1], strides = [1, 1, 1]} : vector<2x10000x16xf32> to vector<1x10000x1xf32>
    %squeeze3A_4 = vector.shape_cast %slice3A_3 : vector<1x10000x1xf32> to vector<10000x1xf32>
    %add3A = arith.addf %squeeze3A, %squeeze3A_4 : vector<10000x1xf32>
    %add3A_5 = arith.constant 1.000000e+00 : f32
    %add3A_6 = vector.broadcast %add3A_5 : f32 to vector<10000x1xf32>
    %add3A_7 = arith.addf %add3A, %add3A_6 : vector<10000x1xf32>
    %rsqrt3A = math.rsqrt %add3A_7 : vector<10000x1xf32>
    %swap3A = arith.constant 0 : index
    %swap3A_8 = arith.constant 0 : index
    %swap3A_9 = vector.load %arg2[%swap3A, %swap3A_8] : memref<10000x1xf32, #tpu.memory_space<vmem>>, vector<10000x1xf32>
    tpu.vector_store %arg2[%swap3A, %swap3A_8], %rsqrt3A {strides = array<i32>} : memref<10000x1xf32, #tpu.memory_space<vmem>>, vector<10000x1xf32>,
    %get3A_10 = arith.constant 0 : index
    %get3A_11 = arith.constant 0 : index
    %get3A_12 = vector.load %arg1[%get3A_10, %get3A_11] : memref<10000x128xf32, #tpu.memory_space<vmem>>, vector<10000x128xf32>
    %mul3A = vector.broadcast %rsqrt3A : vector<10000x1xf32> to vector<10000x128xf32>
    %mul3A_13 = arith.mulf %get3A_12, %mul3A : vector<10000x128xf32>
    %swap3A_14 = arith.constant 0 : index
    %swap3A_15 = arith.constant 0 : index
    %swap3A_16 = vector.load %arg3[%swap3A_14, %swap3A_15] : memref<10000x128xf32, #tpu.memory_space<vmem>>, vector<10000x128xf32>
    tpu.vector_store %arg3[%swap3A_14, %swap3A_15], %mul3A_13 {strides = array<i32>} : memref<10000x128xf32, #tpu.memory_space<vmem>>, vector<10000x128xf32>,
    return
  }
}

module attributes {stable_mosaic.version = 14 : i64} {
  func.func @_tc2_body(%arg0: memref<2x10000x128xf32, #tpu.memory_space<vmem>>, %arg1: memref<10000x128xf32, #tpu.memory_space<vmem>>, %arg2: memref<10000x1xf32, #tpu.memory_space<vmem>>, %arg3: memref<128x256xf32, #tpu.memory_space<vmem>>, %arg4: memref<256xf32, #tpu.memory_space<vmem>>, %arg5: memref<256x32xf32, #tpu.memory_space<vmem>>, %arg6: memref<10000x32xf32, #tpu.memory_space<vmem>>) attributes {dimension_semantics = [], scalar_prefetch = 0 : i64, scratch_operands = 0 : i64, tpu.core_type = #tpu.core_type<tc>} {
    %get3A = arith.constant 0 : index
    %get3A_0 = arith.constant 0 : index
    %get3A_1 = arith.constant 0 : index
    %get3A_2 = vector.load %arg0[%get3A, %get3A_0, %get3A_1] : memref<2x10000x128xf32, #tpu.memory_space<vmem>>, vector<2x10000x128xf32>
    %get3A_3 = arith.constant 0 : index
    %get3A_4 = arith.constant 0 : index
    %get3A_5 = vector.load %arg2[%get3A_3, %get3A_4] : memref<10000x1xf32, #tpu.memory_space<vmem>>, vector<10000x1xf32>
    %slice3A = vector.extract_strided_slice %get3A_2 {offsets = [0, 0, 0], sizes = [1, 10000, 128], strides = [1, 1, 1]} : vector<2x10000x128xf32> to vector<1x10000x128xf32>
    %squeeze3A = vector.shape_cast %slice3A : vector<1x10000x128xf32> to vector<10000x128xf32>
    %slice3A_6 = vector.extract_strided_slice %get3A_2 {offsets = [1, 0, 0], sizes = [1, 10000, 128], strides = [1, 1, 1]} : vector<2x10000x128xf32> to vector<1x10000x128xf32>
    %squeeze3A_7 = vector.shape_cast %slice3A_6 : vector<1x10000x128xf32> to vector<10000x128xf32>
    %add3A = arith.addf %squeeze3A, %squeeze3A_7 : vector<10000x128xf32>
    %get3A_8 = arith.constant 0 : index
    %get3A_9 = arith.constant 0 : index
    %get3A_10 = vector.load %arg1[%get3A_8, %get3A_9] : memref<10000x128xf32, #tpu.memory_space<vmem>>, vector<10000x128xf32>
    %add3A_11 = arith.addf %add3A, %get3A_10 : vector<10000x128xf32>
    %mul3A = vector.broadcast %get3A_5 : vector<10000x1xf32> to vector<10000x128xf32>
    %mul3A_12 = arith.mulf %add3A_11, %mul3A : vector<10000x128xf32>
    %convert_element_type3A = arith.truncf %mul3A_12 : vector<10000x128xf32> to vector<10000x128xbf16>
    %get3A_13 = arith.constant 0 : index
    %get3A_14 = arith.constant 0 : index
    %get3A_15 = vector.load %arg3[%get3A_13, %get3A_14] : memref<128x256xf32, #tpu.memory_space<vmem>>, vector<128x256xf32>
    %convert_element_type3A_16 = arith.truncf %get3A_15 : vector<128x256xf32> to vector<128x256xbf16>
    %dot_general3A = arith.constant dense<0.000000e+00> : vector<10000x256xf32>
    %dot_general3A_17 = tpu.matmul %convert_element_type3A, %convert_element_type3A_16, %dot_general3A {dimension_numbers = #tpu.dot_dimension_numbers<[1], [0], [0], [1], [0, 0, 1, 1], [], []>, transpose_lhs_hint = false} : vector<10000x128xbf16>, vector<128x256xbf16>, vector<10000x256xf32> -> vector<10000x256xf32>
    %get3A_18 = arith.constant 0 : index
    %get3A_19 = vector.load %arg4[%get3A_18] : memref<256xf32, #tpu.memory_space<vmem>>, vector<256xf32>
    %broadcast_in_dim3A = vector.shape_cast %get3A_19 : vector<256xf32> to vector<1x256xf32>
    %add3A_20 = vector.broadcast %broadcast_in_dim3A : vector<1x256xf32> to vector<10000x256xf32>
    %add3A_21 = arith.addf %dot_general3A_17, %add3A_20 : vector<10000x256xf32>
    %max3A = arith.constant 0.000000e+00 : f32
    %max3A_22 = vector.broadcast %max3A : f32 to vector<10000x256xf32>
    %max3A_23 = arith.maximumf %add3A_21, %max3A_22 : vector<10000x256xf32>
    %convert_element_type3A_24 = arith.truncf %max3A_23 : vector<10000x256xf32> to vector<10000x256xbf16>
    %get3A_25 = arith.constant 0 : index
    %get3A_26 = arith.constant 0 : index
    %get3A_27 = vector.load %arg5[%get3A_25, %get3A_26] : memref<256x32xf32, #tpu.memory_space<vmem>>, vector<256x32xf32>
    %convert_element_type3A_28 = arith.truncf %get3A_27 : vector<256x32xf32> to vector<256x32xbf16>
    %dot_general3A_29 = arith.constant dense<0.000000e+00> : vector<10000x32xf32>
    %dot_general3A_30 = tpu.matmul %convert_element_type3A_24, %convert_element_type3A_28, %dot_general3A_29 {dimension_numbers = #tpu.dot_dimension_numbers<[1], [0], [0], [1], [0, 0, 1, 1], [], []>, transpose_lhs_hint = false} : vector<10000x256xbf16>, vector<256x32xbf16>, vector<10000x32xf32> -> vector<10000x32xf32>
    %mul3A_31 = vector.broadcast %get3A_5 : vector<10000x1xf32> to vector<10000x32xf32>
    %mul3A_32 = arith.mulf %dot_general3A_30, %mul3A_31 : vector<10000x32xf32>
    %swap3A = arith.constant 0 : index
    %swap3A_33 = arith.constant 0 : index
    %swap3A_34 = vector.load %arg6[%swap3A, %swap3A_33] : memref<10000x32xf32, #tpu.memory_space<vmem>>, vector<10000x32xf32>
    tpu.vector_store %arg6[%swap3A, %swap3A_33], %mul3A_32 {strides = array<i32>} : memref<10000x32xf32, #tpu.memory_space<vmem>>, vector<10000x32xf32>,
    return
  }
}

module attributes {stable_mosaic.version = 14 : i64} {
  func.func @_tc3_body(%arg0: memref<2x10000x32xf32, #tpu.memory_space<vmem>>, %arg1: memref<10000x32xf32, #tpu.memory_space<vmem>>, %arg2: memref<10000x1xf32, #tpu.memory_space<vmem>>, %arg3: memref<32xf32, #tpu.memory_space<vmem>>, %arg4: memref<32x16xf32, #tpu.memory_space<vmem>>, %arg5: memref<10000x16xf32, #tpu.memory_space<vmem>>) attributes {dimension_semantics = [], scalar_prefetch = 0 : i64, scratch_operands = 0 : i64, tpu.core_type = #tpu.core_type<tc>} {
    %get3A = arith.constant 0 : index
    %get3A_0 = arith.constant 0 : index
    %get3A_1 = arith.constant 0 : index
    %get3A_2 = vector.load %arg0[%get3A, %get3A_0, %get3A_1] : memref<2x10000x32xf32, #tpu.memory_space<vmem>>, vector<2x10000x32xf32>
    %get3A_3 = arith.constant 0 : index
    %get3A_4 = arith.constant 0 : index
    %get3A_5 = vector.load %arg2[%get3A_3, %get3A_4] : memref<10000x1xf32, #tpu.memory_space<vmem>>, vector<10000x1xf32>
    %slice3A = vector.extract_strided_slice %get3A_2 {offsets = [0, 0, 0], sizes = [1, 10000, 32], strides = [1, 1, 1]} : vector<2x10000x32xf32> to vector<1x10000x32xf32>
    %squeeze3A = vector.shape_cast %slice3A : vector<1x10000x32xf32> to vector<10000x32xf32>
    %slice3A_6 = vector.extract_strided_slice %get3A_2 {offsets = [1, 0, 0], sizes = [1, 10000, 32], strides = [1, 1, 1]} : vector<2x10000x32xf32> to vector<1x10000x32xf32>
    %squeeze3A_7 = vector.shape_cast %slice3A_6 : vector<1x10000x32xf32> to vector<10000x32xf32>
    %add3A = arith.addf %squeeze3A, %squeeze3A_7 : vector<10000x32xf32>
    %get3A_8 = arith.constant 0 : index
    %get3A_9 = arith.constant 0 : index
    %get3A_10 = vector.load %arg1[%get3A_8, %get3A_9] : memref<10000x32xf32, #tpu.memory_space<vmem>>, vector<10000x32xf32>
    %add3A_11 = arith.addf %add3A, %get3A_10 : vector<10000x32xf32>
    %mul3A = vector.broadcast %get3A_5 : vector<10000x1xf32> to vector<10000x32xf32>
    %mul3A_12 = arith.mulf %add3A_11, %mul3A : vector<10000x32xf32>
    %get3A_13 = arith.constant 0 : index
    %get3A_14 = vector.load %arg3[%get3A_13] : memref<32xf32, #tpu.memory_space<vmem>>, vector<32xf32>
    %broadcast_in_dim3A = vector.shape_cast %get3A_14 : vector<32xf32> to vector<1x32xf32>
    %add3A_15 = vector.broadcast %broadcast_in_dim3A : vector<1x32xf32> to vector<10000x32xf32>
    %add3A_16 = arith.addf %mul3A_12, %add3A_15 : vector<10000x32xf32>
    %max3A = arith.constant 0.000000e+00 : f32
    %max3A_17 = vector.broadcast %max3A : f32 to vector<10000x32xf32>
    %max3A_18 = arith.maximumf %add3A_16, %max3A_17 : vector<10000x32xf32>
    %convert_element_type3A = arith.truncf %max3A_18 : vector<10000x32xf32> to vector<10000x32xbf16>
    %get3A_19 = arith.constant 0 : index
    %get3A_20 = arith.constant 0 : index
    %get3A_21 = vector.load %arg4[%get3A_19, %get3A_20] : memref<32x16xf32, #tpu.memory_space<vmem>>, vector<32x16xf32>
    %convert_element_type3A_22 = arith.truncf %get3A_21 : vector<32x16xf32> to vector<32x16xbf16>
    %dot_general3A = arith.constant dense<0.000000e+00> : vector<10000x16xf32>
    %dot_general3A_23 = tpu.matmul %convert_element_type3A, %convert_element_type3A_22, %dot_general3A {dimension_numbers = #tpu.dot_dimension_numbers<[1], [0], [0], [1], [0, 0, 1, 1], [], []>, transpose_lhs_hint = false} : vector<10000x32xbf16>, vector<32x16xbf16>, vector<10000x16xf32> -> vector<10000x16xf32>
    %mul3A_24 = vector.broadcast %get3A_5 : vector<10000x1xf32> to vector<10000x16xf32>
    %mul3A_25 = arith.mulf %dot_general3A_23, %mul3A_24 : vector<10000x16xf32>
    %swap3A = arith.constant 0 : index
    %swap3A_26 = arith.constant 0 : index
    %swap3A_27 = vector.load %arg5[%swap3A, %swap3A_26] : memref<10000x16xf32, #tpu.memory_space<vmem>>, vector<10000x16xf32>
    tpu.vector_store %arg5[%swap3A, %swap3A_26], %mul3A_25 {strides = array<i32>} : memref<10000x16xf32, #tpu.memory_space<vmem>>, vector<10000x16xf32>,
    return
  }
}

module attributes {stable_mosaic.version = 14 : i64} {
  func.func @_tc4_body(%arg0: memref<2x10000x16xf32, #tpu.memory_space<vmem>>, %arg1: memref<10000x16xf32, #tpu.memory_space<vmem>>, %arg2: memref<10000x1xf32, #tpu.memory_space<vmem>>, %arg3: memref<7xf32, #tpu.memory_space<vmem>>, %arg4: memref<10000x7xf32, #tpu.memory_space<vmem>>) attributes {dimension_semantics = [], scalar_prefetch = 0 : i64, scratch_operands = 0 : i64, tpu.core_type = #tpu.core_type<tc>} {
    %get3A = arith.constant 0 : index
    %get3A_0 = arith.constant 0 : index
    %get3A_1 = arith.constant 0 : index
    %get3A_2 = vector.load %arg0[%get3A, %get3A_0, %get3A_1] : memref<2x10000x16xf32, #tpu.memory_space<vmem>>, vector<2x10000x16xf32>
    %slice3A = vector.extract_strided_slice %get3A_2 {offsets = [0, 0, 0], sizes = [1, 10000, 16], strides = [1, 1, 1]} : vector<2x10000x16xf32> to vector<1x10000x16xf32>
    %squeeze3A = vector.shape_cast %slice3A : vector<1x10000x16xf32> to vector<10000x16xf32>
    %slice3A_3 = vector.extract_strided_slice %get3A_2 {offsets = [1, 0, 0], sizes = [1, 10000, 16], strides = [1, 1, 1]} : vector<2x10000x16xf32> to vector<1x10000x16xf32>
    %squeeze3A_4 = vector.shape_cast %slice3A_3 : vector<1x10000x16xf32> to vector<10000x16xf32>
    %add3A = arith.addf %squeeze3A, %squeeze3A_4 : vector<10000x16xf32>
    %get3A_5 = arith.constant 0 : index
    %get3A_6 = arith.constant 0 : index
    %get3A_7 = vector.load %arg1[%get3A_5, %get3A_6] : memref<10000x16xf32, #tpu.memory_space<vmem>>, vector<10000x16xf32>
    %add3A_8 = arith.addf %add3A, %get3A_7 : vector<10000x16xf32>
    %get3A_9 = arith.constant 0 : index
    %get3A_10 = arith.constant 0 : index
    %get3A_11 = vector.load %arg2[%get3A_9, %get3A_10] : memref<10000x1xf32, #tpu.memory_space<vmem>>, vector<10000x1xf32>
    %mul3A = vector.broadcast %get3A_11 : vector<10000x1xf32> to vector<10000x16xf32>
    %mul3A_12 = arith.mulf %add3A_8, %mul3A : vector<10000x16xf32>
    %slice3A_13 = vector.extract_strided_slice %mul3A_12 {offsets = [0, 0], sizes = [10000, 7], strides = [1, 1]} : vector<10000x16xf32> to vector<10000x7xf32>
    %get3A_14 = arith.constant 0 : index
    %get3A_15 = vector.load %arg3[%get3A_14] : memref<7xf32, #tpu.memory_space<vmem>>, vector<7xf32>
    %broadcast_in_dim3A = vector.shape_cast %get3A_15 : vector<7xf32> to vector<1x7xf32>
    %add3A_16 = vector.broadcast %broadcast_in_dim3A : vector<1x7xf32> to vector<10000x7xf32>
    %add3A_17 = arith.addf %slice3A_13, %add3A_16 : vector<10000x7xf32>
    %reduce_max3A = arith.constant dense<0xFF800000> : vector<10000xf32>
    %reduce_max3A_18 = vector.multi_reduction <maximumf>, %add3A_17, %reduce_max3A [1] : vector<10000x7xf32> to vector<10000xf32>
    %broadcast_in_dim3A_19 = vector.shape_cast %reduce_max3A_18 : vector<10000xf32> to vector<10000x1xf32>
    %sub3A = vector.broadcast %broadcast_in_dim3A_19 : vector<10000x1xf32> to vector<10000x7xf32>
    %sub3A_20 = arith.subf %add3A_17, %sub3A : vector<10000x7xf32>
    %exp3A = math.exp %sub3A_20 : vector<10000x7xf32>
    %reduce_sum3A = arith.constant dense<0.000000e+00> : vector<10000xf32>
    %reduce_sum3A_21 = vector.multi_reduction <add>, %exp3A, %reduce_sum3A [1] : vector<10000x7xf32> to vector<10000xf32>
    %broadcast_in_dim3A_22 = vector.shape_cast %reduce_sum3A_21 : vector<10000xf32> to vector<10000x1xf32>
    %log3A = math.log %broadcast_in_dim3A_22 : vector<10000x1xf32>
    %add3A_23 = arith.addf %log3A, %broadcast_in_dim3A_19 : vector<10000x1xf32>
    %sub3A_24 = vector.broadcast %add3A_23 : vector<10000x1xf32> to vector<10000x7xf32>
    %sub3A_25 = arith.subf %add3A_17, %sub3A_24 : vector<10000x7xf32>
    %swap3A = arith.constant 0 : index
    %swap3A_26 = arith.constant 0 : index
    %swap3A_27 = vector.load %arg4[%swap3A, %swap3A_26] : memref<10000x7xf32, #tpu.memory_space<vmem>>, vector<10000x7xf32>
    tpu.vector_store %arg4[%swap3A, %swap3A_26], %sub3A_25 {strides = array<i32>} : memref<10000x7xf32, #tpu.memory_space<vmem>>, vector<10000x7xf32>,
    return
  }
}

</mosaic_0001>

<sc_bundles>
// kernel: kernel.10.cloned.1.call-start
scs
__scs_entry_jumppad:
0x0: {  	(pc) =	sbr.rel $0x88, $3  }
0x1: {  	(tag) =	ssettag $0x0;
	lr =	simm.s32 $0x1  }
0x2: {  	[smem:$0x3F99] =	sst lr;
	_ =	strace $0xD0000000  }
0x3: {  	_ = 	snop  }
0x4: {  	_ = 	snop  }
0x5: {  	_ = 	snop  }
0x6: {  	_ = 	snop  }
0x7: {  	_ = 	snop  }
__scs_overlays_trampoline_lowered:
0x8: {  	[smem:$0x3FA8] =	sst s0  }
0x9: {  	[smem:$0x3FA9] =	sst s1  }
0xa: {  	[smem:$0x3FAA] =	sst s2  }
0xb: {  	[smem:$0x3FAB] =	sst s3  }
0xc: {  	[smem:$0x3FAC] =	sst s4  }
0xd: {  	[smem:$0x3FAD] =	sst s5  }
0xe: {  	[smem:$0x3FAE] =	sst s6  }
0xf: {  	[smem:$0x3FAF] =	sst s7  }
0x10: {  	[smem:$0x3FB0] =	sst s8  }
0x11: {  	[smem:$0x3FB1] =	sst s9;
	s0 =	simm.s32 @!p0 $0x0  }
0x12: {  	s1 =	sld [smem:$0x3F97];
	s0 =	simm.s32 @p0 $0x1  }
0x13: {  	[smem:$0x3FB2] =	sst s0;
	s0 =	simm.s32 @!p1 $0x0  }
0x14: {  	s2 =	sld [smem:$0x3F96];
	s0 =	simm.s32 @p1 $0x1  }
0x15: {  	[smem:$0x3FB3] =	sst s0;
	s0 =	simm.s32 @!p2 $0x0  }
0x16: {  	s3 =	sld [smem:$0x3FDB];
	s0 =	simm.s32 @p2 $0x1  }
0x17: {  	s4 =	simm.s32 $0x1BF5;
	[smem:$0x3FB5] =	sst s0  }
0x18: {  	s0 =	sld [smem:$0x3F98];
	_ =	swait.ge [sflag:s4], $0x0  }
0x19: {  	s7 =	sld [smem:$0x3F99]  }
0x1a: {  	s8 =	sadd.s32 $0xFFFFE003, lr  }
0x1b: {  	s9 =	sadd.s32 $0xFFFFFEF7, lr;
	s5 =	simm.s32 $0xFFFFFFFF;
	p2 =	slt.u32 s8, $0xFFFFF086  }
0x1c: {  	p1 =	slt.u32 s9, $0xF7A;
	s5 =	simm.s32 @!p2 $0x0  }
0x1d: {  	s5 =	simm.s32 @p1 $0x1;
	p0 =	seq.s32 s7, s2  }
0x1e: {  	s7 =	smul.u32 @!p0 $0xF7A, s2;
	p2 =	seq.s32 @!p0 s5, $0x0  }
0x1f: {  	s9 =	smul.u32 $0xF7A, s1;
	s8 =	simm.s32 @!p0 $0x1BF5;
	p2 =	por !p2, p0  }
0x20: {  	[sflag:s8] =	ssyncset.s32 @!p0 $0xFFFFF086;
	s6 =	sadd.s32 @!p0 s3, s7;
	s7 =	simm.s32 @!p0 $0x108  }
0x21: {  	s3 =	sadd.s32 s3, s9;
	s6 =	sadd.s32 @!p0 $0x88, s6;
	s7 =	simm.s32 @p2 $0x1082  }
0x22: {  	[simem:s7], [sflag:s8] =	dma.local @!p0 [hbm:s6], $0xF7A  }
0x23: {  	s9 =	sor.u32 $0xD0000000, s2;
	s6 =	simm.s32 $0x108;
	_ =	swait.ge @!p0 [sflag:s8], $0x0  }
0x24: {  	s3 =	sadd.s32 $0x88, s3;
	s6 =	simm.s32 @!p1 $0x1082;
	[sflag:s4] =	ssyncset.s32 $0xFFFFF086  }
0x25: {  	[simem:s6], [sflag:s4] =	dma.local [hbm:s3], $0xF7A  }
0x26: {  	[smem:$0x3F99] =	sst s1;
	(tag) =	ssettag s2;
	_ =	strace s9  }
0x27: {  	s1 =	sld [smem:$0x3FA9]  }
0x28: {  	s2 =	sld [smem:$0x3FAA]  }
0x29: {  	s4 =	sld [smem:$0x3FAC]  }
0x2a: {  	p0 =	seq.s32 s5, $0x0;
	s5 =	sld [smem:$0x3FAD]  }
0x2b: {  	s6 =	sld [smem:$0x3FAE]  }
0x2c: {  	s7 =	sld [smem:$0x3FAF]  }
0x2d: {  	s3 =	simm.s32 $0x108;
	s8 =	sld [smem:$0x3FB0]  }
0x2e: {  	s3 =	simm.s32 @!p0 $0x1082;
	s9 =	sld [smem:$0x3FB1]  }
0x2f: {  	lr =	sadd.s32 s0, s3;
	s0 =	sld [smem:$0x3FA8]  }
0x30: {  	s3 =	sld [smem:$0x3FAB]  }
0x31: {  	[smem:$0x3FB4] =	sst s10  }
0x32: {  	s10 =	sld [smem:$0x3FB2];
	_ =	sdelay $0x3  }
0x33: {  	p0 =	seq.s32 s10, $0x1;
	s10 =	sld [smem:$0x3FB4];
	_ =	sdelay $0x3  }
0x34: {  	[smem:$0x3FB4] =	sst s10  }
0x35: {  	s10 =	sld [smem:$0x3FB3];
	_ =	sdelay $0x3  }
0x36: {  	p1 =	seq.s32 s10, $0x1;
	s10 =	sld [smem:$0x3FB4];
	_ =	sdelay $0x3  }
0x37: {  	[smem:$0x3FB4] =	sst s10  }
0x38: {  	s10 =	sld [smem:$0x3FB5]  }
0x39: {  	_ = 	snop;
	(pc) =	sbr.ind lr, $3  }
0x3a: {  	_ = 	snop  }
0x3b: {  	_ = 	snop  }
0x3c: {  	p2 =	seq.s32 s10, $0x1;
	s10 =	sld [smem:$0x3FB4]  }
0x3d: {  	_ =	shalt  }
0x3e: {  	_ =	shalt  }
0x3f: {  	_ =	shalt  }
0x40: {  	_ =	shalt  }
0x41: {  	_ =	shalt  }
0x42: {  	_ =	shalt  }
0x43: {  	_ =	shalt  }
0x44: {  	_ =	shalt  }
0x45: {  	_ =	shalt  }
0x46: {  	_ =	shalt  }
0x47: {  	_ =	shalt  }
0x48: {  	_ =	shalt  }
0x49: {  	_ =	shalt  }
0x4a: {  	_ =	shalt  }
0x4b: {  	_ =	shalt  }
0x4c: {  	_ =	shalt  }
0x4d: {  	_ =	shalt  }
0x4e: {  	_ =	shalt  }
0x4f: {  	_ =	shalt  }
0x50: {  	_ =	shalt  }
0x51: {  	_ =	shalt  }
0x52: {  	_ =	shalt  }
0x53: {  	_ =	shalt  }
0x54: {  	_ =	shalt  }
0x55: {  	_ =	shalt  }
0x56: {  	_ =	shalt  }
0x57: {  	_ =	shalt  }
0x58: {  	_ =	shalt  }
0x59: {  	_ =	shalt  }
0x5a: {  	_ =	shalt  }
0x5b: {  	_ =	shalt  }
0x5c: {  	_ =	shalt  }
0x5d: {  	_ =	shalt  }
0x5e: {  	_ =	shalt  }
0x5f: {  	_ =	shalt  }
0x60: {  	_ =	shalt  }
0x61: {  	_ =	shalt  }
0x62: {  	_ =	shalt  }
0x63: {  	_ =	shalt  }
0x64: {  	_ =	shalt  }
0x65: {  	_ =	shalt  }
0x66: {  	_ =	shalt  }
0x67: {  	_ =	shalt  }
0x68: {  	_ =	shalt  }
0x69: {  	_ =	shalt  }
0x6a: {  	_ =	shalt  }
0x6b: {  	_ =	shalt  }
0x6c: {  	_ =	shalt  }
0x6d: {  	_ =	shalt  }
0x6e: {  	_ =	shalt  }
0x6f: {  	_ =	shalt  }
0x70: {  	_ =	shalt  }
0x71: {  	_ =	shalt  }
0x72: {  	_ =	shalt  }
0x73: {  	_ =	shalt  }
0x74: {  	_ =	shalt  }
0x75: {  	_ =	shalt  }
0x76: {  	_ =	shalt  }
0x77: {  	_ =	shalt  }
0x78: {  	_ =	shalt  }
0x79: {  	_ =	shalt  }
0x7a: {  	_ =	shalt  }
0x7b: {  	_ =	shalt  }
0x7c: {  	_ =	shalt  }
0x7d: {  	_ =	shalt  }
0x7e: {  	_ =	shalt  }
0x7f: {  	_ =	shalt  }
0x80: {  	_ =	shalt  }
0x81: {  	_ =	shalt  }
0x82: {  	_ =	shalt  }
0x83: {  	_ =	shalt  }
0x84: {  	_ =	shalt  }
0x85: {  	_ =	shalt  }
0x86: {  	_ =	shalt  }
0x87: {  	_ =	shalt  }
.Lfunc_end0:
.L_simem_size_0:
called_computation_lowered:
.L_overlay_start_0:
0x88: {  	s2 =	sld [smem:$0x3FD9]  }
0x89: {  	s3 =	sld [smem:$0x3FFE];
	_ =	sdelay $0x1  }
0x8a: {  	s1 =	srdreg.scid  }
0x8b: {  	s0 =	sand.u32 $0x1, s1  }
0x8c: {  	s16 =	sshll.u32 s0, $0xA;
	s2 =	sadd.s32 s3, s2  }
0x8d: {  	s2 =	sadd.s32 s2, s16  }
0x8e: {  	[smem:$0x3FC0] =	sst s2  }
0x8f: {  	_ = 	snop  }
0x90: {  	(tm) =	ssettm $0x1  }
0x91: {  	s17 =	sld [smem:$0x3FFB];
	_ =	sdelay $0x3  }
0x92: {  	_ =	strace s17  }
0x93: {  	s2 =	sld [smem:$0x3FFC];
	_ =	sdelay $0x3  }
0x94: {  	_ =	strace s2  }
0x95: {  	s2 =	sld [smem:$0x3FFD];
	_ =	sdelay $0x3  }
0x96: {  	_ =	strace s2  }
0x97: {  	_ =	strace $0x8FFFFFFF  }
0x98: {  	s18 =	sld [smem:$0x3FDB];
	_ =	sdelay $0x1  }
0x99: {  	s19 =	simm.s32 $_scs_section_size  }
0x9a: {  	s4 =	simm.s32 $_size__tile_overlayer_lowered;
	s5 =	simm.s32 $_tile_overlayer_lowered  }
0x9b: {  	s22 =	simm.s32 $0x1BFF;
	s21 =	sshll.u32 s5, $0x1;
	s2 =	sadd.s32 s19, s18  }
0x9c: {  	s6 =	simm.s32 $0x0;
	s20 =	sshll.u32 s4, $0x1;
	s4 =	sadd.s32 s21, s2  }
0x9d: {  	[timem:s6], [sflag:s22] =	dma.local [hbm:s4], s20  }
0x9e: {  	_ =	swait.ge [sflag:s22], s20  }
0x9f: {  	s3 =	ssub.s32 $0x0, s20;
	[sflag:s22] =	ssyncset.done $0x0  }
0xa0: {  	[sflag:s22] =	ssyncadd.s32 s3;
	_ =	sdelay $0x1  }
0xa1: {  	s23 =	simm.s32 $0x1B8B  }
0xa2: {  	_ =	swait.ge [sflag:s23], $0x1  }
0xa3: {  	[sflag:s23] =	ssyncset.done $0x0  }
0xa4: {  	s25 =	simm.s32 $0x1B8E;
	s24 =	sld [smem:$0x3FFE];
	[sflag:s23] =	ssyncadd.s32 $0xFFFFFFFF  }
0xa5: {  	s26 =	simm.s32 $execute0_lowered;
	[smem:$0x3FD2] =	sst s25  }
0xa6: {  	s4 =	sshll.u32 s26, $0x1;
	_ =	strace $0x80000046;
	[dreg:$0x1] =	wrdreg $0xFFFFFFFF  }
0xa7: {  	s28 =	simm.s32 $_size_execute0_lowered;
	s2 =	sadd.s32 s2, s4;
	[dreg:$0x0] =	wrdreg $0x0  }
0xa8: {  	s4 =	sshll.u32 s28, $0x1;
	[dreg:$0x2] =	wrdreg s2  }
0xa9: {  	[dreg:$0x3] =	wrdreg s4  }
0xaa: {  	[dreg:$0x4] =	wrdreg $0xC0  }
0xab: {  	_ =	task [dreg:s6], $0x5FFFF  }
0xac: {  	[dreg:$0x1] =	wrdreg $0xFFFFFFFF  }
0xad: {  	[dreg:$0x0] =	wrdreg $0x60  }
0xae: {  	[dreg:$0x2] =	wrdreg s24  }
0xaf: {  	[dreg:$0x3] =	wrdreg $0x0  }
0xb0: {  	[dreg:$0x4] =	wrdreg $0x9  }
0xb1: {  	_ =	task.clear_ibuf [dreg:s6], $0x5FFFF;
	_ =	strace $0x90000046  }
0xb2: {  	s29 =	simm.s32 $0x9;
	_ =	strace $0x80000048  }
0xb3: {  	_ =	swait.ge [sflag:s29], $0x1  }
0xb4: {  	[sflag:s29] =	ssyncadd.s32 $0xFFFFFFFF  }
0xb5: {  	_ =	strace $0x90000048  }
0xb6: {  	_ =	sfence  }
0xb7: {  	s30 =	sld [smem:$0x0];
	_ =	sdelay $0x2  }
0xb8: {  	s31 =	sshll.u32 s1, $0xD;
	s1 =	sshrl.u32 s1, $0x2  }
0xb9: {  	s3 =	sand.u32 $0x4000, s31;
	s1 =	sadd.s32 s1, s30  }
0xba: {  	s0 =	sor.u32 s3, s0;
	s1 =	sshll.u32 s1, $0x11  }
0xbb: {  	s0 =	sor.u32 s1, s0  }
0xbc: {  	s0 =	sadd.s32 $0x8F2B, s0  }
0xbd: {  	[sflag:s0] =	ssyncadd.remote.s32 $0x1  }
0xbe: {  	_ =	sfence.sel $0xFFFF  }
0xbf: {  	[dreg:$0x0] =	wrdreg $0xFFFFFFFF;
	(pc) =	sbr.abs _section_cstart, $3  }
0xc0: {  	[dreg:$0x1] =	wrdreg $0xFFFFFFFF  }
0xc1: {  	_ =	task.clear_ibuf [dreg:s6], $0x2FFFF;
	_ =	strace $0x9FFFFFFF  }
0xc2: {  	(tm) =	ssettm $0x7FFFFFFF  }
0xc3: {  	_ =	shalt  }
tec
execute0_lowered:
.L_overlay_start_1:
0x0: {  	(tag) =	ssettag $0x1  }
0x1: {  	s7 =	rddreg [dreg:$0x0];
	s1 =	srdreg.scid  }
0x2: {  	s0 =	stileid.u32;
	s2 =	rddreg [dreg:$0x1]  }
0x3: {  	s3 =	simm.s32 $0x0;
	s13 =	simm.s32 $0x3;
	s14 =	simm.s32 $0x2710  }
0x4: {  	s15 =	simm.s32 $0x7D;
	s16 =	simm.s32 $0x2790;
	s17 =	simm.s32 $0x1  }
0x5: {  	s18 =	simm.s32 $0x2;
	s19 =	simm.s32 $0x4E10;
	s20 =	simm.s32 $0x4E90  }
0x6: {  	s4 =	sand.u32 $0x1, s1;
	s5 =	smul.u32 $0x2710, s0;
	s1 =	rddreg [dreg:$0x2]  }
0x7: {  	s21 =	simm.s32 $0x0;
	[smem:$0x7FF] =	sst s3;
	s9 =	smul.u32 $0x9C40, s0  }
0x8: {  	s6 =	smul.u32 $0x27100, s4;
	s8 =	sshll.u32 s4, $0x4;
	s4 =	ssub.s32 $0x2, s4  }
0x9: {  	_ =	strace $0x80000047;
	s8 =	sor.u32 s0, s8;
	s10 =	sshrl.u32 s4, $0x1  }
0xa: {  	s30 =	sshrl.u32 s9, $0x2;
	s6 =	sadd.s32 s5, s6;
	s8 =	smul.u32 $0x2800, s8  }
0xb: {  	s12 =	ssub.s32 s4, s10;
	s4 =	sadd.s32 s5, s2;
	s9 =	sadd.s32 s30, s2  }
0xc: {  	s6 =	sshrl.u32 s6, $0x3;
	s5 =	sadd.s32 $0x7D0, s9;
	s8 =	sshrl.u32 s8, $0x3  }
0xd: {  	s11 =	sadd.s32 s6, s7;
	s6 =	sadd.s32 $0xFA0, s9;
	s31 =	sadd.s32 s7, s8  }
0xe: {  	s7 =	sadd.s32 $0x1770, s9;
	s8 =	sadd.s32 $0x1F40, s9;
	s10 =	sadd.s32 $0x16C00, s11  }
0xf: {  	v0 =	vimm.f32 $0.0e+00;
	v1 =	vimm.f32 $1.000000000e+00;
	s11 =	smax.u32 s12, $0x1;
	s12 =	simm.s32 $0x4F10;
	s9 =	sadd.s32 $0xCC00, s31  }
.LBB2_1:
0x10: {  	s22 =	simm.s32 $0x40;
	s23 =	simm.s32 $0x0  }
.LBB2_2:
0x11: {  	p0 =	sne.s32 s22, $0x1F00;
	[tilespmem:s23+$0x4F10] =	vst v0;
	s23 =	smov.u32 s22;
	s22 =	sadd.s32 $0x40, s22  }
.Ltmp0:
0x12: {  	(pc) =	sbr.rel @p0 .LBB2_2-.Ltmp0, $2  }
0x13: {  	_ =	sdelay $0x2  }
0x14: {  	s23 =	sshra.s32 s23, $0x2  }
0x15: {  	[tilespmem:s23+$0x4F10] =	vst v0  }
0x16: {  	[spmem:s4] =	stream.linear.scatter [tilespmem:s12], [sflag:$0x3], $0x7D0, $0x38;
	[tilespmem:$0x56E0] =	vst v63  }
0x17: {  	_ =	swait.ge [sflag:s13], $0x7D0  }
0x18: {  	[sflag:s13] =	ssyncset.done $0x0  }
0x19: {  	[sflag:s13] =	ssyncadd.s32 $0xFFFFF830  }
0x1a: {  	[spmem:s5] =	stream.linear.scatter [tilespmem:s12], [sflag:$0x3], $0x7D0, $0x38;
	[tilespmem:$0x56E0] =	vst v63  }
0x1b: {  	_ =	swait.ge [sflag:s13], $0x7D0  }
0x1c: {  	[sflag:s13] =	ssyncset.done $0x0  }
0x1d: {  	[sflag:s13] =	ssyncadd.s32 $0xFFFFF830  }
0x1e: {  	[spmem:s6] =	stream.linear.scatter [tilespmem:s12], [sflag:$0x3], $0x7D0, $0x38;
	[tilespmem:$0x56E0] =	vst v63  }
0x1f: {  	_ =	swait.ge [sflag:s13], $0x7D0  }
0x20: {  	[sflag:s13] =	ssyncset.done $0x0  }
0x21: {  	[sflag:s13] =	ssyncadd.s32 $0xFFFFF830  }
0x22: {  	[spmem:s7] =	stream.linear.scatter [tilespmem:s12], [sflag:$0x3], $0x7D0, $0x38;
	[tilespmem:$0x56E0] =	vst v63  }
0x23: {  	_ =	swait.ge [sflag:s13], $0x7D0  }
0x24: {  	[sflag:s13] =	ssyncset.done $0x0  }
0x25: {  	[sflag:s13] =	ssyncadd.s32 $0xFFFFF830  }
0x26: {  	[spmem:s8] =	stream.linear.scatter [tilespmem:s12], [sflag:$0x3], $0x7D0, $0x38;
	[tilespmem:$0x56E0] =	vst v63  }
0x27: {  	_ =	swait.ge [sflag:s13], $0x7D0  }
0x28: {  	[sflag:s13] =	ssyncset.done $0x0  }
0x29: {  	s22 =	simm.s32 $0x40;
	s23 =	simm.s32 $0x0;
	[sflag:s13] =	ssyncadd.s32 $0xFFFFF830  }
.LBB2_4:
0x2a: {  	p0 =	sne.s32 s22, $0x1F00;
	[tilespmem:s23+$0x4F10] =	vst v1;
	s23 =	smov.u32 s22;
	s22 =	sadd.s32 $0x40, s22  }
.Ltmp1:
0x2b: {  	(pc) =	sbr.rel @p0 .LBB2_4-.Ltmp1, $2  }
0x2c: {  	_ =	sdelay $0x2  }
0x2d: {  	s23 =	sshra.s32 s23, $0x2  }
0x2e: {  	[tilespmem:s23+$0x4F10] =	vst v1  }
0x2f: {  	[tilespmem:s14], [sflag:$0x3] =	stream.linear.gather [hbm4b:s9+s3], $0x2800, $0x38;
	[tilespmem:$0x56E0] =	vst v63  }
0x30: {  	_ =	swait.ge [sflag:s13], $0x2800  }
0x31: {  	[sflag:s13] =	ssyncset.done $0x0  }
0x32: {  	[sflag:s13] =	ssyncadd.s32 $0xFFFFD800  }
0x33: {  	[bflag:$0x0] =	sbarrier.arrive $0xFFFF  }
0x34: {  	[spmem:s2] =	stream.indirect.scatter.add.f32 [tilespmem:s12], [sflag:$0x1], $0x10, s14, s15, $0xb8;
	[tilespmem:$0x56E0] =	vst v63  }
0x35: {  	_ = 	snop  }
0x36: {  	[spmem:s2] =	stream.indirect.scatter.add.f32 [tilespmem:s12], [sflag:$0x2], $0x10, s16, s15, $0xb8;
	[tilespmem:$0x56E0] =	vst v63  }
0x37: {  	_ =	swait.ge [sflag:s17], $0x7D0  }
0x38: {  	[sflag:s17] =	ssyncset.done $0x0  }
0x39: {  	s22 =	simm.s32 $0x2810;
	[sflag:s17] =	ssyncadd.s32 $0xFFFFF830  }
0x3a: {  	[spmem:s2] =	stream.indirect.scatter.add.f32 [tilespmem:s12], [sflag:$0x1], $0x10, s22, s15, $0xb8;
	[tilespmem:$0x56E0] =	vst v63  }
0x3b: {  	_ =	swait.ge [sflag:s18], $0x7D0  }
0x3c: {  	[sflag:s18] =	ssyncset.done $0x0  }
0x3d: {  	s23 =	simm.s32 $0x2890;
	s22 =	simm.s32 $0xFFFF6C00;
	[sflag:s18] =	ssyncadd.s32 $0xFFFFF830  }
.LBB2_6:
0x3e: {  	[spmem:s2] =	stream.indirect.scatter.add.f32 [tilespmem:s12], [sflag:$0x2], $0x10, s23, s15, $0xb8;
	[tilespmem:$0x56E0] =	vst v63  }
0x3f: {  	s23 =	smov.u32 s22  }
0x40: {  	p0 =	sne.s32 s22, $0xFFFFFC00;
	s22 =	sadd.s32 $0x400, s22;
	_ =	swait.ge [sflag:s17], $0x7D0  }
0x41: {  	s23 =	sshra.s32 s23, $0x2;
	[sflag:s17] =	ssyncset.done $0x0  }
.Ltmp2:
0x42: {  	s24 =	sadd.s32 $0x4E10, s23;
	[sflag:s17] =	ssyncadd.s32 $0xFFFFF830;
	(pc) =	sbr.rel @p0 .LBB2_6-.Ltmp2, $4  }
0x43: {  	[spmem:s2] =	stream.indirect.scatter.add.f32 [tilespmem:s12], [sflag:$0x1], $0x10, s24, s15, $0xb8;
	[tilespmem:$0x56E0] =	vst v63  }
0x44: {  	_ =	swait.ge [sflag:s18], $0x7D0  }
0x45: {  	[sflag:s18] =	ssyncset.done $0x0  }
0x46: {  	s23 =	sadd.s32 $0x4E90, s23;
	[sflag:s18] =	ssyncadd.s32 $0xFFFFF830  }
0x47: {  	[spmem:s2] =	stream.indirect.scatter.add.f32 [tilespmem:s12], [sflag:$0x2], $0x10, s23, s15, $0xb8;
	[tilespmem:$0x56E0] =	vst v63  }
0x48: {  	_ =	swait.ge [sflag:s17], $0x7D0  }
0x49: {  	[sflag:s17] =	ssyncset.done $0x0  }
0x4a: {  	[sflag:s17] =	ssyncadd.s32 $0xFFFFF830  }
0x4b: {  	[spmem:s2] =	stream.indirect.scatter.add.f32 [tilespmem:s12], [sflag:$0x3], $0x10, s19, s15, $0xb8;
	[tilespmem:$0x56E0] =	vst v63  }
0x4c: {  	_ =	swait.ge [sflag:s13], $0x7D0  }
0x4d: {  	[sflag:s13] =	ssyncset.done $0x0  }
0x4e: {  	[sflag:s13] =	ssyncadd.s32 $0xFFFFF830  }
0x4f: {  	_ =	swait.ge [sflag:s18], $0x7D0  }
0x50: {  	[sflag:s18] =	ssyncset.done $0x0  }
0x51: {  	[sflag:s18] =	ssyncadd.s32 $0xFFFFF830  }
0x52: {  	[spmem:s2] =	stream.indirect.scatter.add.f32 [tilespmem:s12], [sflag:$0x3], $0x10, s20, s15, $0xb8;
	[tilespmem:$0x56E0] =	vst v63  }
0x53: {  	_ =	swait.ge [sflag:s13], $0x7D0  }
0x54: {  	s22 =	sshll.u32 s0, $0x6;
	s21 =	sadd.s32 $0x1, s21;
	[sflag:s13] =	ssyncset.done $0x0  }
0x55: {  	s31 =	sshrl.u32 s4, $0x3;
	p0 =	sne.s32 s21, s11;
	[sflag:s13] =	ssyncadd.s32 $0xFFFFF830  }
.Ltmp3:
0x56: {  	s22 =	sor.u32 $0x1C03, s22;
	[bflag:$0x0] =	sbarrier.arrive $0xFFFF;
	(pc) =	sbr.rel @p0 .LBB2_1-.Ltmp3, $4  }
0x57: {  	[hbm:s10], [sflag:s22] =	dma.local [spmem:s31], $0x4E2  }
0x58: {  	_ =	swait.ge [sflag:s13], $0x4E2  }
0x59: {  	[sflag:s13] =	ssyncset.done $0x0  }
0x5a: {  	[sflag:s13] =	ssyncadd.s32 $0xFFFFFB1E  }
0x5b: {  	_ =	sfence.sel $0x180000  }
0x5c: {  	[bflag:$0x0] =	sbarrier.arrive $0xFFFF  }
0x5d: {  	p0 =	sne.s32 s0, $0x0;
	_ =	strace $0x90000047  }
0x5e: {  	s0 =	sadd.s32 @!p0 $0x100000, s1;
	[bflag:$0x2] =	sbarrier.arrive $0xFFFF  }
0x5f: {  	[sflag:s0] =	ssyncadd.tile.s32 @!p0 $0x1;
	_ =	shalt  }
.Lfunc_end2:
_tile_overlayer_lowered:
.L_overlay_start_2:
0x60: {  	(tag) =	ssettag $0x2  }
0x61: {  	s0 =	rddreg [dreg:$0x0];
	s2 =	stileid.u32  }
0x62: {  	s1 =	rddreg [dreg:$0x1];
	p0 =	sne.s32 s2, $0x0  }
0x63: {  	s3 =	rddreg [dreg:$0x2];
	[bflag:$0x3] =	sbarrier.arrive $0xFFFF;
	s2 =	simm.s32 @!p0 $0x1C03  }
0x64: {  	[timem:s3], [sflag:s2] =	dma.local @!p0 [hbm:s0], s1  }
0x65: {  	s0 =	simm.s32 @!p0 $0x3  }
0x66: {  	_ =	swait.ge @!p0 [sflag:s0], s1  }
0x67: {  	s1 =	ssub.s32 @!p0 $0x0, s1;
	[sflag:s0] =	ssyncset.done @!p0 $0x0  }
0x68: {  	[sflag:s0] =	ssyncadd.s32 @!p0 s1  }
0x69: {  	[bflag:$0x3] =	sbarrier.arrive $0xFFFF  }
0x6a: {  	_ =	shalt  }

// kernel: kernel.13.cloned.1.call-start
scs
__scs_entry_jumppad:
0x0: {  	(pc) =	sbr.rel $0x88, $3  }
0x1: {  	(tag) =	ssettag $0x0;
	lr =	simm.s32 $0x1  }
0x2: {  	[smem:$0x3F99] =	sst lr;
	_ =	strace $0xD0000000  }
0x3: {  	_ = 	snop  }
0x4: {  	_ = 	snop  }
0x5: {  	_ = 	snop  }
0x6: {  	_ = 	snop  }
0x7: {  	_ = 	snop  }
__scs_overlays_trampoline_lowered:
0x8: {  	[smem:$0x3FA8] =	sst s0  }
0x9: {  	[smem:$0x3FA9] =	sst s1  }
0xa: {  	[smem:$0x3FAA] =	sst s2  }
0xb: {  	[smem:$0x3FAB] =	sst s3  }
0xc: {  	[smem:$0x3FAC] =	sst s4  }
0xd: {  	[smem:$0x3FAD] =	sst s5  }
0xe: {  	[smem:$0x3FAE] =	sst s6  }
0xf: {  	[smem:$0x3FAF] =	sst s7  }
0x10: {  	[smem:$0x3FB0] =	sst s8  }
0x11: {  	[smem:$0x3FB1] =	sst s9;
	s0 =	simm.s32 @!p0 $0x0  }
0x12: {  	s1 =	sld [smem:$0x3F97];
	s0 =	simm.s32 @p0 $0x1  }
0x13: {  	[smem:$0x3FB2] =	sst s0;
	s0 =	simm.s32 @!p1 $0x0  }
0x14: {  	s2 =	sld [smem:$0x3F96];
	s0 =	simm.s32 @p1 $0x1  }
0x15: {  	[smem:$0x3FB3] =	sst s0;
	s0 =	simm.s32 @!p2 $0x0  }
0x16: {  	s3 =	sld [smem:$0x3FDB];
	s0 =	simm.s32 @p2 $0x1  }
0x17: {  	s4 =	simm.s32 $0x1BF5;
	[smem:$0x3FB5] =	sst s0  }
0x18: {  	s0 =	sld [smem:$0x3F98];
	_ =	swait.ge [sflag:s4], $0x0  }
0x19: {  	s7 =	sld [smem:$0x3F99]  }
0x1a: {  	s8 =	sadd.s32 $0xFFFFE003, lr  }
0x1b: {  	s9 =	sadd.s32 $0xFFFFFEF7, lr;
	s5 =	simm.s32 $0xFFFFFFFF;
	p2 =	slt.u32 s8, $0xFFFFF086  }
0x1c: {  	p1 =	slt.u32 s9, $0xF7A;
	s5 =	simm.s32 @!p2 $0x0  }
0x1d: {  	s5 =	simm.s32 @p1 $0x1;
	p0 =	seq.s32 s7, s2  }
0x1e: {  	s7 =	smul.u32 @!p0 $0xF7A, s2;
	p2 =	seq.s32 @!p0 s5, $0x0  }
0x1f: {  	s9 =	smul.u32 $0xF7A, s1;
	s8 =	simm.s32 @!p0 $0x1BF5;
	p2 =	por !p2, p0  }
0x20: {  	[sflag:s8] =	ssyncset.s32 @!p0 $0xFFFFF086;
	s6 =	sadd.s32 @!p0 s3, s7;
	s7 =	simm.s32 @!p0 $0x108  }
0x21: {  	s3 =	sadd.s32 s3, s9;
	s6 =	sadd.s32 @!p0 $0x88, s6;
	s7 =	simm.s32 @p2 $0x1082  }
0x22: {  	[simem:s7], [sflag:s8] =	dma.local @!p0 [hbm:s6], $0xF7A  }
0x23: {  	s9 =	sor.u32 $0xD0000000, s2;
	s6 =	simm.s32 $0x108;
	_ =	swait.ge @!p0 [sflag:s8], $0x0  }
0x24: {  	s3 =	sadd.s32 $0x88, s3;
	s6 =	simm.s32 @!p1 $0x1082;
	[sflag:s4] =	ssyncset.s32 $0xFFFFF086  }
0x25: {  	[simem:s6], [sflag:s4] =	dma.local [hbm:s3], $0xF7A  }
0x26: {  	[smem:$0x3F99] =	sst s1;
	(tag) =	ssettag s2;
	_ =	strace s9  }
0x27: {  	s1 =	sld [smem:$0x3FA9]  }
0x28: {  	s2 =	sld [smem:$0x3FAA]  }
0x29: {  	s4 =	sld [smem:$0x3FAC]  }
0x2a: {  	p0 =	seq.s32 s5, $0x0;
	s5 =	sld [smem:$0x3FAD]  }
0x2b: {  	s6 =	sld [smem:$0x3FAE]  }
0x2c: {  	s7 =	sld [smem:$0x3FAF]  }
0x2d: {  	s3 =	simm.s32 $0x108;
	s8 =	sld [smem:$0x3FB0]  }
0x2e: {  	s3 =	simm.s32 @!p0 $0x1082;
	s9 =	sld [smem:$0x3FB1]  }
0x2f: {  	lr =	sadd.s32 s0, s3;
	s0 =	sld [smem:$0x3FA8]  }
0x30: {  	s3 =	sld [smem:$0x3FAB]  }
0x31: {  	[smem:$0x3FB4] =	sst s10  }
0x32: {  	s10 =	sld [smem:$0x3FB2];
	_ =	sdelay $0x3  }
0x33: {  	p0 =	seq.s32 s10, $0x1;
	s10 =	sld [smem:$0x3FB4];
	_ =	sdelay $0x3  }
0x34: {  	[smem:$0x3FB4] =	sst s10  }
0x35: {  	s10 =	sld [smem:$0x3FB3];
	_ =	sdelay $0x3  }
0x36: {  	p1 =	seq.s32 s10, $0x1;
	s10 =	sld [smem:$0x3FB4];
	_ =	sdelay $0x3  }
0x37: {  	[smem:$0x3FB4] =	sst s10  }
0x38: {  	s10 =	sld [smem:$0x3FB5]  }
0x39: {  	_ = 	snop;
	(pc) =	sbr.ind lr, $3  }
0x3a: {  	_ = 	snop  }
0x3b: {  	_ = 	snop  }
0x3c: {  	p2 =	seq.s32 s10, $0x1;
	s10 =	sld [smem:$0x3FB4]  }
0x3d: {  	_ =	shalt  }
0x3e: {  	_ =	shalt  }
0x3f: {  	_ =	shalt  }
0x40: {  	_ =	shalt  }
0x41: {  	_ =	shalt  }
0x42: {  	_ =	shalt  }
0x43: {  	_ =	shalt  }
0x44: {  	_ =	shalt  }
0x45: {  	_ =	shalt  }
0x46: {  	_ =	shalt  }
0x47: {  	_ =	shalt  }
0x48: {  	_ =	shalt  }
0x49: {  	_ =	shalt  }
0x4a: {  	_ =	shalt  }
0x4b: {  	_ =	shalt  }
0x4c: {  	_ =	shalt  }
0x4d: {  	_ =	shalt  }
0x4e: {  	_ =	shalt  }
0x4f: {  	_ =	shalt  }
0x50: {  	_ =	shalt  }
0x51: {  	_ =	shalt  }
0x52: {  	_ =	shalt  }
0x53: {  	_ =	shalt  }
0x54: {  	_ =	shalt  }
0x55: {  	_ =	shalt  }
0x56: {  	_ =	shalt  }
0x57: {  	_ =	shalt  }
0x58: {  	_ =	shalt  }
0x59: {  	_ =	shalt  }
0x5a: {  	_ =	shalt  }
0x5b: {  	_ =	shalt  }
0x5c: {  	_ =	shalt  }
0x5d: {  	_ =	shalt  }
0x5e: {  	_ =	shalt  }
0x5f: {  	_ =	shalt  }
0x60: {  	_ =	shalt  }
0x61: {  	_ =	shalt  }
0x62: {  	_ =	shalt  }
0x63: {  	_ =	shalt  }
0x64: {  	_ =	shalt  }
0x65: {  	_ =	shalt  }
0x66: {  	_ =	shalt  }
0x67: {  	_ =	shalt  }
0x68: {  	_ =	shalt  }
0x69: {  	_ =	shalt  }
0x6a: {  	_ =	shalt  }
0x6b: {  	_ =	shalt  }
0x6c: {  	_ =	shalt  }
0x6d: {  	_ =	shalt  }
0x6e: {  	_ =	shalt  }
0x6f: {  	_ =	shalt  }
0x70: {  	_ =	shalt  }
0x71: {  	_ =	shalt  }
0x72: {  	_ =	shalt  }
0x73: {  	_ =	shalt  }
0x74: {  	_ =	shalt  }
0x75: {  	_ =	shalt  }
0x76: {  	_ =	shalt  }
0x77: {  	_ =	shalt  }
0x78: {  	_ =	shalt  }
0x79: {  	_ =	shalt  }
0x7a: {  	_ =	shalt  }
0x7b: {  	_ =	shalt  }
0x7c: {  	_ =	shalt  }
0x7d: {  	_ =	shalt  }
0x7e: {  	_ =	shalt  }
0x7f: {  	_ =	shalt  }
0x80: {  	_ =	shalt  }
0x81: {  	_ =	shalt  }
0x82: {  	_ =	shalt  }
0x83: {  	_ =	shalt  }
0x84: {  	_ =	shalt  }
0x85: {  	_ =	shalt  }
0x86: {  	_ =	shalt  }
0x87: {  	_ =	shalt  }
.Lfunc_end0:
.L_simem_size_0:
called_computation.1_lowered:
.L_overlay_start_0:
0x88: {  	s2 =	sld [smem:$0x3FD9]  }
0x89: {  	s3 =	sld [smem:$0x3FFE];
	_ =	sdelay $0x1  }
0x8a: {  	s1 =	srdreg.scid  }
0x8b: {  	s0 =	sand.u32 $0x1, s1  }
0x8c: {  	s16 =	sshll.u32 s0, $0xA;
	s2 =	sadd.s32 s3, s2  }
0x8d: {  	s2 =	sadd.s32 s2, s16  }
0x8e: {  	[smem:$0x3FC0] =	sst s2  }
0x8f: {  	_ = 	snop  }
0x90: {  	(tm) =	ssettm $0x1  }
0x91: {  	s17 =	sld [smem:$0x3FFB];
	_ =	sdelay $0x3  }
0x92: {  	_ =	strace s17  }
0x93: {  	s2 =	sld [smem:$0x3FFC];
	_ =	sdelay $0x3  }
0x94: {  	_ =	strace s2  }
0x95: {  	s2 =	sld [smem:$0x3FFD];
	_ =	sdelay $0x3  }
0x96: {  	_ =	strace s2  }
0x97: {  	_ =	strace $0x8FFFFFFF  }
0x98: {  	s18 =	sld [smem:$0x3FDB];
	_ =	sdelay $0x1  }
0x99: {  	s19 =	simm.s32 $_scs_section_size  }
0x9a: {  	s4 =	simm.s32 $_size__tile_overlayer_lowered;
	s5 =	simm.s32 $_tile_overlayer_lowered  }
0x9b: {  	s22 =	simm.s32 $0x1BFF;
	s21 =	sshll.u32 s5, $0x1;
	s2 =	sadd.s32 s19, s18  }
0x9c: {  	s6 =	simm.s32 $0x0;
	s20 =	sshll.u32 s4, $0x1;
	s4 =	sadd.s32 s21, s2  }
0x9d: {  	[timem:s6], [sflag:s22] =	dma.local [hbm:s4], s20  }
0x9e: {  	_ =	swait.ge [sflag:s22], s20  }
0x9f: {  	s3 =	ssub.s32 $0x0, s20;
	[sflag:s22] =	ssyncset.done $0x0  }
0xa0: {  	[sflag:s22] =	ssyncadd.s32 s3;
	_ =	sdelay $0x1  }
0xa1: {  	s23 =	simm.s32 $0x1B8B  }
0xa2: {  	_ =	swait.ge [sflag:s23], $0x1  }
0xa3: {  	[sflag:s23] =	ssyncset.done $0x0  }
0xa4: {  	s25 =	simm.s32 $0x1B8E;
	s24 =	sld [smem:$0x3FFE];
	[sflag:s23] =	ssyncadd.s32 $0xFFFFFFFF  }
0xa5: {  	s26 =	simm.s32 $execute0_lowered;
	[smem:$0x3FD2] =	sst s25  }
0xa6: {  	s4 =	sshll.u32 s26, $0x1;
	_ =	strace $0x80000049;
	[dreg:$0x1] =	wrdreg $0xFFFFFFFF  }
0xa7: {  	s28 =	simm.s32 $_size_execute0_lowered;
	s2 =	sadd.s32 s2, s4;
	[dreg:$0x0] =	wrdreg $0x0  }
0xa8: {  	s4 =	sshll.u32 s28, $0x1;
	[dreg:$0x2] =	wrdreg s2  }
0xa9: {  	[dreg:$0x3] =	wrdreg s4  }
0xaa: {  	[dreg:$0x4] =	wrdreg $0xC0  }
0xab: {  	_ =	task [dreg:s6], $0x5FFFF  }
0xac: {  	[dreg:$0x1] =	wrdreg $0xFFFFFFFF  }
0xad: {  	[dreg:$0x0] =	wrdreg $0x60  }
0xae: {  	[dreg:$0x2] =	wrdreg s24  }
0xaf: {  	[dreg:$0x3] =	wrdreg $0x0  }
0xb0: {  	[dreg:$0x4] =	wrdreg $0x9  }
0xb1: {  	_ =	task.clear_ibuf [dreg:s6], $0x5FFFF;
	_ =	strace $0x90000049  }
0xb2: {  	s29 =	simm.s32 $0x9;
	_ =	strace $0x8000004B  }
0xb3: {  	_ =	swait.ge [sflag:s29], $0x1  }
0xb4: {  	[sflag:s29] =	ssyncadd.s32 $0xFFFFFFFF  }
0xb5: {  	_ =	strace $0x9000004B  }
0xb6: {  	_ =	sfence  }
0xb7: {  	s30 =	sld [smem:$0x0];
	_ =	sdelay $0x2  }
0xb8: {  	s31 =	sshll.u32 s1, $0xD;
	s1 =	sshrl.u32 s1, $0x2  }
0xb9: {  	s3 =	sand.u32 $0x4000, s31;
	s1 =	sadd.s32 s1, s30  }
0xba: {  	s0 =	sor.u32 s3, s0;
	s1 =	sshll.u32 s1, $0x11  }
0xbb: {  	s0 =	sor.u32 s1, s0  }
0xbc: {  	s0 =	sadd.s32 $0x8F2B, s0  }
0xbd: {  	[sflag:s0] =	ssyncadd.remote.s32 $0x1  }
0xbe: {  	_ =	sfence.sel $0xFFFF  }
0xbf: {  	[dreg:$0x0] =	wrdreg $0xFFFFFFFF;
	(pc) =	sbr.abs _section_cstart, $3  }
0xc0: {  	[dreg:$0x1] =	wrdreg $0xFFFFFFFF  }
0xc1: {  	_ =	task.clear_ibuf [dreg:s6], $0x2FFFF;
	_ =	strace $0x9FFFFFFF  }
0xc2: {  	(tm) =	ssettm $0x7FFFFFFF  }
0xc3: {  	_ =	shalt  }
tec
execute0_lowered:
.L_overlay_start_1:
0x0: {  	(tag) =	ssettag $0x1  }
0x1: {  	s0 =	srdreg.scid;
	s5 =	rddreg [dreg:$0x0]  }
0x2: {  	s8 =	stileid.u32;
	s2 =	rddreg [dreg:$0x1];
	s3 =	simm.s32 $0x0  }
0x3: {  	s17 =	simm.s32 $0x13880;
	s18 =	simm.s32 $0x4;
	s19 =	simm.s32 $0x15F90  }
0x4: {  	s20 =	simm.s32 $0x50;
	s21 =	simm.s32 $0x186A0;
	s23 =	simm.s32 $0x1AEA0  }
0x5: {  	s24 =	simm.s32 $0x1D6A0;
	s26 =	simm.s32 $0x1;
	s29 =	simm.s32 $0x2  }
0x6: {  	s22 =	simm.s32 $0x18600;
	s25 =	simm.s32 $0x18650;
	s28 =	simm.s32 $0x0  }
0x7: {  	s0 =	sand.u32 $0x1, s0;
	s7 =	smul.u32 $0x13880, s8;
	[smem:$0x7FF] =	sst s3  }
0x8: {  	s1 =	sshll.u32 s0, $0x4;
	s4 =	smul.u32 $0x138800, s0;
	_ =	strace $0x8000004A  }
0x9: {  	s0 =	ssub.s32 $0x2, s0;
	s1 =	sor.u32 s8, s1;
	s8 =	smul.u32 $0x4E200, s8  }
0xa: {  	s30 =	sshrl.u32 s0, $0x1;
	s1 =	smul.u32 $0x2710, s1;
	s6 =	sadd.s32 s7, s4  }
0xb: {  	s4 =	sadd.s32 $0x34400, s5;
	s0 =	ssub.s32 s0, s30;
	s7 =	sadd.s32 s7, s2  }
0xc: {  	s6 =	sshrl.u32 s6, $0x3;
	s31 =	sshrl.u32 s8, $0x2;
	s16 =	smax.u32 s0, $0x1  }
0xd: {  	s1 =	sshrl.u32 s1, $0x3;
	s15 =	sadd.s32 s6, s5;
	s14 =	sadd.s32 s31, s2  }
0xe: {  	s1 =	sadd.s32 s1, s5;
	s8 =	sadd.s32 $0x2800, s14;
	s9 =	sadd.s32 $0x5000, s14  }
0xf: {  	s10 =	sadd.s32 $0x7800, s14;
	s11 =	sadd.s32 $0xA000, s14;
	s12 =	sadd.s32 $0xC800, s14  }
0x10: {  	s13 =	sadd.s32 $0xF000, s14;
	s14 =	sadd.s32 $0x11800, s14;
	s15 =	sadd.s32 $0x5B600, s15  }
0x11: {  	v0 =	vimm.f32 $0.0e+00;
	s5 =	sadd.s32 $0x20A00, s1;
	s6 =	sadd.s32 $0x2A640, s1;
	s1 =	simm.s32 $0x3  }
.LBB2_1:
0x12: {  	[tilespmem:s17], [sflag:$0x4] =	stream.linear.gather [hbm4b:s5+s3], $0x2710, $0x38;
	[tilespmem:$0x1FEA0] =	vst v63  }
0x13: {  	_ =	swait.ge [sflag:s18], $0x2710  }
0x14: {  	[sflag:s18] =	ssyncset.done $0x0  }
0x15: {  	[sflag:s18] =	ssyncadd.s32 $0xFFFFD8F0  }
0x16: {  	[tilespmem:s19], [sflag:$0x4] =	stream.linear.gather [hbm4b:s6+s3], $0x2710, $0x38;
	[tilespmem:$0x1FEA0] =	vst v63  }
0x17: {  	_ =	swait.ge [sflag:s18], $0x2710  }
0x18: {  	[sflag:s18] =	ssyncset.done $0x0  }
0x19: {  	[sflag:s18] =	ssyncadd.s32 $0xFFFFD8F0  }
0x1a: {  	[tilespmem:s21], [sflag:$0x1] =	stream.indirect.gather [hbm4b:s4+s20], $0x80, s17, s20, $0xb8;
	[tilespmem:$0x1FEA0] =	vst v63  }
0x1b: {  	s0 =	simm.s32 $0x138D0;
	s30 =	simm.s32 $0x0;
	s31 =	simm.s32 $0x200  }
0x1c: {  	[tilespmem:s23], [sflag:$0x2] =	stream.indirect.gather [hbm4b:s4+s20], $0x80, s0, s20, $0xb8;
	[tilespmem:$0x1FEA0] =	vst v63  }
.LBB2_2:
0x1d: {  	p0 =	sne.s32 s31, $0x9E00;
	[tilespmem:s30+$0x1D710] =	vst v0  }
0x1e: {  	[tilespmem:s30+$0x1D6A0] =	vst v0  }
0x1f: {  	[tilespmem:s30+$0x1D6B0] =	vst v0  }
.Ltmp0:
0x20: {  	[tilespmem:s30+$0x1D6C0] =	vst v0;
	(pc) =	sbr.rel @p0 .LBB2_2-.Ltmp0, $4  }
0x21: {  	[tilespmem:s30+$0x1D6D0] =	vst v0  }
0x22: {  	[tilespmem:s30+$0x1D6E0] =	vst v0  }
0x23: {  	[tilespmem:s30+$0x1D6F0] =	vst v0  }
0x24: {  	[tilespmem:s30+$0x1D700] =	vst v0;
	s30 =	sshra.s32 s31, $0x2;
	s31 =	sadd.s32 $0x200, s31  }
0x25: {  	[tilespmem:s30+$0x1D710] =	vst v0  }
0x26: {  	[tilespmem:s30+$0x1D6A0] =	vst v0  }
0x27: {  	[tilespmem:s30+$0x1D6B0] =	vst v0  }
0x28: {  	[tilespmem:s30+$0x1D6C0] =	vst v0  }
0x29: {  	[tilespmem:s30+$0x1D6D0] =	vst v0  }
0x2a: {  	[tilespmem:s30+$0x1D6E0] =	vst v0  }
0x2b: {  	[tilespmem:s30+$0x1D6F0] =	vst v0  }
0x2c: {  	[tilespmem:s30+$0x1D700] =	vst v0  }
0x2d: {  	[spmem:s7] =	stream.linear.scatter [tilespmem:s24], [sflag:$0x4], $0x2800, $0x38;
	[tilespmem:$0x1FEA0] =	vst v63  }
0x2e: {  	_ =	swait.ge [sflag:s18], $0x2800  }
0x2f: {  	[sflag:s18] =	ssyncset.done $0x0  }
0x30: {  	[sflag:s18] =	ssyncadd.s32 $0xFFFFD800  }
0x31: {  	[spmem:s8] =	stream.linear.scatter [tilespmem:s24], [sflag:$0x4], $0x2800, $0x38;
	[tilespmem:$0x1FEA0] =	vst v63  }
0x32: {  	_ =	swait.ge [sflag:s18], $0x2800  }
0x33: {  	[sflag:s18] =	ssyncset.done $0x0  }
0x34: {  	[sflag:s18] =	ssyncadd.s32 $0xFFFFD800  }
0x35: {  	[spmem:s9] =	stream.linear.scatter [tilespmem:s24], [sflag:$0x4], $0x2800, $0x38;
	[tilespmem:$0x1FEA0] =	vst v63  }
0x36: {  	_ =	swait.ge [sflag:s18], $0x2800  }
0x37: {  	[sflag:s18] =	ssyncset.done $0x0  }
0x38: {  	[sflag:s18] =	ssyncadd.s32 $0xFFFFD800  }
0x39: {  	[spmem:s10] =	stream.linear.scatter [tilespmem:s24], [sflag:$0x4], $0x2800, $0x38;
	[tilespmem:$0x1FEA0] =	vst v63  }
0x3a: {  	_ =	swait.ge [sflag:s18], $0x2800  }
0x3b: {  	[sflag:s18] =	ssyncset.done $0x0  }
0x3c: {  	[sflag:s18] =	ssyncadd.s32 $0xFFFFD800  }
0x3d: {  	[spmem:s11] =	stream.linear.scatter [tilespmem:s24], [sflag:$0x4], $0x2800, $0x38;
	[tilespmem:$0x1FEA0] =	vst v63  }
0x3e: {  	_ =	swait.ge [sflag:s18], $0x2800  }
0x3f: {  	[sflag:s18] =	ssyncset.done $0x0  }
0x40: {  	[sflag:s18] =	ssyncadd.s32 $0xFFFFD800  }
0x41: {  	[spmem:s12] =	stream.linear.scatter [tilespmem:s24], [sflag:$0x4], $0x2800, $0x38;
	[tilespmem:$0x1FEA0] =	vst v63  }
0x42: {  	_ =	swait.ge [sflag:s18], $0x2800  }
0x43: {  	[sflag:s18] =	ssyncset.done $0x0  }
0x44: {  	[sflag:s18] =	ssyncadd.s32 $0xFFFFD800  }
0x45: {  	[spmem:s13] =	stream.linear.scatter [tilespmem:s24], [sflag:$0x4], $0x2800, $0x38;
	[tilespmem:$0x1FEA0] =	vst v63  }
0x46: {  	_ =	swait.ge [sflag:s18], $0x2800  }
0x47: {  	[sflag:s18] =	ssyncset.done $0x0  }
0x48: {  	[sflag:s18] =	ssyncadd.s32 $0xFFFFD800  }
0x49: {  	[spmem:s14] =	stream.linear.scatter [tilespmem:s24], [sflag:$0x4], $0x2080, $0x38;
	[tilespmem:$0x1FEA0] =	vst v63  }
0x4a: {  	_ =	swait.ge [sflag:s18], $0x2080  }
0x4b: {  	[sflag:s18] =	ssyncset.done $0x0  }
0x4c: {  	s0 =	simm.s32 $0x13920;
	[sflag:s18] =	ssyncadd.s32 $0xFFFFDF80  }
0x4d: {  	[tilespmem:s24], [sflag:$0x3] =	stream.indirect.gather [hbm4b:s4+s20], $0x80, s0, s20, $0xb8;
	[tilespmem:$0x1FEA0] =	vst v63  }
0x4e: {  	[bflag:$0x0] =	sbarrier.arrive $0xFFFF  }
0x4f: {  	_ =	swait.ge [sflag:s26], $0x2800  }
0x50: {  	[sflag:s26] =	ssyncset.done $0x0  }
0x51: {  	[sflag:s26] =	ssyncadd.s32 $0xFFFFD800  }
0x52: {  	[spmem:s2] =	stream.indirect.scatter.add.f32 [tilespmem:s21], [sflag:$0x4], $0x80, s19, s20, $0xb8;
	[tilespmem:$0x1FEA0] =	vst v63  }
0x53: {  	_ =	swait.ge [sflag:s18], $0x2800  }
0x54: {  	[sflag:s18] =	ssyncset.done $0x0  }
0x55: {  	s0 =	simm.s32 $0x13970;
	[sflag:s18] =	ssyncadd.s32 $0xFFFFD800  }
0x56: {  	[tilespmem:s21], [sflag:$0x1] =	stream.indirect.gather [hbm4b:s4+s20], $0x80, s0, s20, $0xb8;
	[tilespmem:$0x1FEA0] =	vst v63  }
0x57: {  	_ =	swait.ge [sflag:s29], $0x2800  }
0x58: {  	[sflag:s29] =	ssyncset.done $0x0  }
0x59: {  	s0 =	simm.s32 $0x15FE0;
	[sflag:s29] =	ssyncadd.s32 $0xFFFFD800  }
0x5a: {  	[spmem:s2] =	stream.indirect.scatter.add.f32 [tilespmem:s23], [sflag:$0x4], $0x80, s0, s20, $0xb8;
	[tilespmem:$0x1FEA0] =	vst v63  }
0x5b: {  	_ =	swait.ge [sflag:s18], $0x2800  }
0x5c: {  	[sflag:s18] =	ssyncset.done $0x0  }
0x5d: {  	s0 =	simm.s32 $0x139C0;
	[sflag:s18] =	ssyncadd.s32 $0xFFFFD800  }
0x5e: {  	[tilespmem:s23], [sflag:$0x2] =	stream.indirect.gather [hbm4b:s4+s20], $0x80, s0, s20, $0xb8;
	[tilespmem:$0x1FEA0] =	vst v63  }
0x5f: {  	_ =	swait.ge [sflag:s1], $0x2800  }
0x60: {  	[sflag:s1] =	ssyncset.done $0x0  }
0x61: {  	s0 =	simm.s32 $0x16030;
	[sflag:s1] =	ssyncadd.s32 $0xFFFFD800  }
0x62: {  	[spmem:s2] =	stream.indirect.scatter.add.f32 [tilespmem:s24], [sflag:$0x4], $0x80, s0, s20, $0xb8;
	[tilespmem:$0x1FEA0] =	vst v63  }
0x63: {  	_ =	swait.ge [sflag:s18], $0x2800  }
0x64: {  	[sflag:s18] =	ssyncset.done $0x0  }
0x65: {  	s0 =	simm.s32 $0x13A10;
	[sflag:s18] =	ssyncadd.s32 $0xFFFFD800  }
0x66: {  	[tilespmem:s24], [sflag:$0x3] =	stream.indirect.gather [hbm4b:s4+s20], $0x80, s0, s20, $0xb8;
	[tilespmem:$0x1FEA0] =	vst v63  }
0x67: {  	_ =	swait.ge [sflag:s26], $0x2800  }
0x68: {  	[sflag:s26] =	ssyncset.done $0x0  }
0x69: {  	s30 =	simm.s32 $0x16080;
	[sflag:s26] =	ssyncadd.s32 $0xFFFFD800  }
0x6a: {  	[spmem:s2] =	stream.indirect.scatter.add.f32 [tilespmem:s21], [sflag:$0x4], $0x80, s30, s20, $0xb8;
	[tilespmem:$0x1FEA0] =	vst v63  }
0x6b: {  	_ =	swait.ge [sflag:s18], $0x2800  }
0x6c: {  	[sflag:s18] =	ssyncset.done $0x0  }
0x6d: {  	s30 =	simm.s32 $0x13A60;
	[sflag:s18] =	ssyncadd.s32 $0xFFFFD800  }
0x6e: {  	[tilespmem:s21], [sflag:$0x1] =	stream.indirect.gather [hbm4b:s4+s20], $0x80, s30, s20, $0xb8;
	[tilespmem:$0x1FEA0] =	vst v63  }
0x6f: {  	_ =	swait.ge [sflag:s29], $0x2800  }
0x70: {  	[sflag:s29] =	ssyncset.done $0x0  }
0x71: {  	s30 =	simm.s32 $0x160D0;
	[sflag:s29] =	ssyncadd.s32 $0xFFFFD800  }
0x72: {  	[spmem:s2] =	stream.indirect.scatter.add.f32 [tilespmem:s23], [sflag:$0x4], $0x80, s30, s20, $0xb8;
	[tilespmem:$0x1FEA0] =	vst v63  }
0x73: {  	_ =	swait.ge [sflag:s18], $0x2800  }
0x74: {  	[sflag:s18] =	ssyncset.done $0x0  }
0x75: {  	s30 =	simm.s32 $0x13AB0;
	[sflag:s18] =	ssyncadd.s32 $0xFFFFD800  }
0x76: {  	[tilespmem:s23], [sflag:$0x2] =	stream.indirect.gather [hbm4b:s4+s20], $0x80, s30, s20, $0xb8;
	[tilespmem:$0x1FEA0] =	vst v63  }
0x77: {  	_ =	swait.ge [sflag:s1], $0x2800  }
0x78: {  	[sflag:s1] =	ssyncset.done $0x0  }
0x79: {  	s30 =	simm.s32 $0x16120;
	[sflag:s1] =	ssyncadd.s32 $0xFFFFD800  }
0x7a: {  	[spmem:s2] =	stream.indirect.scatter.add.f32 [tilespmem:s24], [sflag:$0x4], $0x80, s30, s20, $0xb8;
	[tilespmem:$0x1FEA0] =	vst v63  }
0x7b: {  	_ =	swait.ge [sflag:s18], $0x2800  }
0x7c: {  	[sflag:s18] =	ssyncset.done $0x0  }
0x7d: {  	s31 =	simm.s32 $0x13B00;
	s30 =	simm.s32 $0x3C0;
	[sflag:s18] =	ssyncadd.s32 $0xFFFFD800  }
.LBB2_4:
0x7e: {  	[tilespmem:s24], [sflag:$0x3] =	stream.indirect.gather [hbm4b:s4+s20], $0x80, s31, s20, $0xb8;
	[tilespmem:$0x1FEA0] =	vst v63  }
0x7f: {  	s31 =	smov.u32 s30  }
0x80: {  	p0 =	sne.s32 s30, $0x8E80;
	s30 =	sadd.s32 $0x3C0, s30;
	_ =	swait.ge [sflag:s26], $0x2800  }
0x81: {  	s31 =	sshra.s32 s31, $0x2;
	[sflag:s26] =	ssyncset.done $0x0  }
0x82: {  	s0 =	sadd.s32 $0x16080, s31;
	[sflag:s26] =	ssyncadd.s32 $0xFFFFD800  }
0x83: {  	[spmem:s2] =	stream.indirect.scatter.add.f32 [tilespmem:s21], [sflag:$0x4], $0x80, s0, s20, $0xb8;
	[tilespmem:$0x1FEA0] =	vst v63  }
0x84: {  	_ =	swait.ge [sflag:s18], $0x2800  }
0x85: {  	[sflag:s18] =	ssyncset.done $0x0  }
0x86: {  	s0 =	sadd.s32 $0x13A60, s31;
	[sflag:s18] =	ssyncadd.s32 $0xFFFFD800  }
0x87: {  	[tilespmem:s21], [sflag:$0x1] =	stream.indirect.gather [hbm4b:s4+s20], $0x80, s0, s20, $0xb8;
	[tilespmem:$0x1FEA0] =	vst v63  }
0x88: {  	_ =	swait.ge [sflag:s29], $0x2800  }
0x89: {  	[sflag:s29] =	ssyncset.done $0x0  }
0x8a: {  	s0 =	sadd.s32 $0x160D0, s31;
	[sflag:s29] =	ssyncadd.s32 $0xFFFFD800  }
0x8b: {  	[spmem:s2] =	stream.indirect.scatter.add.f32 [tilespmem:s23], [sflag:$0x4], $0x80, s0, s20, $0xb8;
	[tilespmem:$0x1FEA0] =	vst v63  }
0x8c: {  	_ =	swait.ge [sflag:s18], $0x2800  }
0x8d: {  	[sflag:s18] =	ssyncset.done $0x0  }
0x8e: {  	s0 =	sadd.s32 $0x13AB0, s31;
	[sflag:s18] =	ssyncadd.s32 $0xFFFFD800  }
0x8f: {  	[tilespmem:s23], [sflag:$0x2] =	stream.indirect.gather [hbm4b:s4+s20], $0x80, s0, s20, $0xb8;
	[tilespmem:$0x1FEA0] =	vst v63  }
0x90: {  	_ =	swait.ge [sflag:s1], $0x2800  }
0x91: {  	[sflag:s1] =	ssyncset.done $0x0  }
.Ltmp1:
0x92: {  	s0 =	sadd.s32 $0x16120, s31;
	[sflag:s1] =	ssyncadd.s32 $0xFFFFD800;
	(pc) =	sbr.rel @p0 .LBB2_4-.Ltmp1, $4  }
0x93: {  	[spmem:s2] =	stream.indirect.scatter.add.f32 [tilespmem:s24], [sflag:$0x4], $0x80, s0, s20, $0xb8;
	[tilespmem:$0x1FEA0] =	vst v63  }
0x94: {  	_ =	swait.ge [sflag:s18], $0x2800  }
0x95: {  	[sflag:s18] =	ssyncset.done $0x0  }
0x96: {  	s31 =	sadd.s32 $0x13B00, s31;
	[sflag:s18] =	ssyncadd.s32 $0xFFFFD800  }
0x97: {  	[tilespmem:s24], [sflag:$0x3] =	stream.indirect.gather [hbm4b:s4+s20], $0x80, s31, s20, $0xb8;
	[tilespmem:$0x1FEA0] =	vst v63  }
0x98: {  	_ =	swait.ge [sflag:s26], $0x2800  }
0x99: {  	[sflag:s26] =	ssyncset.done $0x0  }
0x9a: {  	s0 =	simm.s32 $0x18510;
	[sflag:s26] =	ssyncadd.s32 $0xFFFFD800  }
0x9b: {  	[spmem:s2] =	stream.indirect.scatter.add.f32 [tilespmem:s21], [sflag:$0x4], $0x80, s0, s20, $0xb8;
	[tilespmem:$0x1FEA0] =	vst v63  }
0x9c: {  	_ =	swait.ge [sflag:s18], $0x2800  }
0x9d: {  	[sflag:s18] =	ssyncset.done $0x0  }
0x9e: {  	s31 =	simm.s32 $0x15EF0;
	[sflag:s18] =	ssyncadd.s32 $0xFFFFD800  }
0x9f: {  	[tilespmem:s21], [sflag:$0x1] =	stream.indirect.gather [hbm4b:s4+s20], $0x80, s31, s20, $0xb8;
	[tilespmem:$0x1FEA0] =	vst v63  }
0xa0: {  	_ =	swait.ge [sflag:s29], $0x2800  }
0xa1: {  	[sflag:s29] =	ssyncset.done $0x0  }
0xa2: {  	s30 =	simm.s32 $0x18560;
	[sflag:s29] =	ssyncadd.s32 $0xFFFFD800  }
0xa3: {  	[spmem:s2] =	stream.indirect.scatter.add.f32 [tilespmem:s23], [sflag:$0x4], $0x80, s30, s20, $0xb8;
	[tilespmem:$0x1FEA0] =	vst v63  }
0xa4: {  	_ =	swait.ge [sflag:s18], $0x2800  }
0xa5: {  	[sflag:s18] =	ssyncset.done $0x0  }
0xa6: {  	s31 =	simm.s32 $0x15F40;
	[sflag:s18] =	ssyncadd.s32 $0xFFFFD800  }
0xa7: {  	[tilespmem:s23], [sflag:$0x2] =	stream.indirect.gather [hbm4b:s4+s20], $0x80, s31, s20, $0xb8;
	[tilespmem:$0x1FEA0] =	vst v63  }
0xa8: {  	_ =	swait.ge [sflag:s1], $0x2800  }
0xa9: {  	[sflag:s1] =	ssyncset.done $0x0  }
0xaa: {  	s30 =	simm.s32 $0x185B0;
	[sflag:s1] =	ssyncadd.s32 $0xFFFFD800  }
0xab: {  	[spmem:s2] =	stream.indirect.scatter.add.f32 [tilespmem:s24], [sflag:$0x4], $0x80, s30, s20, $0xb8;
	[tilespmem:$0x1FEA0] =	vst v63  }
0xac: {  	_ =	swait.ge [sflag:s18], $0x2800  }
0xad: {  	[sflag:s18] =	ssyncset.done $0x0  }
0xae: {  	[sflag:s18] =	ssyncadd.s32 $0xFFFFD800  }
0xaf: {  	_ =	swait.ge [sflag:s26], $0x2800  }
0xb0: {  	[sflag:s26] =	ssyncset.done $0x0  }
0xb1: {  	[sflag:s26] =	ssyncadd.s32 $0xFFFFD800  }
0xb2: {  	[spmem:s2] =	stream.indirect.scatter.add.f32 [tilespmem:s21], [sflag:$0x4], $0x80, s22, s20, $0xb8;
	[tilespmem:$0x1FEA0] =	vst v63  }
0xb3: {  	_ =	swait.ge [sflag:s18], $0x2800  }
0xb4: {  	[sflag:s18] =	ssyncset.done $0x0  }
0xb5: {  	[sflag:s18] =	ssyncadd.s32 $0xFFFFD800  }
0xb6: {  	_ =	swait.ge [sflag:s29], $0x2800  }
0xb7: {  	[sflag:s29] =	ssyncset.done $0x0  }
0xb8: {  	[sflag:s29] =	ssyncadd.s32 $0xFFFFD800  }
0xb9: {  	[spmem:s2] =	stream.indirect.scatter.add.f32 [tilespmem:s23], [sflag:$0x4], $0x80, s25, s20, $0xb8;
	[tilespmem:$0x1FEA0] =	vst v63  }
0xba: {  	s31 =	stileid.u32;
	_ =	swait.ge [sflag:s18], $0x2800  }
0xbb: {  	s28 =	sadd.s32 $0x1, s28;
	s0 =	sshll.u32 s31, $0x6;
	[sflag:s18] =	ssyncset.done $0x0  }
0xbc: {  	p0 =	sne.s32 s28, s16;
	s0 =	sor.u32 $0x1C04, s0;
	[sflag:s18] =	ssyncadd.s32 $0xFFFFD800  }
.Ltmp2:
0xbd: {  	s30 =	sshrl.u32 s7, $0x3;
	[bflag:$0x0] =	sbarrier.arrive $0xFFFF;
	(pc) =	sbr.rel @p0 .LBB2_1-.Ltmp2, $4  }
0xbe: {  	[hbm:s15], [sflag:s0] =	dma.local [spmem:s30], $0x2710  }
0xbf: {  	_ =	swait.ge [sflag:s18], $0x2710  }
0xc0: {  	[sflag:s18] =	ssyncset.done $0x0  }
0xc1: {  	[sflag:s18] =	ssyncadd.s32 $0xFFFFD8F0  }
0xc2: {  	_ =	sfence.sel $0x180000  }
0xc3: {  	[bflag:$0x0] =	sbarrier.arrive $0xFFFF  }
0xc4: {  	_ =	strace $0x9000004A  }
0xc5: {  	s0 =	stileid.u32;
	[bflag:$0x2] =	sbarrier.arrive $0xFFFF  }
0xc6: {  	p0 =	sne.s32 s0, $0x0;
	s0 =	rddreg [dreg:$0x2]  }
0xc7: {  	s0 =	sadd.s32 @!p0 $0x100000, s0  }
0xc8: {  	[sflag:s0] =	ssyncadd.tile.s32 @!p0 $0x1;
	_ =	shalt  }
.Lfunc_end2:
_tile_overlayer_lowered:
.L_overlay_start_2:
0xc9: {  	(tag) =	ssettag $0x2  }
0xca: {  	s0 =	rddreg [dreg:$0x0];
	s2 =	stileid.u32  }
0xcb: {  	s1 =	rddreg [dreg:$0x1];
	p0 =	sne.s32 s2, $0x0  }
0xcc: {  	s3 =	rddreg [dreg:$0x2];
	[bflag:$0x3] =	sbarrier.arrive $0xFFFF;
	s2 =	simm.s32 @!p0 $0x1C04  }
0xcd: {  	[timem:s3], [sflag:s2] =	dma.local @!p0 [hbm:s0], s1  }
0xce: {  	s0 =	simm.s32 @!p0 $0x4  }
0xcf: {  	_ =	swait.ge @!p0 [sflag:s0], s1  }
0xd0: {  	s1 =	ssub.s32 @!p0 $0x0, s1;
	[sflag:s0] =	ssyncset.done @!p0 $0x0  }
0xd1: {  	[sflag:s0] =	ssyncadd.s32 @!p0 s1  }
0xd2: {  	[bflag:$0x3] =	sbarrier.arrive $0xFFFF  }
0xd3: {  	_ =	shalt  }

// kernel: kernel.16.cloned.1.call-start
scs
__scs_entry_jumppad:
0x0: {  	(pc) =	sbr.rel $0x88, $3  }
0x1: {  	(tag) =	ssettag $0x0;
	lr =	simm.s32 $0x1  }
0x2: {  	[smem:$0x3F99] =	sst lr;
	_ =	strace $0xD0000000  }
0x3: {  	_ = 	snop  }
0x4: {  	_ = 	snop  }
0x5: {  	_ = 	snop  }
0x6: {  	_ = 	snop  }
0x7: {  	_ = 	snop  }
__scs_overlays_trampoline_lowered:
0x8: {  	[smem:$0x3FA8] =	sst s0  }
0x9: {  	[smem:$0x3FA9] =	sst s1  }
0xa: {  	[smem:$0x3FAA] =	sst s2  }
0xb: {  	[smem:$0x3FAB] =	sst s3  }
0xc: {  	[smem:$0x3FAC] =	sst s4  }
0xd: {  	[smem:$0x3FAD] =	sst s5  }
0xe: {  	[smem:$0x3FAE] =	sst s6  }
0xf: {  	[smem:$0x3FAF] =	sst s7  }
0x10: {  	[smem:$0x3FB0] =	sst s8  }
0x11: {  	[smem:$0x3FB1] =	sst s9;
	s0 =	simm.s32 @!p0 $0x0  }
0x12: {  	s1 =	sld [smem:$0x3F97];
	s0 =	simm.s32 @p0 $0x1  }
0x13: {  	[smem:$0x3FB2] =	sst s0;
	s0 =	simm.s32 @!p1 $0x0  }
0x14: {  	s2 =	sld [smem:$0x3F96];
	s0 =	simm.s32 @p1 $0x1  }
0x15: {  	[smem:$0x3FB3] =	sst s0;
	s0 =	simm.s32 @!p2 $0x0  }
0x16: {  	s3 =	sld [smem:$0x3FDB];
	s0 =	simm.s32 @p2 $0x1  }
0x17: {  	s4 =	simm.s32 $0x1BF5;
	[smem:$0x3FB5] =	sst s0  }
0x18: {  	s0 =	sld [smem:$0x3F98];
	_ =	swait.ge [sflag:s4], $0x0  }
0x19: {  	s7 =	sld [smem:$0x3F99]  }
0x1a: {  	s8 =	sadd.s32 $0xFFFFE003, lr  }
0x1b: {  	s9 =	sadd.s32 $0xFFFFFEF7, lr;
	s5 =	simm.s32 $0xFFFFFFFF;
	p2 =	slt.u32 s8, $0xFFFFF086  }
0x1c: {  	p1 =	slt.u32 s9, $0xF7A;
	s5 =	simm.s32 @!p2 $0x0  }
0x1d: {  	s5 =	simm.s32 @p1 $0x1;
	p0 =	seq.s32 s7, s2  }
0x1e: {  	s7 =	smul.u32 @!p0 $0xF7A, s2;
	p2 =	seq.s32 @!p0 s5, $0x0  }
0x1f: {  	s9 =	smul.u32 $0xF7A, s1;
	s8 =	simm.s32 @!p0 $0x1BF5;
	p2 =	por !p2, p0  }
0x20: {  	[sflag:s8] =	ssyncset.s32 @!p0 $0xFFFFF086;
	s6 =	sadd.s32 @!p0 s3, s7;
	s7 =	simm.s32 @!p0 $0x108  }
0x21: {  	s3 =	sadd.s32 s3, s9;
	s6 =	sadd.s32 @!p0 $0x88, s6;
	s7 =	simm.s32 @p2 $0x1082  }
0x22: {  	[simem:s7], [sflag:s8] =	dma.local @!p0 [hbm:s6], $0xF7A  }
0x23: {  	s9 =	sor.u32 $0xD0000000, s2;
	s6 =	simm.s32 $0x108;
	_ =	swait.ge @!p0 [sflag:s8], $0x0  }
0x24: {  	s3 =	sadd.s32 $0x88, s3;
	s6 =	simm.s32 @!p1 $0x1082;
	[sflag:s4] =	ssyncset.s32 $0xFFFFF086  }
0x25: {  	[simem:s6], [sflag:s4] =	dma.local [hbm:s3], $0xF7A  }
0x26: {  	[smem:$0x3F99] =	sst s1;
	(tag) =	ssettag s2;
	_ =	strace s9  }
0x27: {  	s1 =	sld [smem:$0x3FA9]  }
0x28: {  	s2 =	sld [smem:$0x3FAA]  }
0x29: {  	s4 =	sld [smem:$0x3FAC]  }
0x2a: {  	p0 =	seq.s32 s5, $0x0;
	s5 =	sld [smem:$0x3FAD]  }
0x2b: {  	s6 =	sld [smem:$0x3FAE]  }
0x2c: {  	s7 =	sld [smem:$0x3FAF]  }
0x2d: {  	s3 =	simm.s32 $0x108;
	s8 =	sld [smem:$0x3FB0]  }
0x2e: {  	s3 =	simm.s32 @!p0 $0x1082;
	s9 =	sld [smem:$0x3FB1]  }
0x2f: {  	lr =	sadd.s32 s0, s3;
	s0 =	sld [smem:$0x3FA8]  }
0x30: {  	s3 =	sld [smem:$0x3FAB]  }
0x31: {  	[smem:$0x3FB4] =	sst s10  }
0x32: {  	s10 =	sld [smem:$0x3FB2];
	_ =	sdelay $0x3  }
0x33: {  	p0 =	seq.s32 s10, $0x1;
	s10 =	sld [smem:$0x3FB4];
	_ =	sdelay $0x3  }
0x34: {  	[smem:$0x3FB4] =	sst s10  }
0x35: {  	s10 =	sld [smem:$0x3FB3];
	_ =	sdelay $0x3  }
0x36: {  	p1 =	seq.s32 s10, $0x1;
	s10 =	sld [smem:$0x3FB4];
	_ =	sdelay $0x3  }
0x37: {  	[smem:$0x3FB4] =	sst s10  }
0x38: {  	s10 =	sld [smem:$0x3FB5]  }
0x39: {  	_ = 	snop;
	(pc) =	sbr.ind lr, $3  }
0x3a: {  	_ = 	snop  }
0x3b: {  	_ = 	snop  }
0x3c: {  	p2 =	seq.s32 s10, $0x1;
	s10 =	sld [smem:$0x3FB4]  }
0x3d: {  	_ =	shalt  }
0x3e: {  	_ =	shalt  }
0x3f: {  	_ =	shalt  }
0x40: {  	_ =	shalt  }
0x41: {  	_ =	shalt  }
0x42: {  	_ =	shalt  }
0x43: {  	_ =	shalt  }
0x44: {  	_ =	shalt  }
0x45: {  	_ =	shalt  }
0x46: {  	_ =	shalt  }
0x47: {  	_ =	shalt  }
0x48: {  	_ =	shalt  }
0x49: {  	_ =	shalt  }
0x4a: {  	_ =	shalt  }
0x4b: {  	_ =	shalt  }
0x4c: {  	_ =	shalt  }
0x4d: {  	_ =	shalt  }
0x4e: {  	_ =	shalt  }
0x4f: {  	_ =	shalt  }
0x50: {  	_ =	shalt  }
0x51: {  	_ =	shalt  }
0x52: {  	_ =	shalt  }
0x53: {  	_ =	shalt  }
0x54: {  	_ =	shalt  }
0x55: {  	_ =	shalt  }
0x56: {  	_ =	shalt  }
0x57: {  	_ =	shalt  }
0x58: {  	_ =	shalt  }
0x59: {  	_ =	shalt  }
0x5a: {  	_ =	shalt  }
0x5b: {  	_ =	shalt  }
0x5c: {  	_ =	shalt  }
0x5d: {  	_ =	shalt  }
0x5e: {  	_ =	shalt  }
0x5f: {  	_ =	shalt  }
0x60: {  	_ =	shalt  }
0x61: {  	_ =	shalt  }
0x62: {  	_ =	shalt  }
0x63: {  	_ =	shalt  }
0x64: {  	_ =	shalt  }
0x65: {  	_ =	shalt  }
0x66: {  	_ =	shalt  }
0x67: {  	_ =	shalt  }
0x68: {  	_ =	shalt  }
0x69: {  	_ =	shalt  }
0x6a: {  	_ =	shalt  }
0x6b: {  	_ =	shalt  }
0x6c: {  	_ =	shalt  }
0x6d: {  	_ =	shalt  }
0x6e: {  	_ =	shalt  }
0x6f: {  	_ =	shalt  }
0x70: {  	_ =	shalt  }
0x71: {  	_ =	shalt  }
0x72: {  	_ =	shalt  }
0x73: {  	_ =	shalt  }
0x74: {  	_ =	shalt  }
0x75: {  	_ =	shalt  }
0x76: {  	_ =	shalt  }
0x77: {  	_ =	shalt  }
0x78: {  	_ =	shalt  }
0x79: {  	_ =	shalt  }
0x7a: {  	_ =	shalt  }
0x7b: {  	_ =	shalt  }
0x7c: {  	_ =	shalt  }
0x7d: {  	_ =	shalt  }
0x7e: {  	_ =	shalt  }
0x7f: {  	_ =	shalt  }
0x80: {  	_ =	shalt  }
0x81: {  	_ =	shalt  }
0x82: {  	_ =	shalt  }
0x83: {  	_ =	shalt  }
0x84: {  	_ =	shalt  }
0x85: {  	_ =	shalt  }
0x86: {  	_ =	shalt  }
0x87: {  	_ =	shalt  }
.Lfunc_end0:
.L_simem_size_0:
called_computation.2_lowered:
.L_overlay_start_0:
0x88: {  	s2 =	sld [smem:$0x3FD9]  }
0x89: {  	s3 =	sld [smem:$0x3FFE];
	_ =	sdelay $0x1  }
0x8a: {  	s1 =	srdreg.scid  }
0x8b: {  	s0 =	sand.u32 $0x1, s1  }
0x8c: {  	s16 =	sshll.u32 s0, $0xA;
	s2 =	sadd.s32 s3, s2  }
0x8d: {  	s2 =	sadd.s32 s2, s16  }
0x8e: {  	[smem:$0x3FC0] =	sst s2  }
0x8f: {  	_ = 	snop  }
0x90: {  	(tm) =	ssettm $0x1  }
0x91: {  	s17 =	sld [smem:$0x3FFB];
	_ =	sdelay $0x3  }
0x92: {  	_ =	strace s17  }
0x93: {  	s2 =	sld [smem:$0x3FFC];
	_ =	sdelay $0x3  }
0x94: {  	_ =	strace s2  }
0x95: {  	s2 =	sld [smem:$0x3FFD];
	_ =	sdelay $0x3  }
0x96: {  	_ =	strace s2  }
0x97: {  	_ =	strace $0x8FFFFFFF  }
0x98: {  	s18 =	sld [smem:$0x3FDB];
	_ =	sdelay $0x1  }
0x99: {  	s19 =	simm.s32 $_scs_section_size  }
0x9a: {  	s4 =	simm.s32 $_size__tile_overlayer_lowered;
	s5 =	simm.s32 $_tile_overlayer_lowered  }
0x9b: {  	s22 =	simm.s32 $0x1BFF;
	s21 =	sshll.u32 s5, $0x1;
	s2 =	sadd.s32 s19, s18  }
0x9c: {  	s6 =	simm.s32 $0x0;
	s20 =	sshll.u32 s4, $0x1;
	s4 =	sadd.s32 s21, s2  }
0x9d: {  	[timem:s6], [sflag:s22] =	dma.local [hbm:s4], s20  }
0x9e: {  	_ =	swait.ge [sflag:s22], s20  }
0x9f: {  	s3 =	ssub.s32 $0x0, s20;
	[sflag:s22] =	ssyncset.done $0x0  }
0xa0: {  	[sflag:s22] =	ssyncadd.s32 s3;
	_ =	sdelay $0x1  }
0xa1: {  	s23 =	simm.s32 $0x1B8B  }
0xa2: {  	_ =	swait.ge [sflag:s23], $0x1  }
0xa3: {  	[sflag:s23] =	ssyncset.done $0x0  }
0xa4: {  	s25 =	simm.s32 $0x1B8E;
	s24 =	sld [smem:$0x3FFE];
	[sflag:s23] =	ssyncadd.s32 $0xFFFFFFFF  }
0xa5: {  	s26 =	simm.s32 $execute0_lowered;
	[smem:$0x3FD2] =	sst s25  }
0xa6: {  	s4 =	sshll.u32 s26, $0x1;
	_ =	strace $0x8000004C;
	[dreg:$0x1] =	wrdreg $0xFFFFFFFF  }
0xa7: {  	s28 =	simm.s32 $_size_execute0_lowered;
	s2 =	sadd.s32 s2, s4;
	[dreg:$0x0] =	wrdreg $0x0  }
0xa8: {  	s4 =	sshll.u32 s28, $0x1;
	[dreg:$0x2] =	wrdreg s2  }
0xa9: {  	[dreg:$0x3] =	wrdreg s4  }
0xaa: {  	[dreg:$0x4] =	wrdreg $0xC0  }
0xab: {  	_ =	task [dreg:s6], $0x5FFFF  }
0xac: {  	[dreg:$0x1] =	wrdreg $0xFFFFFFFF  }
0xad: {  	[dreg:$0x0] =	wrdreg $0x60  }
0xae: {  	[dreg:$0x2] =	wrdreg s24  }
0xaf: {  	[dreg:$0x3] =	wrdreg $0x0  }
0xb0: {  	[dreg:$0x4] =	wrdreg $0x9  }
0xb1: {  	_ =	task.clear_ibuf [dreg:s6], $0x5FFFF;
	_ =	strace $0x9000004C  }
0xb2: {  	s29 =	simm.s32 $0x9;
	_ =	strace $0x8000004E  }
0xb3: {  	_ =	swait.ge [sflag:s29], $0x1  }
0xb4: {  	[sflag:s29] =	ssyncadd.s32 $0xFFFFFFFF  }
0xb5: {  	_ =	strace $0x9000004E  }
0xb6: {  	_ =	sfence  }
0xb7: {  	s30 =	sld [smem:$0x0];
	_ =	sdelay $0x2  }
0xb8: {  	s31 =	sshll.u32 s1, $0xD;
	s1 =	sshrl.u32 s1, $0x2  }
0xb9: {  	s3 =	sand.u32 $0x4000, s31;
	s1 =	sadd.s32 s1, s30  }
0xba: {  	s0 =	sor.u32 s3, s0;
	s1 =	sshll.u32 s1, $0x11  }
0xbb: {  	s0 =	sor.u32 s1, s0  }
0xbc: {  	s0 =	sadd.s32 $0x8F2B, s0  }
0xbd: {  	[sflag:s0] =	ssyncadd.remote.s32 $0x1  }
0xbe: {  	_ =	sfence.sel $0xFFFF  }
0xbf: {  	[dreg:$0x0] =	wrdreg $0xFFFFFFFF;
	(pc) =	sbr.abs _section_cstart, $3  }
0xc0: {  	[dreg:$0x1] =	wrdreg $0xFFFFFFFF  }
0xc1: {  	_ =	task.clear_ibuf [dreg:s6], $0x2FFFF;
	_ =	strace $0x9FFFFFFF  }
0xc2: {  	(tm) =	ssettm $0x7FFFFFFF  }
0xc3: {  	_ =	shalt  }
tec
execute0_lowered:
.L_overlay_start_1:
0x0: {  	(tag) =	ssettag $0x1  }
0x1: {  	s0 =	srdreg.scid;
	s25 =	stileid.u32  }
0x2: {  	s5 =	rddreg [dreg:$0x0];
	s14 =	simm.s32 $0x4E20;
	s15 =	simm.s32 $0x3  }
0x3: {  	s16 =	simm.s32 $0x7620;
	s17 =	simm.s32 $0x7D;
	s18 =	simm.s32 $0x9E20  }
0x4: {  	s19 =	simm.s32 $0xADC0;
	s20 =	simm.s32 $0x4EA0;
	s21 =	simm.s32 $0x1  }
0x5: {  	s22 =	simm.s32 $0x2;
	s23 =	simm.s32 $0x9C20;
	s24 =	simm.s32 $0x7520  }
0x6: {  	s28 =	simm.s32 $0x9D20;
	s29 =	simm.s32 $0x9DA0;
	s7 =	smul.u32 $0x4E20, s25  }
0x7: {  	s30 =	simm.s32 $0x0;
	s1 =	sand.u32 $0x1, s0;
	s9 =	smul.u32 $0x13880, s25  }
0x8: {  	s2 =	sshll.u32 s1, $0x4;
	s6 =	smul.u32 $0x4E200, s1;
	s1 =	ssub.s32 $0x2, s1  }
0x9: {  	s3 =	sor.u32 s25, s2;
	s2 =	rddreg [dreg:$0x1];
	s26 =	sshrl.u32 s1, $0x1  }
0xa: {  	s31 =	sshrl.u32 s9, $0x2;
	s25 =	simm.s32 $0x9CA0;
	s4 =	smul.u32 $0x2800, s3  }
0xb: {  	s3 =	simm.s32 $0x0;
	s6 =	sadd.s32 s7, s6;
	s1 =	ssub.s32 s1, s26  }
0xc: {  	s11 =	sadd.s32 s31, s2;
	s7 =	sadd.s32 s7, s2;
	s26 =	simm.s32 $0x75A0  }
0xd: {  	[smem:$0x7FF] =	sst s3;
	s6 =	sshrl.u32 s6, $0x3;
	s9 =	sadd.s32 $0x1F40, s11  }
0xe: {  	s10 =	sadd.s32 $0x2EE0, s11;
	s13 =	smax.u32 s1, $0x1;
	s4 =	sshrl.u32 s4, $0x3  }
0xf: {  	_ =	strace $0x8000004D;
	s12 =	sadd.s32 s6, s5;
	s8 =	sadd.s32 s4, s5  }
0x10: {  	s4 =	sadd.s32 $0x16C00, s5;
	s12 =	sadd.s32 $0x20A00, s12;
	s5 =	sadd.s32 $0x2C00, s8  }
0x11: {  	v0 =	vimm.f32 $0.0e+00;
	s6 =	sadd.s32 $0xCC00, s8;
	s8 =	sadd.s32 $0xFA0, s11;
	s11 =	sadd.s32 $0x3E80, s11  }
.LBB2_1:
0x12: {  	[tilespmem:s14], [sflag:$0x3] =	stream.linear.gather [hbm4b:s5+s3], $0x2800, $0x38;
	[tilespmem:$0xBD60] =	vst v63  }
0x13: {  	_ =	swait.ge [sflag:s15], $0x2800  }
0x14: {  	[sflag:s15] =	ssyncset.done $0x0  }
0x15: {  	[sflag:s15] =	ssyncadd.s32 $0xFFFFD800  }
0x16: {  	[tilespmem:s16], [sflag:$0x3] =	stream.linear.gather [hbm4b:s6+s3], $0x2800, $0x38;
	[tilespmem:$0xBD60] =	vst v63  }
0x17: {  	_ =	swait.ge [sflag:s15], $0x2800  }
0x18: {  	[sflag:s15] =	ssyncset.done $0x0  }
0x19: {  	s31 =	simm.s32 $0x80;
	s1 =	simm.s32 $0x0;
	[sflag:s15] =	ssyncadd.s32 $0xFFFFD800  }
0x1a: {  	[tilespmem:s18], [sflag:$0x1] =	stream.indirect.gather [hbm4b:s4+s17], $0x20, s14, s17, $0xb8;
	[tilespmem:$0xBD60] =	vst v63  }
.LBB2_2:
0x1b: {  	p0 =	sne.s32 s31, $0x3E00;
	[tilespmem:s1+$0xADC0] =	vst v0;
	s0 =	smov.u32 s31;
	s31 =	sadd.s32 $0x80, s31  }
.Ltmp0:
0x1c: {  	[tilespmem:s1+$0xADD0] =	vst v0;
	(pc) =	sbr.rel @p0 .LBB2_2-.Ltmp0, $2  }
0x1d: {  	_ =	sdelay $0x2  }
0x1e: {  	s1 =	sshra.s32 s0, $0x2  }
0x1f: {  	[tilespmem:s1+$0xADC0] =	vst v0  }
0x20: {  	[tilespmem:s1+$0xADD0] =	vst v0  }
0x21: {  	[spmem:s7] =	stream.linear.scatter [tilespmem:s19], [sflag:$0x3], $0xFA0, $0x38;
	[tilespmem:$0xBD60] =	vst v63  }
0x22: {  	_ =	swait.ge [sflag:s15], $0xFA0  }
0x23: {  	[sflag:s15] =	ssyncset.done $0x0  }
0x24: {  	[sflag:s15] =	ssyncadd.s32 $0xFFFFF060  }
0x25: {  	[spmem:s8] =	stream.linear.scatter [tilespmem:s19], [sflag:$0x3], $0xFA0, $0x38;
	[tilespmem:$0xBD60] =	vst v63  }
0x26: {  	_ =	swait.ge [sflag:s15], $0xFA0  }
0x27: {  	[sflag:s15] =	ssyncset.done $0x0  }
0x28: {  	[sflag:s15] =	ssyncadd.s32 $0xFFFFF060  }
0x29: {  	[spmem:s9] =	stream.linear.scatter [tilespmem:s19], [sflag:$0x3], $0xFA0, $0x38;
	[tilespmem:$0xBD60] =	vst v63  }
0x2a: {  	_ =	swait.ge [sflag:s15], $0xFA0  }
0x2b: {  	[sflag:s15] =	ssyncset.done $0x0  }
0x2c: {  	[sflag:s15] =	ssyncadd.s32 $0xFFFFF060  }
0x2d: {  	[spmem:s10] =	stream.linear.scatter [tilespmem:s19], [sflag:$0x3], $0xFA0, $0x38;
	[tilespmem:$0xBD60] =	vst v63  }
0x2e: {  	_ =	swait.ge [sflag:s15], $0xFA0  }
0x2f: {  	[sflag:s15] =	ssyncset.done $0x0  }
0x30: {  	[sflag:s15] =	ssyncadd.s32 $0xFFFFF060  }
0x31: {  	[spmem:s11] =	stream.linear.scatter [tilespmem:s19], [sflag:$0x3], $0xFA0, $0x38;
	[tilespmem:$0xBD60] =	vst v63  }
0x32: {  	_ =	swait.ge [sflag:s15], $0xFA0  }
0x33: {  	[sflag:s15] =	ssyncset.done $0x0  }
0x34: {  	[sflag:s15] =	ssyncadd.s32 $0xFFFFF060  }
0x35: {  	[tilespmem:s19], [sflag:$0x2] =	stream.indirect.gather [hbm4b:s4+s17], $0x20, s20, s17, $0xb8;
	[tilespmem:$0xBD60] =	vst v63  }
0x36: {  	[bflag:$0x0] =	sbarrier.arrive $0xFFFF  }
0x37: {  	_ =	swait.ge [sflag:s21], $0xFA0  }
0x38: {  	[sflag:s21] =	ssyncset.done $0x0  }
0x39: {  	s0 =	simm.s32 $0x7620;
	[sflag:s21] =	ssyncadd.s32 $0xFFFFF060  }
0x3a: {  	[spmem:s2] =	stream.indirect.scatter.add.f32 [tilespmem:s18], [sflag:$0x3], $0x20, s0, s17, $0xb8;
	[tilespmem:$0xBD60] =	vst v63  }
0x3b: {  	_ =	swait.ge [sflag:s15], $0xFA0  }
0x3c: {  	[sflag:s15] =	ssyncset.done $0x0  }
0x3d: {  	s1 =	simm.s32 $0x4F20;
	[sflag:s15] =	ssyncadd.s32 $0xFFFFF060  }
0x3e: {  	[tilespmem:s18], [sflag:$0x1] =	stream.indirect.gather [hbm4b:s4+s17], $0x20, s1, s17, $0xb8;
	[tilespmem:$0xBD60] =	vst v63  }
0x3f: {  	_ =	swait.ge [sflag:s22], $0xFA0  }
0x40: {  	[sflag:s22] =	ssyncset.done $0x0  }
0x41: {  	s1 =	simm.s32 $0x76A0;
	[sflag:s22] =	ssyncadd.s32 $0xFFFFF060  }
0x42: {  	[spmem:s2] =	stream.indirect.scatter.add.f32 [tilespmem:s19], [sflag:$0x3], $0x20, s1, s17, $0xb8;
	[tilespmem:$0xBD60] =	vst v63  }
0x43: {  	_ =	swait.ge [sflag:s15], $0xFA0  }
0x44: {  	[sflag:s15] =	ssyncset.done $0x0  }
0x45: {  	s31 =	simm.s32 $0x400;
	s1 =	simm.s32 $0x4FA0;
	[sflag:s15] =	ssyncadd.s32 $0xFFFFF060  }
.LBB2_4:
0x46: {  	[tilespmem:s19], [sflag:$0x2] =	stream.indirect.gather [hbm4b:s4+s17], $0x20, s1, s17, $0xb8;
	[tilespmem:$0xBD60] =	vst v63  }
0x47: {  	s0 =	smov.u32 s31  }
0x48: {  	p0 =	sne.s32 s31, $0x9400;
	s31 =	sadd.s32 $0x400, s31;
	_ =	swait.ge [sflag:s21], $0xFA0  }
0x49: {  	s0 =	sshra.s32 s0, $0x2;
	[sflag:s21] =	ssyncset.done $0x0  }
0x4a: {  	s1 =	sadd.s32 $0x7620, s0;
	[sflag:s21] =	ssyncadd.s32 $0xFFFFF060  }
0x4b: {  	[spmem:s2] =	stream.indirect.scatter.add.f32 [tilespmem:s18], [sflag:$0x3], $0x20, s1, s17, $0xb8;
	[tilespmem:$0xBD60] =	vst v63  }
0x4c: {  	_ =	swait.ge [sflag:s15], $0xFA0  }
0x4d: {  	[sflag:s15] =	ssyncset.done $0x0  }
0x4e: {  	s1 =	sadd.s32 $0x4F20, s0;
	[sflag:s15] =	ssyncadd.s32 $0xFFFFF060  }
0x4f: {  	[tilespmem:s18], [sflag:$0x1] =	stream.indirect.gather [hbm4b:s4+s17], $0x20, s1, s17, $0xb8;
	[tilespmem:$0xBD60] =	vst v63  }
0x50: {  	_ =	swait.ge [sflag:s22], $0xFA0  }
0x51: {  	[sflag:s22] =	ssyncset.done $0x0  }
.Ltmp1:
0x52: {  	s1 =	sadd.s32 $0x76A0, s0;
	[sflag:s22] =	ssyncadd.s32 $0xFFFFF060;
	(pc) =	sbr.rel @p0 .LBB2_4-.Ltmp1, $4  }
0x53: {  	[spmem:s2] =	stream.indirect.scatter.add.f32 [tilespmem:s19], [sflag:$0x3], $0x20, s1, s17, $0xb8;
	[tilespmem:$0xBD60] =	vst v63  }
0x54: {  	_ =	swait.ge [sflag:s15], $0xFA0  }
0x55: {  	[sflag:s15] =	ssyncset.done $0x0  }
0x56: {  	s1 =	sadd.s32 $0x4FA0, s0;
	[sflag:s15] =	ssyncadd.s32 $0xFFFFF060  }
0x57: {  	[tilespmem:s19], [sflag:$0x2] =	stream.indirect.gather [hbm4b:s4+s17], $0x20, s1, s17, $0xb8;
	[tilespmem:$0xBD60] =	vst v63  }
0x58: {  	_ =	swait.ge [sflag:s21], $0xFA0  }
0x59: {  	[sflag:s21] =	ssyncset.done $0x0  }
0x5a: {  	[sflag:s21] =	ssyncadd.s32 $0xFFFFF060  }
0x5b: {  	[spmem:s2] =	stream.indirect.scatter.add.f32 [tilespmem:s18], [sflag:$0x3], $0x20, s23, s17, $0xb8;
	[tilespmem:$0xBD60] =	vst v63  }
0x5c: {  	_ =	swait.ge [sflag:s15], $0xFA0  }
0x5d: {  	[sflag:s15] =	ssyncset.done $0x0  }
0x5e: {  	[sflag:s15] =	ssyncadd.s32 $0xFFFFF060  }
0x5f: {  	[tilespmem:s18], [sflag:$0x1] =	stream.indirect.gather [hbm4b:s4+s17], $0x20, s24, s17, $0xb8;
	[tilespmem:$0xBD60] =	vst v63  }
0x60: {  	_ =	swait.ge [sflag:s22], $0xFA0  }
0x61: {  	[sflag:s22] =	ssyncset.done $0x0  }
0x62: {  	[sflag:s22] =	ssyncadd.s32 $0xFFFFF060  }
0x63: {  	[spmem:s2] =	stream.indirect.scatter.add.f32 [tilespmem:s19], [sflag:$0x3], $0x20, s25, s17, $0xb8;
	[tilespmem:$0xBD60] =	vst v63  }
0x64: {  	_ =	swait.ge [sflag:s15], $0xFA0  }
0x65: {  	[sflag:s15] =	ssyncset.done $0x0  }
0x66: {  	[sflag:s15] =	ssyncadd.s32 $0xFFFFF060  }
0x67: {  	[tilespmem:s19], [sflag:$0x2] =	stream.indirect.gather [hbm4b:s4+s17], $0x20, s26, s17, $0xb8;
	[tilespmem:$0xBD60] =	vst v63  }
0x68: {  	_ =	swait.ge [sflag:s21], $0xFA0  }
0x69: {  	[sflag:s21] =	ssyncset.done $0x0  }
0x6a: {  	[sflag:s21] =	ssyncadd.s32 $0xFFFFF060  }
0x6b: {  	[spmem:s2] =	stream.indirect.scatter.add.f32 [tilespmem:s18], [sflag:$0x3], $0x20, s28, s17, $0xb8;
	[tilespmem:$0xBD60] =	vst v63  }
0x6c: {  	_ =	swait.ge [sflag:s15], $0xFA0  }
0x6d: {  	[sflag:s15] =	ssyncset.done $0x0  }
0x6e: {  	[sflag:s15] =	ssyncadd.s32 $0xFFFFF060  }
0x6f: {  	[tilespmem:s18], [sflag:$0x1] =	stream.indirect.gather [hbm4b:s4+s17], $0x20, s26, s17, $0xb8;
	[tilespmem:$0xBD60] =	vst v63  }
0x70: {  	_ =	swait.ge [sflag:s22], $0xFA0  }
0x71: {  	[sflag:s22] =	ssyncset.done $0x0  }
0x72: {  	[sflag:s22] =	ssyncadd.s32 $0xFFFFF060  }
0x73: {  	[spmem:s2] =	stream.indirect.scatter.add.f32 [tilespmem:s19], [sflag:$0x3], $0x20, s29, s17, $0xb8;
	[tilespmem:$0xBD60] =	vst v63  }
0x74: {  	_ =	swait.ge [sflag:s15], $0xFA0  }
0x75: {  	[sflag:s15] =	ssyncset.done $0x0  }
0x76: {  	[sflag:s15] =	ssyncadd.s32 $0xFFFFF060  }
0x77: {  	[tilespmem:s19], [sflag:$0x2] =	stream.indirect.gather [hbm4b:s4+s17], $0x20, s26, s17, $0xb8;
	[tilespmem:$0xBD60] =	vst v63  }
0x78: {  	_ =	swait.ge [sflag:s21], $0xFA0  }
0x79: {  	[sflag:s21] =	ssyncset.done $0x0  }
0x7a: {  	[sflag:s21] =	ssyncadd.s32 $0xFFFFF060  }
0x7b: {  	s0 =	stileid.u32;
	_ =	swait.ge [sflag:s22], $0xFA0  }
0x7c: {  	s31 =	sshrl.u32 s7, $0x3;
	s30 =	sadd.s32 $0x1, s30;
	[sflag:s22] =	ssyncset.done $0x0  }
0x7d: {  	s0 =	sshll.u32 s0, $0x6;
	p0 =	sne.s32 s30, s13;
	[sflag:s22] =	ssyncadd.s32 $0xFFFFF060  }
.Ltmp2:
0x7e: {  	s0 =	sor.u32 $0x1C03, s0;
	[bflag:$0x0] =	sbarrier.arrive $0xFFFF;
	(pc) =	sbr.rel @p0 .LBB2_1-.Ltmp2, $4  }
0x7f: {  	[hbm:s12], [sflag:s0] =	dma.local [spmem:s31], $0x9C4  }
0x80: {  	_ =	swait.ge [sflag:s15], $0x9C4  }
0x81: {  	[sflag:s15] =	ssyncset.done $0x0  }
0x82: {  	[sflag:s15] =	ssyncadd.s32 $0xFFFFF63C  }
0x83: {  	_ =	sfence.sel $0x180000  }
0x84: {  	[bflag:$0x0] =	sbarrier.arrive $0xFFFF  }
0x85: {  	_ =	strace $0x9000004D  }
0x86: {  	s0 =	stileid.u32;
	[bflag:$0x2] =	sbarrier.arrive $0xFFFF  }
0x87: {  	p0 =	sne.s32 s0, $0x0;
	s0 =	rddreg [dreg:$0x2]  }
0x88: {  	s0 =	sadd.s32 @!p0 $0x100000, s0  }
0x89: {  	[sflag:s0] =	ssyncadd.tile.s32 @!p0 $0x1;
	_ =	shalt  }
.Lfunc_end2:
_tile_overlayer_lowered:
.L_overlay_start_2:
0x8a: {  	(tag) =	ssettag $0x2  }
0x8b: {  	s0 =	rddreg [dreg:$0x0];
	s2 =	stileid.u32  }
0x8c: {  	s1 =	rddreg [dreg:$0x1];
	p0 =	sne.s32 s2, $0x0  }
0x8d: {  	s3 =	rddreg [dreg:$0x2];
	[bflag:$0x3] =	sbarrier.arrive $0xFFFF;
	s2 =	simm.s32 @!p0 $0x1C03  }
0x8e: {  	[timem:s3], [sflag:s2] =	dma.local @!p0 [hbm:s0], s1  }
0x8f: {  	s0 =	simm.s32 @!p0 $0x3  }
0x90: {  	_ =	swait.ge @!p0 [sflag:s0], s1  }
0x91: {  	s1 =	ssub.s32 @!p0 $0x0, s1;
	[sflag:s0] =	ssyncset.done @!p0 $0x0  }
0x92: {  	[sflag:s0] =	ssyncadd.s32 @!p0 s1  }
0x93: {  	[bflag:$0x3] =	sbarrier.arrive $0xFFFF  }
0x94: {  	_ =	shalt  }

// kernel: kernel.19.cloned.1.call-start
scs
__scs_entry_jumppad:
0x0: {  	(pc) =	sbr.rel $0x88, $3  }
0x1: {  	(tag) =	ssettag $0x0;
	lr =	simm.s32 $0x1  }
0x2: {  	[smem:$0x3F99] =	sst lr;
	_ =	strace $0xD0000000  }
0x3: {  	_ = 	snop  }
0x4: {  	_ = 	snop  }
0x5: {  	_ = 	snop  }
0x6: {  	_ = 	snop  }
0x7: {  	_ = 	snop  }
__scs_overlays_trampoline_lowered:
0x8: {  	[smem:$0x3FA8] =	sst s0  }
0x9: {  	[smem:$0x3FA9] =	sst s1  }
0xa: {  	[smem:$0x3FAA] =	sst s2  }
0xb: {  	[smem:$0x3FAB] =	sst s3  }
0xc: {  	[smem:$0x3FAC] =	sst s4  }
0xd: {  	[smem:$0x3FAD] =	sst s5  }
0xe: {  	[smem:$0x3FAE] =	sst s6  }
0xf: {  	[smem:$0x3FAF] =	sst s7  }
0x10: {  	[smem:$0x3FB0] =	sst s8  }
0x11: {  	[smem:$0x3FB1] =	sst s9;
	s0 =	simm.s32 @!p0 $0x0  }
0x12: {  	s1 =	sld [smem:$0x3F97];
	s0 =	simm.s32 @p0 $0x1  }
0x13: {  	[smem:$0x3FB2] =	sst s0;
	s0 =	simm.s32 @!p1 $0x0  }
0x14: {  	s2 =	sld [smem:$0x3F96];
	s0 =	simm.s32 @p1 $0x1  }
0x15: {  	[smem:$0x3FB3] =	sst s0;
	s0 =	simm.s32 @!p2 $0x0  }
0x16: {  	s3 =	sld [smem:$0x3FDB];
	s0 =	simm.s32 @p2 $0x1  }
0x17: {  	s4 =	simm.s32 $0x1BF5;
	[smem:$0x3FB5] =	sst s0  }
0x18: {  	s0 =	sld [smem:$0x3F98];
	_ =	swait.ge [sflag:s4], $0x0  }
0x19: {  	s7 =	sld [smem:$0x3F99]  }
0x1a: {  	s8 =	sadd.s32 $0xFFFFE003, lr  }
0x1b: {  	s9 =	sadd.s32 $0xFFFFFEF7, lr;
	s5 =	simm.s32 $0xFFFFFFFF;
	p2 =	slt.u32 s8, $0xFFFFF086  }
0x1c: {  	p1 =	slt.u32 s9, $0xF7A;
	s5 =	simm.s32 @!p2 $0x0  }
0x1d: {  	s5 =	simm.s32 @p1 $0x1;
	p0 =	seq.s32 s7, s2  }
0x1e: {  	s7 =	smul.u32 @!p0 $0xF7A, s2;
	p2 =	seq.s32 @!p0 s5, $0x0  }
0x1f: {  	s9 =	smul.u32 $0xF7A, s1;
	s8 =	simm.s32 @!p0 $0x1BF5;
	p2 =	por !p2, p0  }
0x20: {  	[sflag:s8] =	ssyncset.s32 @!p0 $0xFFFFF086;
	s6 =	sadd.s32 @!p0 s3, s7;
	s7 =	simm.s32 @!p0 $0x108  }
0x21: {  	s3 =	sadd.s32 s3, s9;
	s6 =	sadd.s32 @!p0 $0x88, s6;
	s7 =	simm.s32 @p2 $0x1082  }
0x22: {  	[simem:s7], [sflag:s8] =	dma.local @!p0 [hbm:s6], $0xF7A  }
0x23: {  	s9 =	sor.u32 $0xD0000000, s2;
	s6 =	simm.s32 $0x108;
	_ =	swait.ge @!p0 [sflag:s8], $0x0  }
0x24: {  	s3 =	sadd.s32 $0x88, s3;
	s6 =	simm.s32 @!p1 $0x1082;
	[sflag:s4] =	ssyncset.s32 $0xFFFFF086  }
0x25: {  	[simem:s6], [sflag:s4] =	dma.local [hbm:s3], $0xF7A  }
0x26: {  	[smem:$0x3F99] =	sst s1;
	(tag) =	ssettag s2;
	_ =	strace s9  }
0x27: {  	s1 =	sld [smem:$0x3FA9]  }
0x28: {  	s2 =	sld [smem:$0x3FAA]  }
0x29: {  	s4 =	sld [smem:$0x3FAC]  }
0x2a: {  	p0 =	seq.s32 s5, $0x0;
	s5 =	sld [smem:$0x3FAD]  }
0x2b: {  	s6 =	sld [smem:$0x3FAE]  }
0x2c: {  	s7 =	sld [smem:$0x3FAF]  }
0x2d: {  	s3 =	simm.s32 $0x108;
	s8 =	sld [smem:$0x3FB0]  }
0x2e: {  	s3 =	simm.s32 @!p0 $0x1082;
	s9 =	sld [smem:$0x3FB1]  }
0x2f: {  	lr =	sadd.s32 s0, s3;
	s0 =	sld [smem:$0x3FA8]  }
0x30: {  	s3 =	sld [smem:$0x3FAB]  }
0x31: {  	[smem:$0x3FB4] =	sst s10  }
0x32: {  	s10 =	sld [smem:$0x3FB2];
	_ =	sdelay $0x3  }
0x33: {  	p0 =	seq.s32 s10, $0x1;
	s10 =	sld [smem:$0x3FB4];
	_ =	sdelay $0x3  }
0x34: {  	[smem:$0x3FB4] =	sst s10  }
0x35: {  	s10 =	sld [smem:$0x3FB3];
	_ =	sdelay $0x3  }
0x36: {  	p1 =	seq.s32 s10, $0x1;
	s10 =	sld [smem:$0x3FB4];
	_ =	sdelay $0x3  }
0x37: {  	[smem:$0x3FB4] =	sst s10  }
0x38: {  	s10 =	sld [smem:$0x3FB5]  }
0x39: {  	_ = 	snop;
	(pc) =	sbr.ind lr, $3  }
0x3a: {  	_ = 	snop  }
0x3b: {  	_ = 	snop  }
0x3c: {  	p2 =	seq.s32 s10, $0x1;
	s10 =	sld [smem:$0x3FB4]  }
0x3d: {  	_ =	shalt  }
0x3e: {  	_ =	shalt  }
0x3f: {  	_ =	shalt  }
0x40: {  	_ =	shalt  }
0x41: {  	_ =	shalt  }
0x42: {  	_ =	shalt  }
0x43: {  	_ =	shalt  }
0x44: {  	_ =	shalt  }
0x45: {  	_ =	shalt  }
0x46: {  	_ =	shalt  }
0x47: {  	_ =	shalt  }
0x48: {  	_ =	shalt  }
0x49: {  	_ =	shalt  }
0x4a: {  	_ =	shalt  }
0x4b: {  	_ =	shalt  }
0x4c: {  	_ =	shalt  }
0x4d: {  	_ =	shalt  }
0x4e: {  	_ =	shalt  }
0x4f: {  	_ =	shalt  }
0x50: {  	_ =	shalt  }
0x51: {  	_ =	shalt  }
0x52: {  	_ =	shalt  }
0x53: {  	_ =	shalt  }
0x54: {  	_ =	shalt  }
0x55: {  	_ =	shalt  }
0x56: {  	_ =	shalt  }
0x57: {  	_ =	shalt  }
0x58: {  	_ =	shalt  }
0x59: {  	_ =	shalt  }
0x5a: {  	_ =	shalt  }
0x5b: {  	_ =	shalt  }
0x5c: {  	_ =	shalt  }
0x5d: {  	_ =	shalt  }
0x5e: {  	_ =	shalt  }
0x5f: {  	_ =	shalt  }
0x60: {  	_ =	shalt  }
0x61: {  	_ =	shalt  }
0x62: {  	_ =	shalt  }
0x63: {  	_ =	shalt  }
0x64: {  	_ =	shalt  }
0x65: {  	_ =	shalt  }
0x66: {  	_ =	shalt  }
0x67: {  	_ =	shalt  }
0x68: {  	_ =	shalt  }
0x69: {  	_ =	shalt  }
0x6a: {  	_ =	shalt  }
0x6b: {  	_ =	shalt  }
0x6c: {  	_ =	shalt  }
0x6d: {  	_ =	shalt  }
0x6e: {  	_ =	shalt  }
0x6f: {  	_ =	shalt  }
0x70: {  	_ =	shalt  }
0x71: {  	_ =	shalt  }
0x72: {  	_ =	shalt  }
0x73: {  	_ =	shalt  }
0x74: {  	_ =	shalt  }
0x75: {  	_ =	shalt  }
0x76: {  	_ =	shalt  }
0x77: {  	_ =	shalt  }
0x78: {  	_ =	shalt  }
0x79: {  	_ =	shalt  }
0x7a: {  	_ =	shalt  }
0x7b: {  	_ =	shalt  }
0x7c: {  	_ =	shalt  }
0x7d: {  	_ =	shalt  }
0x7e: {  	_ =	shalt  }
0x7f: {  	_ =	shalt  }
0x80: {  	_ =	shalt  }
0x81: {  	_ =	shalt  }
0x82: {  	_ =	shalt  }
0x83: {  	_ =	shalt  }
0x84: {  	_ =	shalt  }
0x85: {  	_ =	shalt  }
0x86: {  	_ =	shalt  }
0x87: {  	_ =	shalt  }
.Lfunc_end0:
.L_simem_size_0:
called_computation.3_lowered:
.L_overlay_start_0:
0x88: {  	s2 =	sld [smem:$0x3FD9]  }
0x89: {  	s3 =	sld [smem:$0x3FFE];
	_ =	sdelay $0x1  }
0x8a: {  	s1 =	srdreg.scid  }
0x8b: {  	s0 =	sand.u32 $0x1, s1  }
0x8c: {  	s16 =	sshll.u32 s0, $0xA;
	s2 =	sadd.s32 s3, s2  }
0x8d: {  	s2 =	sadd.s32 s2, s16  }
0x8e: {  	[smem:$0x3FC0] =	sst s2  }
0x8f: {  	_ = 	snop  }
0x90: {  	(tm) =	ssettm $0x1  }
0x91: {  	s17 =	sld [smem:$0x3FFB];
	_ =	sdelay $0x3  }
0x92: {  	_ =	strace s17  }
0x93: {  	s2 =	sld [smem:$0x3FFC];
	_ =	sdelay $0x3  }
0x94: {  	_ =	strace s2  }
0x95: {  	s2 =	sld [smem:$0x3FFD];
	_ =	sdelay $0x3  }
0x96: {  	_ =	strace s2  }
0x97: {  	_ =	strace $0x8FFFFFFF  }
0x98: {  	s18 =	sld [smem:$0x3FDB];
	_ =	sdelay $0x1  }
0x99: {  	s19 =	simm.s32 $_scs_section_size  }
0x9a: {  	s4 =	simm.s32 $_size__tile_overlayer_lowered;
	s5 =	simm.s32 $_tile_overlayer_lowered  }
0x9b: {  	s22 =	simm.s32 $0x1BFF;
	s21 =	sshll.u32 s5, $0x1;
	s2 =	sadd.s32 s19, s18  }
0x9c: {  	s6 =	simm.s32 $0x0;
	s20 =	sshll.u32 s4, $0x1;
	s4 =	sadd.s32 s21, s2  }
0x9d: {  	[timem:s6], [sflag:s22] =	dma.local [hbm:s4], s20  }
0x9e: {  	_ =	swait.ge [sflag:s22], s20  }
0x9f: {  	s3 =	ssub.s32 $0x0, s20;
	[sflag:s22] =	ssyncset.done $0x0  }
0xa0: {  	[sflag:s22] =	ssyncadd.s32 s3;
	_ =	sdelay $0x1  }
0xa1: {  	s23 =	simm.s32 $0x1B8B  }
0xa2: {  	_ =	swait.ge [sflag:s23], $0x1  }
0xa3: {  	[sflag:s23] =	ssyncset.done $0x0  }
0xa4: {  	s25 =	simm.s32 $0x1B8E;
	s24 =	sld [smem:$0x3FFE];
	[sflag:s23] =	ssyncadd.s32 $0xFFFFFFFF  }
0xa5: {  	s26 =	simm.s32 $execute0_lowered;
	[smem:$0x3FD2] =	sst s25  }
0xa6: {  	s4 =	sshll.u32 s26, $0x1;
	_ =	strace $0x8000004F;
	[dreg:$0x1] =	wrdreg $0xFFFFFFFF  }
0xa7: {  	s28 =	simm.s32 $_size_execute0_lowered;
	s2 =	sadd.s32 s2, s4;
	[dreg:$0x0] =	wrdreg $0x0  }
0xa8: {  	s4 =	sshll.u32 s28, $0x1;
	[dreg:$0x2] =	wrdreg s2  }
0xa9: {  	[dreg:$0x3] =	wrdreg s4  }
0xaa: {  	[dreg:$0x4] =	wrdreg $0xC0  }
0xab: {  	_ =	task [dreg:s6], $0x5FFFF  }
0xac: {  	[dreg:$0x1] =	wrdreg $0xFFFFFFFF  }
0xad: {  	[dreg:$0x0] =	wrdreg $0x60  }
0xae: {  	[dreg:$0x2] =	wrdreg s24  }
0xaf: {  	[dreg:$0x3] =	wrdreg $0x0  }
0xb0: {  	[dreg:$0x4] =	wrdreg $0x9  }
0xb1: {  	_ =	task.clear_ibuf [dreg:s6], $0x5FFFF;
	_ =	strace $0x9000004F  }
0xb2: {  	s29 =	simm.s32 $0x9;
	_ =	strace $0x80000051  }
0xb3: {  	_ =	swait.ge [sflag:s29], $0x1  }
0xb4: {  	[sflag:s29] =	ssyncadd.s32 $0xFFFFFFFF  }
0xb5: {  	_ =	strace $0x90000051  }
0xb6: {  	_ =	sfence  }
0xb7: {  	s30 =	sld [smem:$0x0];
	_ =	sdelay $0x2  }
0xb8: {  	s31 =	sshll.u32 s1, $0xD;
	s1 =	sshrl.u32 s1, $0x2  }
0xb9: {  	s3 =	sand.u32 $0x4000, s31;
	s1 =	sadd.s32 s1, s30  }
0xba: {  	s0 =	sor.u32 s3, s0;
	s1 =	sshll.u32 s1, $0x11  }
0xbb: {  	s0 =	sor.u32 s1, s0  }
0xbc: {  	s0 =	sadd.s32 $0x8F2B, s0  }
0xbd: {  	[sflag:s0] =	ssyncadd.remote.s32 $0x1  }
0xbe: {  	_ =	sfence.sel $0xFFFF  }
0xbf: {  	[dreg:$0x0] =	wrdreg $0xFFFFFFFF;
	(pc) =	sbr.abs _section_cstart, $3  }
0xc0: {  	[dreg:$0x1] =	wrdreg $0xFFFFFFFF  }
0xc1: {  	_ =	task.clear_ibuf [dreg:s6], $0x2FFFF;
	_ =	strace $0x9FFFFFFF  }
0xc2: {  	(tm) =	ssettm $0x7FFFFFFF  }
0xc3: {  	_ =	shalt  }
tec
execute0_lowered:
.L_overlay_start_1:
0x0: {  	(tag) =	ssettag $0x1  }
0x1: {  	s0 =	srdreg.scid;
	s25 =	stileid.u32  }
0x2: {  	s5 =	rddreg [dreg:$0x0];
	s14 =	simm.s32 $0x2710;
	s15 =	simm.s32 $0x3  }
0x3: {  	s16 =	simm.s32 $0x4F10;
	s17 =	simm.s32 $0x7D;
	s18 =	simm.s32 $0x7710  }
0x4: {  	s19 =	simm.s32 $0x7EE0;
	s20 =	simm.s32 $0x2790;
	s21 =	simm.s32 $0x1  }
0x5: {  	s22 =	simm.s32 $0x2;
	s23 =	simm.s32 $0x7510;
	s24 =	simm.s32 $0x4E10  }
0x6: {  	s28 =	simm.s32 $0x7610;
	s29 =	simm.s32 $0x7690;
	s7 =	smul.u32 $0x2710, s25  }
0x7: {  	s30 =	simm.s32 $0x0;
	s1 =	sand.u32 $0x1, s0;
	s9 =	smul.u32 $0x9C40, s25  }
0x8: {  	s2 =	sshll.u32 s1, $0x4;
	s6 =	smul.u32 $0x27100, s1;
	s1 =	ssub.s32 $0x2, s1  }
0x9: {  	s3 =	sor.u32 s25, s2;
	s2 =	rddreg [dreg:$0x1];
	s26 =	sshrl.u32 s1, $0x1  }
0xa: {  	s31 =	sshrl.u32 s9, $0x2;
	s25 =	simm.s32 $0x7590;
	s4 =	smul.u32 $0x2800, s3  }
0xb: {  	s3 =	simm.s32 $0x0;
	s6 =	sadd.s32 s7, s6;
	s1 =	ssub.s32 s1, s26  }
0xc: {  	s11 =	sadd.s32 s31, s2;
	s7 =	sadd.s32 s7, s2;
	s26 =	simm.s32 $0x4E90  }
0xd: {  	[smem:$0x7FF] =	sst s3;
	s6 =	sshrl.u32 s6, $0x3;
	s9 =	sadd.s32 $0xFA0, s11  }
0xe: {  	s10 =	sadd.s32 $0x1770, s11;
	s13 =	smax.u32 s1, $0x1;
	s4 =	sshrl.u32 s4, $0x3  }
0xf: {  	_ =	strace $0x80000050;
	s12 =	sadd.s32 s6, s5;
	s8 =	sadd.s32 s4, s5  }
0x10: {  	s4 =	sadd.s32 $0x16C00, s5;
	s12 =	sadd.s32 $0x1BC00, s12;
	s5 =	sadd.s32 $0x2C00, s8  }
0x11: {  	v0 =	vimm.f32 $0.0e+00;
	s6 =	sadd.s32 $0xCC00, s8;
	s8 =	sadd.s32 $0x7D0, s11;
	s11 =	sadd.s32 $0x1F40, s11  }
.LBB2_1:
0x12: {  	[tilespmem:s14], [sflag:$0x3] =	stream.linear.gather [hbm4b:s5+s3], $0x2800, $0x38;
	[tilespmem:$0x86B0] =	vst v63  }
0x13: {  	_ =	swait.ge [sflag:s15], $0x2800  }
0x14: {  	[sflag:s15] =	ssyncset.done $0x0  }
0x15: {  	[sflag:s15] =	ssyncadd.s32 $0xFFFFD800  }
0x16: {  	[tilespmem:s16], [sflag:$0x3] =	stream.linear.gather [hbm4b:s6+s3], $0x2800, $0x38;
	[tilespmem:$0x86B0] =	vst v63  }
0x17: {  	_ =	swait.ge [sflag:s15], $0x2800  }
0x18: {  	[sflag:s15] =	ssyncset.done $0x0  }
0x19: {  	s31 =	simm.s32 $0x40;
	s1 =	simm.s32 $0x0;
	[sflag:s15] =	ssyncadd.s32 $0xFFFFD800  }
0x1a: {  	[tilespmem:s18], [sflag:$0x1] =	stream.indirect.gather [hbm4b:s4+s17], $0x10, s14, s17, $0xb8;
	[tilespmem:$0x86B0] =	vst v63  }
.LBB2_2:
0x1b: {  	p0 =	sne.s32 s31, $0x1F00;
	[tilespmem:s1+$0x7EE0] =	vst v0;
	s1 =	smov.u32 s31;
	s31 =	sadd.s32 $0x40, s31  }
.Ltmp0:
0x1c: {  	(pc) =	sbr.rel @p0 .LBB2_2-.Ltmp0, $2  }
0x1d: {  	_ =	sdelay $0x2  }
0x1e: {  	s1 =	sshra.s32 s1, $0x2  }
0x1f: {  	[tilespmem:s1+$0x7EE0] =	vst v0  }
0x20: {  	[spmem:s7] =	stream.linear.scatter [tilespmem:s19], [sflag:$0x3], $0x7D0, $0x38;
	[tilespmem:$0x86B0] =	vst v63  }
0x21: {  	_ =	swait.ge [sflag:s15], $0x7D0  }
0x22: {  	[sflag:s15] =	ssyncset.done $0x0  }
0x23: {  	[sflag:s15] =	ssyncadd.s32 $0xFFFFF830  }
0x24: {  	[spmem:s8] =	stream.linear.scatter [tilespmem:s19], [sflag:$0x3], $0x7D0, $0x38;
	[tilespmem:$0x86B0] =	vst v63  }
0x25: {  	_ =	swait.ge [sflag:s15], $0x7D0  }
0x26: {  	[sflag:s15] =	ssyncset.done $0x0  }
0x27: {  	[sflag:s15] =	ssyncadd.s32 $0xFFFFF830  }
0x28: {  	[spmem:s9] =	stream.linear.scatter [tilespmem:s19], [sflag:$0x3], $0x7D0, $0x38;
	[tilespmem:$0x86B0] =	vst v63  }
0x29: {  	_ =	swait.ge [sflag:s15], $0x7D0  }
0x2a: {  	[sflag:s15] =	ssyncset.done $0x0  }
0x2b: {  	[sflag:s15] =	ssyncadd.s32 $0xFFFFF830  }
0x2c: {  	[spmem:s10] =	stream.linear.scatter [tilespmem:s19], [sflag:$0x3], $0x7D0, $0x38;
	[tilespmem:$0x86B0] =	vst v63  }
0x2d: {  	_ =	swait.ge [sflag:s15], $0x7D0  }
0x2e: {  	[sflag:s15] =	ssyncset.done $0x0  }
0x2f: {  	[sflag:s15] =	ssyncadd.s32 $0xFFFFF830  }
0x30: {  	[spmem:s11] =	stream.linear.scatter [tilespmem:s19], [sflag:$0x3], $0x7D0, $0x38;
	[tilespmem:$0x86B0] =	vst v63  }
0x31: {  	_ =	swait.ge [sflag:s15], $0x7D0  }
0x32: {  	[sflag:s15] =	ssyncset.done $0x0  }
0x33: {  	[sflag:s15] =	ssyncadd.s32 $0xFFFFF830  }
0x34: {  	[tilespmem:s19], [sflag:$0x2] =	stream.indirect.gather [hbm4b:s4+s17], $0x10, s20, s17, $0xb8;
	[tilespmem:$0x86B0] =	vst v63  }
0x35: {  	[bflag:$0x0] =	sbarrier.arrive $0xFFFF  }
0x36: {  	_ =	swait.ge [sflag:s21], $0x7D0  }
0x37: {  	[sflag:s21] =	ssyncset.done $0x0  }
0x38: {  	s0 =	simm.s32 $0x4F10;
	[sflag:s21] =	ssyncadd.s32 $0xFFFFF830  }
0x39: {  	[spmem:s2] =	stream.indirect.scatter.add.f32 [tilespmem:s18], [sflag:$0x3], $0x10, s0, s17, $0xb8;
	[tilespmem:$0x86B0] =	vst v63  }
0x3a: {  	_ =	swait.ge [sflag:s15], $0x7D0  }
0x3b: {  	[sflag:s15] =	ssyncset.done $0x0  }
0x3c: {  	s0 =	simm.s32 $0x2810;
	[sflag:s15] =	ssyncadd.s32 $0xFFFFF830  }
0x3d: {  	[tilespmem:s18], [sflag:$0x1] =	stream.indirect.gather [hbm4b:s4+s17], $0x10, s0, s17, $0xb8;
	[tilespmem:$0x86B0] =	vst v63  }
0x3e: {  	_ =	swait.ge [sflag:s22], $0x7D0  }
0x3f: {  	[sflag:s22] =	ssyncset.done $0x0  }
0x40: {  	s0 =	simm.s32 $0x4F90;
	[sflag:s22] =	ssyncadd.s32 $0xFFFFF830  }
0x41: {  	[spmem:s2] =	stream.indirect.scatter.add.f32 [tilespmem:s19], [sflag:$0x3], $0x10, s0, s17, $0xb8;
	[tilespmem:$0x86B0] =	vst v63  }
0x42: {  	_ =	swait.ge [sflag:s15], $0x7D0  }
0x43: {  	[sflag:s15] =	ssyncset.done $0x0  }
0x44: {  	s31 =	simm.s32 $0x400;
	s1 =	simm.s32 $0x2890;
	[sflag:s15] =	ssyncadd.s32 $0xFFFFF830  }
.LBB2_4:
0x45: {  	[tilespmem:s19], [sflag:$0x2] =	stream.indirect.gather [hbm4b:s4+s17], $0x10, s1, s17, $0xb8;
	[tilespmem:$0x86B0] =	vst v63  }
0x46: {  	s1 =	smov.u32 s31  }
0x47: {  	p0 =	sne.s32 s31, $0x9400;
	s31 =	sadd.s32 $0x400, s31;
	_ =	swait.ge [sflag:s21], $0x7D0  }
0x48: {  	s1 =	sshra.s32 s1, $0x2;
	[sflag:s21] =	ssyncset.done $0x0  }
0x49: {  	s0 =	sadd.s32 $0x4F10, s1;
	[sflag:s21] =	ssyncadd.s32 $0xFFFFF830  }
0x4a: {  	[spmem:s2] =	stream.indirect.scatter.add.f32 [tilespmem:s18], [sflag:$0x3], $0x10, s0, s17, $0xb8;
	[tilespmem:$0x86B0] =	vst v63  }
0x4b: {  	_ =	swait.ge [sflag:s15], $0x7D0  }
0x4c: {  	[sflag:s15] =	ssyncset.done $0x0  }
0x4d: {  	s0 =	sadd.s32 $0x2810, s1;
	[sflag:s15] =	ssyncadd.s32 $0xFFFFF830  }
0x4e: {  	[tilespmem:s18], [sflag:$0x1] =	stream.indirect.gather [hbm4b:s4+s17], $0x10, s0, s17, $0xb8;
	[tilespmem:$0x86B0] =	vst v63  }
0x4f: {  	_ =	swait.ge [sflag:s22], $0x7D0  }
0x50: {  	[sflag:s22] =	ssyncset.done $0x0  }
.Ltmp1:
0x51: {  	s0 =	sadd.s32 $0x4F90, s1;
	[sflag:s22] =	ssyncadd.s32 $0xFFFFF830;
	(pc) =	sbr.rel @p0 .LBB2_4-.Ltmp1, $4  }
0x52: {  	[spmem:s2] =	stream.indirect.scatter.add.f32 [tilespmem:s19], [sflag:$0x3], $0x10, s0, s17, $0xb8;
	[tilespmem:$0x86B0] =	vst v63  }
0x53: {  	_ =	swait.ge [sflag:s15], $0x7D0  }
0x54: {  	[sflag:s15] =	ssyncset.done $0x0  }
0x55: {  	s1 =	sadd.s32 $0x2890, s1;
	[sflag:s15] =	ssyncadd.s32 $0xFFFFF830  }
0x56: {  	[tilespmem:s19], [sflag:$0x2] =	stream.indirect.gather [hbm4b:s4+s17], $0x10, s1, s17, $0xb8;
	[tilespmem:$0x86B0] =	vst v63  }
0x57: {  	_ =	swait.ge [sflag:s21], $0x7D0  }
0x58: {  	[sflag:s21] =	ssyncset.done $0x0  }
0x59: {  	[sflag:s21] =	ssyncadd.s32 $0xFFFFF830  }
0x5a: {  	[spmem:s2] =	stream.indirect.scatter.add.f32 [tilespmem:s18], [sflag:$0x3], $0x10, s23, s17, $0xb8;
	[tilespmem:$0x86B0] =	vst v63  }
0x5b: {  	_ =	swait.ge [sflag:s15], $0x7D0  }
0x5c: {  	[sflag:s15] =	ssyncset.done $0x0  }
0x5d: {  	[sflag:s15] =	ssyncadd.s32 $0xFFFFF830  }
0x5e: {  	[tilespmem:s18], [sflag:$0x1] =	stream.indirect.gather [hbm4b:s4+s17], $0x10, s24, s17, $0xb8;
	[tilespmem:$0x86B0] =	vst v63  }
0x5f: {  	_ =	swait.ge [sflag:s22], $0x7D0  }
0x60: {  	[sflag:s22] =	ssyncset.done $0x0  }
0x61: {  	[sflag:s22] =	ssyncadd.s32 $0xFFFFF830  }
0x62: {  	[spmem:s2] =	stream.indirect.scatter.add.f32 [tilespmem:s19], [sflag:$0x3], $0x10, s25, s17, $0xb8;
	[tilespmem:$0x86B0] =	vst v63  }
0x63: {  	_ =	swait.ge [sflag:s15], $0x7D0  }
0x64: {  	[sflag:s15] =	ssyncset.done $0x0  }
0x65: {  	[sflag:s15] =	ssyncadd.s32 $0xFFFFF830  }
0x66: {  	[tilespmem:s19], [sflag:$0x2] =	stream.indirect.gather [hbm4b:s4+s17], $0x10, s26, s17, $0xb8;
	[tilespmem:$0x86B0] =	vst v63  }
0x67: {  	_ =	swait.ge [sflag:s21], $0x7D0  }
0x68: {  	[sflag:s21] =	ssyncset.done $0x0  }
0x69: {  	[sflag:s21] =	ssyncadd.s32 $0xFFFFF830  }
0x6a: {  	[spmem:s2] =	stream.indirect.scatter.add.f32 [tilespmem:s18], [sflag:$0x3], $0x10, s28, s17, $0xb8;
	[tilespmem:$0x86B0] =	vst v63  }
0x6b: {  	_ =	swait.ge [sflag:s15], $0x7D0  }
0x6c: {  	[sflag:s15] =	ssyncset.done $0x0  }
0x6d: {  	[sflag:s15] =	ssyncadd.s32 $0xFFFFF830  }
0x6e: {  	[tilespmem:s18], [sflag:$0x1] =	stream.indirect.gather [hbm4b:s4+s17], $0x10, s26, s17, $0xb8;
	[tilespmem:$0x86B0] =	vst v63  }
0x6f: {  	_ =	swait.ge [sflag:s22], $0x7D0  }
0x70: {  	[sflag:s22] =	ssyncset.done $0x0  }
0x71: {  	[sflag:s22] =	ssyncadd.s32 $0xFFFFF830  }
0x72: {  	[spmem:s2] =	stream.indirect.scatter.add.f32 [tilespmem:s19], [sflag:$0x3], $0x10, s29, s17, $0xb8;
	[tilespmem:$0x86B0] =	vst v63  }
0x73: {  	_ =	swait.ge [sflag:s15], $0x7D0  }
0x74: {  	[sflag:s15] =	ssyncset.done $0x0  }
0x75: {  	[sflag:s15] =	ssyncadd.s32 $0xFFFFF830  }
0x76: {  	[tilespmem:s19], [sflag:$0x2] =	stream.indirect.gather [hbm4b:s4+s17], $0x10, s26, s17, $0xb8;
	[tilespmem:$0x86B0] =	vst v63  }
0x77: {  	_ =	swait.ge [sflag:s21], $0x7D0  }
0x78: {  	[sflag:s21] =	ssyncset.done $0x0  }
0x79: {  	[sflag:s21] =	ssyncadd.s32 $0xFFFFF830  }
0x7a: {  	s0 =	stileid.u32;
	_ =	swait.ge [sflag:s22], $0x7D0  }
0x7b: {  	s31 =	sshrl.u32 s7, $0x3;
	s30 =	sadd.s32 $0x1, s30;
	[sflag:s22] =	ssyncset.done $0x0  }
0x7c: {  	s0 =	sshll.u32 s0, $0x6;
	p0 =	sne.s32 s30, s13;
	[sflag:s22] =	ssyncadd.s32 $0xFFFFF830  }
.Ltmp2:
0x7d: {  	s0 =	sor.u32 $0x1C03, s0;
	[bflag:$0x0] =	sbarrier.arrive $0xFFFF;
	(pc) =	sbr.rel @p0 .LBB2_1-.Ltmp2, $4  }
0x7e: {  	[hbm:s12], [sflag:s0] =	dma.local [spmem:s31], $0x4E2  }
0x7f: {  	_ =	swait.ge [sflag:s15], $0x4E2  }
0x80: {  	[sflag:s15] =	ssyncset.done $0x0  }
0x81: {  	[sflag:s15] =	ssyncadd.s32 $0xFFFFFB1E  }
0x82: {  	_ =	sfence.sel $0x180000  }
0x83: {  	[bflag:$0x0] =	sbarrier.arrive $0xFFFF  }
0x84: {  	_ =	strace $0x90000050  }
0x85: {  	s0 =	stileid.u32;
	[bflag:$0x2] =	sbarrier.arrive $0xFFFF  }
0x86: {  	p0 =	sne.s32 s0, $0x0;
	s0 =	rddreg [dreg:$0x2]  }
0x87: {  	s0 =	sadd.s32 @!p0 $0x100000, s0  }
0x88: {  	[sflag:s0] =	ssyncadd.tile.s32 @!p0 $0x1;
	_ =	shalt  }
.Lfunc_end2:
_tile_overlayer_lowered:
.L_overlay_start_2:
0x89: {  	(tag) =	ssettag $0x2  }
0x8a: {  	s0 =	rddreg [dreg:$0x0];
	s2 =	stileid.u32  }
0x8b: {  	s1 =	rddreg [dreg:$0x1];
	p0 =	sne.s32 s2, $0x0  }
0x8c: {  	s3 =	rddreg [dreg:$0x2];
	[bflag:$0x3] =	sbarrier.arrive $0xFFFF;
	s2 =	simm.s32 @!p0 $0x1C03  }
0x8d: {  	[timem:s3], [sflag:s2] =	dma.local @!p0 [hbm:s0], s1  }
0x8e: {  	s0 =	simm.s32 @!p0 $0x3  }
0x8f: {  	_ =	swait.ge @!p0 [sflag:s0], s1  }
0x90: {  	s1 =	ssub.s32 @!p0 $0x0, s1;
	[sflag:s0] =	ssyncset.done @!p0 $0x0  }
0x91: {  	[sflag:s0] =	ssyncadd.s32 @!p0 s1  }
0x92: {  	[bflag:$0x3] =	sbarrier.arrive $0xFFFF  }
0x93: {  	_ =	shalt  }

</sc_bundles>
